<compile_context>
chip_gen: v7x
topology: tpu7x:2x2x1
jax: 0.10.2.dev20260603
libtpu: 0.0.44.dev20260713+nightly
codegen_flags: <defaults>
</compile_context>

<pallas_src>
import functools

import jax
import jax.numpy as jnp
from jax import lax
from jax.experimental import pallas as pl
from jax.experimental.pallas import tpu as pltpu
from jax.experimental.pallas import tpu_sc as plsc

_B, _T, _D, _F = 8, 2048, 512, 2048
_TS = 256
_CK = 512
_NSC = 2
_NTEC = 16
_GCH = 64


def _fused_body(cc_ref, x_ref, w1_ref, b1_ref, w2_ref, b2_ref, gm_ref,
                bt_ref, o_ref, bidsg_ref, seg_s, cnt_s):
    cc = cc_ref[0]
    T = cc.shape[0]
    D = x_ref.shape[2]
    v = cc
    k = 1
    while k < T:
        z = jnp.zeros((k, 1), jnp.int32)
        v = v + jnp.concatenate([z, v[:-k]], axis=0)
        k *= 2
    bids = v - v[0:1]
    b = pl.program_id(0)
    bidsg_ref[0] = bids + b * T
    nseg = bids[T - 1, 0] + 1

    x = x_ref[0]
    xh = x.astype(jnp.bfloat16)
    ones_col = jnp.ones((_CK, 1), jnp.bfloat16)
    slot_iota = lax.broadcasted_iota(jnp.int32, (_CK, _TS), 1)
    cdims = (((0,), (0,)), ((), ()))

    for t in range(T // _TS):
        @pl.when(t * _TS < nseg)
        def _():
            seg_s[...] = jnp.zeros((_TS, D), jnp.float32)
            cnt_s[...] = jnp.zeros((_TS, 1), jnp.float32)
            for c in range(T // _CK):
                lo_id = bids[c * _CK, 0]
                hi_id = bids[c * _CK + _CK - 1, 0]
                @pl.when((hi_id >= t * _TS) & (lo_id < (t + 1) * _TS))
                def _():
                    bc = bids[c * _CK:(c + 1) * _CK]
                    oneh = (bc == slot_iota + t * _TS).astype(jnp.bfloat16)
                    cnt_s[...] += lax.dot_general(
                        oneh, ones_col, cdims,
                        preferred_element_type=jnp.float32)
                    seg_s[...] += lax.dot_general(
                        oneh, xh[c * _CK:(c + 1) * _CK], cdims,
                        preferred_element_type=jnp.float32)
            xm = seg_s[...] * (1.0 / jnp.maximum(cnt_s[...], 1.0))
            mh = xm.astype(jnp.bfloat16)
            p = jnp.dot(mh, w1_ref[...], preferred_element_type=jnp.float32)
            h1 = jnp.maximum(p + b1_ref[...], 0.0).astype(jnp.bfloat16)
            q = jnp.dot(h1, w2_ref[...], preferred_element_type=jnp.float32)
            acc = xm + q + b2_ref[...]
            mu = jnp.mean(acc, axis=-1, keepdims=True)
            d = acc - mu
            var = jnp.mean(d * d, axis=-1, keepdims=True)
            o_ref[0, pl.ds(t * _TS, _TS)] = (
                gm_ref[...] * d * lax.rsqrt(var + 1e-3) + bt_ref[...])


def _decompress_body(table_hbm, idxg_hbm, out_hbm, idx_v, rows_v, sem):
    c = lax.axis_index("c")
    w = lax.axis_index("s")
    wid = w * _NSC + c
    n_chunks = idxg_hbm.shape[0] // _GCH // (_NSC * _NTEC)
    for j in range(n_chunks):
        base = (wid * n_chunks + j) * _GCH
        pltpu.sync_copy(idxg_hbm.at[pl.ds(base, _GCH)], idx_v)
        pltpu.async_copy(table_hbm.at[idx_v], rows_v, sem).wait()
        pltpu.sync_copy(rows_v, out_hbm.at[pl.ds(base, _GCH)])


def kernel(hidden_states, chord_changes, W1, b1, W2, b2, gamma, beta):
    B, T, D = hidden_states.shape
    F = W1.shape[1]
    cc3 = chord_changes.reshape(B, T, 1)

    w1b = W1.astype(jnp.bfloat16)
    w2b = W2.astype(jnp.bfloat16)
    b1r = b1.reshape(1, F)
    b2r = b2.reshape(1, D)
    gmr = gamma.reshape(1, D)
    btr = beta.reshape(1, D)

    def compress_ffn(x_half, cc_half):
        Bh = x_half.shape[0]
        return pl.pallas_call(
            _fused_body,
            grid=(Bh,),
            in_specs=[
                pl.BlockSpec((1, T, 1), lambda b: (b, 0, 0)),
                pl.BlockSpec((1, T, D), lambda b: (b, 0, 0)),
                pl.BlockSpec((D, F), lambda b: (0, 0)),
                pl.BlockSpec((1, F), lambda b: (0, 0)),
                pl.BlockSpec((F, D), lambda b: (0, 0)),
                pl.BlockSpec((1, D), lambda b: (0, 0)),
                pl.BlockSpec((1, D), lambda b: (0, 0)),
                pl.BlockSpec((1, D), lambda b: (0, 0)),
            ],
            out_specs=[pl.BlockSpec((1, T, D), lambda b: (b, 0, 0)),
                       pl.BlockSpec((1, T, 1), lambda b: (b, 0, 0))],
            out_shape=[jax.ShapeDtypeStruct((Bh, T, D), jnp.float32),
                       jax.ShapeDtypeStruct((Bh, T, 1), jnp.int32)],
            scratch_shapes=[pltpu.VMEM((_TS, D), jnp.float32),
                            pltpu.VMEM((_TS, 1), jnp.float32)],
        )(cc_half, x_half, w1b, b1r, w2b, b2r, gmr, btr)

    mesh = plsc.VectorSubcoreMesh(core_axis_name="c", subcore_axis_name="s")

    def decompress(seg_half, bidsg_half):
        n = bidsg_half.shape[0] * bidsg_half.shape[1]
        dec = functools.partial(
            pl.kernel,
            out_type=jax.ShapeDtypeStruct((n, D), jnp.float32),
            mesh=mesh,
            scratch_types=[
                pltpu.VMEM((_GCH,), jnp.int32),
                pltpu.VMEM((_GCH, D), jnp.float32),
                pltpu.SemaphoreType.DMA,
            ],
        )(_decompress_body)
        return dec(seg_half.reshape(n, D), bidsg_half.reshape(n))

    seg, bg = compress_ffn(hidden_states, cc3)
    return decompress(seg, bg).reshape(B, T, D)

# --- scband reference (transcript-rebuilt; emitter-appended) ---
"""Pipeline reference for scband-chord-model-81106162418459 (READ-ONLY COPY).

The authoritative reference and input builder live on the scoring server;
editing this copy changes nothing except your own understanding.
"""

import jax, jax.numpy as jnp
import numpy as np

B, T, D, F = 8, 2048, 512, 2048


def setup_inputs(seed: int = 0):
    key = jax.random.key(seed)
    k1, k2, k3, k4 = jax.random.split(key, 4)
    hidden_states = jax.random.normal(k1, (B, T, D), dtype=jnp.float32)
    chord_changes = jax.random.randint(k2, (B, T), 0, 2, dtype=jnp.int32)
    W1 = jax.random.normal(k3, (D, F), dtype=jnp.float32) * 0.02
    b1 = jnp.zeros((F,), dtype=jnp.float32)
    W2 = jax.random.normal(k4, (F, D), dtype=jnp.float32) * 0.02
    b2 = jnp.zeros((D,), dtype=jnp.float32)
    gamma = jnp.ones((D,), dtype=jnp.float32)
    beta = jnp.zeros((D,), dtype=jnp.float32)
    return {"hidden_states": hidden_states, "chord_changes": chord_changes,
            "W1": W1, "b1": b1, "W2": W2, "b2": b2, "gamma": gamma, "beta": beta}


def _compute_block_ids(chord_changes):
    # tf.cumsum over time, then per-row: if first id != 0, subtract 1
    bids = jnp.cumsum(chord_changes.astype(jnp.int32), axis=1)
    first = bids[:, :1]
    bids = jnp.where(first == 0, bids, bids - 1)
    return bids


def _compress_decompress_row(h_row, bid_row):
    # tf.math.segment_mean per row, padded to max blocks, then tf.gather decompression.
    # Padding length does not affect the decompressed result, so we use num_segments=T.
    seg_sum = jax.ops.segment_sum(h_row, bid_row, num_segments=T)
    cnt = jax.ops.segment_sum(jnp.ones((T,), jnp.float32), bid_row, num_segments=T)
    seg_mean = seg_sum / jnp.maximum(cnt, 1.0)[:, None]
    return jnp.take(seg_mean, bid_row, axis=0)


def _feed_forward_ln(x, W1, b1, W2, b2, gamma, beta):
    # FeedForward: conv1d(k=1, relu) -> conv1d(k=1) -> residual -> LayerNorm (keras eps=1e-3)
    h = jax.nn.relu(jnp.einsum('btd,df->btf', x, W1) + b1)
    h = jnp.einsum('btf,fd->btd', h, W2) + b2
    h = h + x
    mu = jnp.mean(h, axis=-1, keepdims=True)
    var = jnp.var(h, axis=-1, keepdims=True)
    return gamma * (h - mu) / jnp.sqrt(var + 1e-3) + beta


def reference(hidden_states, chord_changes, W1, b1, W2, b2, gamma, beta):
    block_ids = _compute_block_ids(chord_changes)
    decompressed = jax.vmap(_compress_decompress_row)(hidden_states, block_ids)
    out = _feed_forward_ln(decompressed, W1, b1, W2, b2, gamma, beta)
    return out

if __name__ == "__main__":
    import jax
    _d = setup_inputs()
    print(jax.jit(kernel)(*tuple(_d.values())))

</pallas_src>

<mosaic_0001>
#map = affine_map<(d0, d1) -> (0, 0)>
#map1 = affine_map<(d0, d1) -> (0)>
module attributes {stable_mosaic.version = 14 : i64} {
  func.func @_decompress_body(%arg0: i32, %arg1: i32, %arg2: memref<16384x512xf32, #tpu.memory_space<hbm>>, %arg3: memref<16384xi32, #tpu.memory_space<hbm>>, %arg4: memref<16384x512xf32, #tpu.memory_space<hbm>>, %arg5: memref<64xi32, #tpu.memory_space<vmem>>, %arg6: memref<64x512xf32, #tpu.memory_space<vmem>>, %arg7: memref<!tpu.dma_semaphore, #tpu.memory_space<semaphore_mem>>) attributes {dimension_semantics = [#tpu.dimension_semantics<core_parallel>, #tpu.dimension_semantics<subcore_parallel>], iteration_bounds = array<i64: 2, 16>, scalar_prefetch = 0 : i64, scratch_operands = 3 : i64, tpu.core_type = #tpu.core_type<sc_vector_subcore>, window_params = [{transform_indices = #map}, {transform_indices = #map1}, {transform_indices = #map}]} {
    %mul3A = arith.constant 2 : i32
    %mul3A_0 = arith.muli %arg1, %mul3A : i32
    %add3A = arith.addi %mul3A_0, %arg0 : i32
    %mul3A_1 = arith.constant 8 : i32
    %mul3A_2 = arith.muli %add3A, %mul3A_1 : i32
    %add3A_3 = arith.constant 0 : i32
    %add3A_4 = arith.addi %mul3A_2, %add3A_3 : i32
    %mul3A_5 = arith.constant 64 : i32
    %mul3A_6 = arith.muli %add3A_4, %mul3A_5 : i32
    "tpu.region"() ({
      %run_scoped3A = tpu.sem_alloc : memref<!tpu.dma_semaphore, #tpu.memory_space<semaphore_mem>>
      %dma_start3A_95 = tpu.memref_slice %arg3[%mul3A_6] : memref<16384xi32, #tpu.memory_space<hbm>> -> memref<64xi32, #tpu.memory_space<hbm>>
      %dma_start3A_96 = tpu.memref_slice %arg3[%mul3A_6] : memref<16384xi32, #tpu.memory_space<hbm>> -> memref<64xi32, #tpu.memory_space<hbm>>
      tpu.enqueue_dma source(%dma_start3A_96 : memref<64xi32, #tpu.memory_space<hbm>>) target(%arg5 : memref<64xi32, #tpu.memory_space<vmem>>) target_semaphore(%run_scoped3A : memref<!tpu.dma_semaphore, #tpu.memory_space<semaphore_mem>>)
      %dma_wait3A_97 = tpu.memref_slice %arg3[%mul3A_6] : memref<16384xi32, #tpu.memory_space<hbm>> -> memref<64xi32, #tpu.memory_space<hbm>>
      %dma_wait3A_98 = tpu.memref_slice %arg3[%mul3A_6] : memref<16384xi32, #tpu.memory_space<hbm>> -> memref<64xi32, #tpu.memory_space<hbm>>
      tpu.wait_dma2 semaphore(%run_scoped3A : memref<!tpu.dma_semaphore, #tpu.memory_space<semaphore_mem>>) src(%dma_wait3A_98 : memref<64xi32, #tpu.memory_space<hbm>>) dst(%arg5 : memref<64xi32, #tpu.memory_space<vmem>>)
      tpu.yield
    }) : () -> ()
    %dma_start3A = arith.constant 0 : i32
    %dma_start3A_7 = arith.constant 0 : i32
    %dma_start3A_8 = tpu.memref_slice %arg2[%dma_start3A, %dma_start3A_7] : memref<16384x512xf32, #tpu.memory_space<hbm>> -> memref<16384x512xf32, #tpu.memory_space<hbm>>
    tpu.enqueue_indirect_dma source(%dma_start3A_8 : memref<16384x512xf32, #tpu.memory_space<hbm>>) target(%arg6 : memref<64x512xf32, #tpu.memory_space<vmem>>) offsets(%arg5 : memref<64xi32, #tpu.memory_space<vmem>>) semaphore(%arg7 : memref<!tpu.dma_semaphore, #tpu.memory_space<semaphore_mem>>)
    %dma_wait3A = arith.constant 0 : i32
    %dma_wait3A_9 = arith.constant 0 : i32
    %dma_wait3A_10 = tpu.memref_slice %arg2[%dma_wait3A, %dma_wait3A_9] : memref<16384x512xf32, #tpu.memory_space<hbm>> -> memref<16384x512xf32, #tpu.memory_space<hbm>>
    tpu.wait_indirect_dma semaphore(%arg7 : memref<!tpu.dma_semaphore, #tpu.memory_space<semaphore_mem>>) src(%dma_wait3A_10 : memref<16384x512xf32, #tpu.memory_space<hbm>>) dst(%arg6 : memref<64x512xf32, #tpu.memory_space<vmem>>)
    "tpu.region"() ({
      %run_scoped3A = tpu.sem_alloc : memref<!tpu.dma_semaphore, #tpu.memory_space<semaphore_mem>>
      %dma_start3A_95 = arith.constant 0 : i32
      %dma_start3A_96 = tpu.memref_slice %arg4[%mul3A_6, %dma_start3A_95] : memref<16384x512xf32, #tpu.memory_space<hbm>> -> memref<64x512xf32, #tpu.memory_space<hbm>>
      %dma_start3A_97 = arith.constant 0 : i32
      %dma_start3A_98 = tpu.memref_slice %arg4[%mul3A_6, %dma_start3A_97] : memref<16384x512xf32, #tpu.memory_space<hbm>> -> memref<64x512xf32, #tpu.memory_space<hbm>>
      tpu.enqueue_dma source(%arg6 : memref<64x512xf32, #tpu.memory_space<vmem>>) target(%dma_start3A_98 : memref<64x512xf32, #tpu.memory_space<hbm>>) target_semaphore(%run_scoped3A : memref<!tpu.dma_semaphore, #tpu.memory_space<semaphore_mem>>)
      %dma_wait3A_99 = arith.constant 0 : i32
      %dma_wait3A_100 = tpu.memref_slice %arg4[%mul3A_6, %dma_wait3A_99] : memref<16384x512xf32, #tpu.memory_space<hbm>> -> memref<64x512xf32, #tpu.memory_space<hbm>>
      %dma_wait3A_101 = arith.constant 0 : i32
      %dma_wait3A_102 = tpu.memref_slice %arg4[%mul3A_6, %dma_wait3A_101] : memref<16384x512xf32, #tpu.memory_space<hbm>> -> memref<64x512xf32, #tpu.memory_space<hbm>>
      tpu.wait_dma2 semaphore(%run_scoped3A : memref<!tpu.dma_semaphore, #tpu.memory_space<semaphore_mem>>) src(%arg6 : memref<64x512xf32, #tpu.memory_space<vmem>>) dst(%dma_wait3A_102 : memref<64x512xf32, #tpu.memory_space<hbm>>)
      tpu.yield
    }) : () -> ()
    %mul3A_11 = arith.constant 8 : i32
    %mul3A_12 = arith.muli %add3A, %mul3A_11 : i32
    %add3A_13 = arith.constant 1 : i32
    %add3A_14 = arith.addi %mul3A_12, %add3A_13 : i32
    %mul3A_15 = arith.constant 64 : i32
    %mul3A_16 = arith.muli %add3A_14, %mul3A_15 : i32
    "tpu.region"() ({
      %run_scoped3A = tpu.sem_alloc : memref<!tpu.dma_semaphore, #tpu.memory_space<semaphore_mem>>
      %dma_start3A_95 = tpu.memref_slice %arg3[%mul3A_16] : memref<16384xi32, #tpu.memory_space<hbm>> -> memref<64xi32, #tpu.memory_space<hbm>>
      %dma_start3A_96 = tpu.memref_slice %arg3[%mul3A_16] : memref<16384xi32, #tpu.memory_space<hbm>> -> memref<64xi32, #tpu.memory_space<hbm>>
      tpu.enqueue_dma source(%dma_start3A_96 : memref<64xi32, #tpu.memory_space<hbm>>) target(%arg5 : memref<64xi32, #tpu.memory_space<vmem>>) target_semaphore(%run_scoped3A : memref<!tpu.dma_semaphore, #tpu.memory_space<semaphore_mem>>)
      %dma_wait3A_97 = tpu.memref_slice %arg3[%mul3A_16] : memref<16384xi32, #tpu.memory_space<hbm>> -> memref<64xi32, #tpu.memory_space<hbm>>
      %dma_wait3A_98 = tpu.memref_slice %arg3[%mul3A_16] : memref<16384xi32, #tpu.memory_space<hbm>> -> memref<64xi32, #tpu.memory_space<hbm>>
      tpu.wait_dma2 semaphore(%run_scoped3A : memref<!tpu.dma_semaphore, #tpu.memory_space<semaphore_mem>>) src(%dma_wait3A_98 : memref<64xi32, #tpu.memory_space<hbm>>) dst(%arg5 : memref<64xi32, #tpu.memory_space<vmem>>)
      tpu.yield
    }) : () -> ()
    %dma_start3A_17 = arith.constant 0 : i32
    %dma_start3A_18 = arith.constant 0 : i32
    %dma_start3A_19 = tpu.memref_slice %arg2[%dma_start3A_17, %dma_start3A_18] : memref<16384x512xf32, #tpu.memory_space<hbm>> -> memref<16384x512xf32, #tpu.memory_space<hbm>>
    tpu.enqueue_indirect_dma source(%dma_start3A_19 : memref<16384x512xf32, #tpu.memory_space<hbm>>) target(%arg6 : memref<64x512xf32, #tpu.memory_space<vmem>>) offsets(%arg5 : memref<64xi32, #tpu.memory_space<vmem>>) semaphore(%arg7 : memref<!tpu.dma_semaphore, #tpu.memory_space<semaphore_mem>>)
    %dma_wait3A_20 = arith.constant 0 : i32
    %dma_wait3A_21 = arith.constant 0 : i32
    %dma_wait3A_22 = tpu.memref_slice %arg2[%dma_wait3A_20, %dma_wait3A_21] : memref<16384x512xf32, #tpu.memory_space<hbm>> -> memref<16384x512xf32, #tpu.memory_space<hbm>>
    tpu.wait_indirect_dma semaphore(%arg7 : memref<!tpu.dma_semaphore, #tpu.memory_space<semaphore_mem>>) src(%dma_wait3A_22 : memref<16384x512xf32, #tpu.memory_space<hbm>>) dst(%arg6 : memref<64x512xf32, #tpu.memory_space<vmem>>)
    "tpu.region"() ({
      %run_scoped3A = tpu.sem_alloc : memref<!tpu.dma_semaphore, #tpu.memory_space<semaphore_mem>>
      %dma_start3A_95 = arith.constant 0 : i32
      %dma_start3A_96 = tpu.memref_slice %arg4[%mul3A_16, %dma_start3A_95] : memref<16384x512xf32, #tpu.memory_space<hbm>> -> memref<64x512xf32, #tpu.memory_space<hbm>>
      %dma_start3A_97 = arith.constant 0 : i32
      %dma_start3A_98 = tpu.memref_slice %arg4[%mul3A_16, %dma_start3A_97] : memref<16384x512xf32, #tpu.memory_space<hbm>> -> memref<64x512xf32, #tpu.memory_space<hbm>>
      tpu.enqueue_dma source(%arg6 : memref<64x512xf32, #tpu.memory_space<vmem>>) target(%dma_start3A_98 : memref<64x512xf32, #tpu.memory_space<hbm>>) target_semaphore(%run_scoped3A : memref<!tpu.dma_semaphore, #tpu.memory_space<semaphore_mem>>)
      %dma_wait3A_99 = arith.constant 0 : i32
      %dma_wait3A_100 = tpu.memref_slice %arg4[%mul3A_16, %dma_wait3A_99] : memref<16384x512xf32, #tpu.memory_space<hbm>> -> memref<64x512xf32, #tpu.memory_space<hbm>>
      %dma_wait3A_101 = arith.constant 0 : i32
      %dma_wait3A_102 = tpu.memref_slice %arg4[%mul3A_16, %dma_wait3A_101] : memref<16384x512xf32, #tpu.memory_space<hbm>> -> memref<64x512xf32, #tpu.memory_space<hbm>>
      tpu.wait_dma2 semaphore(%run_scoped3A : memref<!tpu.dma_semaphore, #tpu.memory_space<semaphore_mem>>) src(%arg6 : memref<64x512xf32, #tpu.memory_space<vmem>>) dst(%dma_wait3A_102 : memref<64x512xf32, #tpu.memory_space<hbm>>)
      tpu.yield
    }) : () -> ()
    %mul3A_23 = arith.constant 8 : i32
    %mul3A_24 = arith.muli %add3A, %mul3A_23 : i32
    %add3A_25 = arith.constant 2 : i32
    %add3A_26 = arith.addi %mul3A_24, %add3A_25 : i32
    %mul3A_27 = arith.constant 64 : i32
    %mul3A_28 = arith.muli %add3A_26, %mul3A_27 : i32
    "tpu.region"() ({
      %run_scoped3A = tpu.sem_alloc : memref<!tpu.dma_semaphore, #tpu.memory_space<semaphore_mem>>
      %dma_start3A_95 = tpu.memref_slice %arg3[%mul3A_28] : memref<16384xi32, #tpu.memory_space<hbm>> -> memref<64xi32, #tpu.memory_space<hbm>>
      %dma_start3A_96 = tpu.memref_slice %arg3[%mul3A_28] : memref<16384xi32, #tpu.memory_space<hbm>> -> memref<64xi32, #tpu.memory_space<hbm>>
      tpu.enqueue_dma source(%dma_start3A_96 : memref<64xi32, #tpu.memory_space<hbm>>) target(%arg5 : memref<64xi32, #tpu.memory_space<vmem>>) target_semaphore(%run_scoped3A : memref<!tpu.dma_semaphore, #tpu.memory_space<semaphore_mem>>)
      %dma_wait3A_97 = tpu.memref_slice %arg3[%mul3A_28] : memref<16384xi32, #tpu.memory_space<hbm>> -> memref<64xi32, #tpu.memory_space<hbm>>
      %dma_wait3A_98 = tpu.memref_slice %arg3[%mul3A_28] : memref<16384xi32, #tpu.memory_space<hbm>> -> memref<64xi32, #tpu.memory_space<hbm>>
      tpu.wait_dma2 semaphore(%run_scoped3A : memref<!tpu.dma_semaphore, #tpu.memory_space<semaphore_mem>>) src(%dma_wait3A_98 : memref<64xi32, #tpu.memory_space<hbm>>) dst(%arg5 : memref<64xi32, #tpu.memory_space<vmem>>)
      tpu.yield
    }) : () -> ()
    %dma_start3A_29 = arith.constant 0 : i32
    %dma_start3A_30 = arith.constant 0 : i32
    %dma_start3A_31 = tpu.memref_slice %arg2[%dma_start3A_29, %dma_start3A_30] : memref<16384x512xf32, #tpu.memory_space<hbm>> -> memref<16384x512xf32, #tpu.memory_space<hbm>>
    tpu.enqueue_indirect_dma source(%dma_start3A_31 : memref<16384x512xf32, #tpu.memory_space<hbm>>) target(%arg6 : memref<64x512xf32, #tpu.memory_space<vmem>>) offsets(%arg5 : memref<64xi32, #tpu.memory_space<vmem>>) semaphore(%arg7 : memref<!tpu.dma_semaphore, #tpu.memory_space<semaphore_mem>>)
    %dma_wait3A_32 = arith.constant 0 : i32
    %dma_wait3A_33 = arith.constant 0 : i32
    %dma_wait3A_34 = tpu.memref_slice %arg2[%dma_wait3A_32, %dma_wait3A_33] : memref<16384x512xf32, #tpu.memory_space<hbm>> -> memref<16384x512xf32, #tpu.memory_space<hbm>>
    tpu.wait_indirect_dma semaphore(%arg7 : memref<!tpu.dma_semaphore, #tpu.memory_space<semaphore_mem>>) src(%dma_wait3A_34 : memref<16384x512xf32, #tpu.memory_space<hbm>>) dst(%arg6 : memref<64x512xf32, #tpu.memory_space<vmem>>)
    "tpu.region"() ({
      %run_scoped3A = tpu.sem_alloc : memref<!tpu.dma_semaphore, #tpu.memory_space<semaphore_mem>>
      %dma_start3A_95 = arith.constant 0 : i32
      %dma_start3A_96 = tpu.memref_slice %arg4[%mul3A_28, %dma_start3A_95] : memref<16384x512xf32, #tpu.memory_space<hbm>> -> memref<64x512xf32, #tpu.memory_space<hbm>>
      %dma_start3A_97 = arith.constant 0 : i32
      %dma_start3A_98 = tpu.memref_slice %arg4[%mul3A_28, %dma_start3A_97] : memref<16384x512xf32, #tpu.memory_space<hbm>> -> memref<64x512xf32, #tpu.memory_space<hbm>>
      tpu.enqueue_dma source(%arg6 : memref<64x512xf32, #tpu.memory_space<vmem>>) target(%dma_start3A_98 : memref<64x512xf32, #tpu.memory_space<hbm>>) target_semaphore(%run_scoped3A : memref<!tpu.dma_semaphore, #tpu.memory_space<semaphore_mem>>)
      %dma_wait3A_99 = arith.constant 0 : i32
      %dma_wait3A_100 = tpu.memref_slice %arg4[%mul3A_28, %dma_wait3A_99] : memref<16384x512xf32, #tpu.memory_space<hbm>> -> memref<64x512xf32, #tpu.memory_space<hbm>>
      %dma_wait3A_101 = arith.constant 0 : i32
      %dma_wait3A_102 = tpu.memref_slice %arg4[%mul3A_28, %dma_wait3A_101] : memref<16384x512xf32, #tpu.memory_space<hbm>> -> memref<64x512xf32, #tpu.memory_space<hbm>>
      tpu.wait_dma2 semaphore(%run_scoped3A : memref<!tpu.dma_semaphore, #tpu.memory_space<semaphore_mem>>) src(%arg6 : memref<64x512xf32, #tpu.memory_space<vmem>>) dst(%dma_wait3A_102 : memref<64x512xf32, #tpu.memory_space<hbm>>)
      tpu.yield
    }) : () -> ()
    %mul3A_35 = arith.constant 8 : i32
    %mul3A_36 = arith.muli %add3A, %mul3A_35 : i32
    %add3A_37 = arith.constant 3 : i32
    %add3A_38 = arith.addi %mul3A_36, %add3A_37 : i32
    %mul3A_39 = arith.constant 64 : i32
    %mul3A_40 = arith.muli %add3A_38, %mul3A_39 : i32
    "tpu.region"() ({
      %run_scoped3A = tpu.sem_alloc : memref<!tpu.dma_semaphore, #tpu.memory_space<semaphore_mem>>
      %dma_start3A_95 = tpu.memref_slice %arg3[%mul3A_40] : memref<16384xi32, #tpu.memory_space<hbm>> -> memref<64xi32, #tpu.memory_space<hbm>>
      %dma_start3A_96 = tpu.memref_slice %arg3[%mul3A_40] : memref<16384xi32, #tpu.memory_space<hbm>> -> memref<64xi32, #tpu.memory_space<hbm>>
      tpu.enqueue_dma source(%dma_start3A_96 : memref<64xi32, #tpu.memory_space<hbm>>) target(%arg5 : memref<64xi32, #tpu.memory_space<vmem>>) target_semaphore(%run_scoped3A : memref<!tpu.dma_semaphore, #tpu.memory_space<semaphore_mem>>)
      %dma_wait3A_97 = tpu.memref_slice %arg3[%mul3A_40] : memref<16384xi32, #tpu.memory_space<hbm>> -> memref<64xi32, #tpu.memory_space<hbm>>
      %dma_wait3A_98 = tpu.memref_slice %arg3[%mul3A_40] : memref<16384xi32, #tpu.memory_space<hbm>> -> memref<64xi32, #tpu.memory_space<hbm>>
      tpu.wait_dma2 semaphore(%run_scoped3A : memref<!tpu.dma_semaphore, #tpu.memory_space<semaphore_mem>>) src(%dma_wait3A_98 : memref<64xi32, #tpu.memory_space<hbm>>) dst(%arg5 : memref<64xi32, #tpu.memory_space<vmem>>)
      tpu.yield
    }) : () -> ()
    %dma_start3A_41 = arith.constant 0 : i32
    %dma_start3A_42 = arith.constant 0 : i32
    %dma_start3A_43 = tpu.memref_slice %arg2[%dma_start3A_41, %dma_start3A_42] : memref<16384x512xf32, #tpu.memory_space<hbm>> -> memref<16384x512xf32, #tpu.memory_space<hbm>>
    tpu.enqueue_indirect_dma source(%dma_start3A_43 : memref<16384x512xf32, #tpu.memory_space<hbm>>) target(%arg6 : memref<64x512xf32, #tpu.memory_space<vmem>>) offsets(%arg5 : memref<64xi32, #tpu.memory_space<vmem>>) semaphore(%arg7 : memref<!tpu.dma_semaphore, #tpu.memory_space<semaphore_mem>>)
    %dma_wait3A_44 = arith.constant 0 : i32
    %dma_wait3A_45 = arith.constant 0 : i32
    %dma_wait3A_46 = tpu.memref_slice %arg2[%dma_wait3A_44, %dma_wait3A_45] : memref<16384x512xf32, #tpu.memory_space<hbm>> -> memref<16384x512xf32, #tpu.memory_space<hbm>>
    tpu.wait_indirect_dma semaphore(%arg7 : memref<!tpu.dma_semaphore, #tpu.memory_space<semaphore_mem>>) src(%dma_wait3A_46 : memref<16384x512xf32, #tpu.memory_space<hbm>>) dst(%arg6 : memref<64x512xf32, #tpu.memory_space<vmem>>)
    "tpu.region"() ({
      %run_scoped3A = tpu.sem_alloc : memref<!tpu.dma_semaphore, #tpu.memory_space<semaphore_mem>>
      %dma_start3A_95 = arith.constant 0 : i32
      %dma_start3A_96 = tpu.memref_slice %arg4[%mul3A_40, %dma_start3A_95] : memref<16384x512xf32, #tpu.memory_space<hbm>> -> memref<64x512xf32, #tpu.memory_space<hbm>>
      %dma_start3A_97 = arith.constant 0 : i32
      %dma_start3A_98 = tpu.memref_slice %arg4[%mul3A_40, %dma_start3A_97] : memref<16384x512xf32, #tpu.memory_space<hbm>> -> memref<64x512xf32, #tpu.memory_space<hbm>>
      tpu.enqueue_dma source(%arg6 : memref<64x512xf32, #tpu.memory_space<vmem>>) target(%dma_start3A_98 : memref<64x512xf32, #tpu.memory_space<hbm>>) target_semaphore(%run_scoped3A : memref<!tpu.dma_semaphore, #tpu.memory_space<semaphore_mem>>)
      %dma_wait3A_99 = arith.constant 0 : i32
      %dma_wait3A_100 = tpu.memref_slice %arg4[%mul3A_40, %dma_wait3A_99] : memref<16384x512xf32, #tpu.memory_space<hbm>> -> memref<64x512xf32, #tpu.memory_space<hbm>>
      %dma_wait3A_101 = arith.constant 0 : i32
      %dma_wait3A_102 = tpu.memref_slice %arg4[%mul3A_40, %dma_wait3A_101] : memref<16384x512xf32, #tpu.memory_space<hbm>> -> memref<64x512xf32, #tpu.memory_space<hbm>>
      tpu.wait_dma2 semaphore(%run_scoped3A : memref<!tpu.dma_semaphore, #tpu.memory_space<semaphore_mem>>) src(%arg6 : memref<64x512xf32, #tpu.memory_space<vmem>>) dst(%dma_wait3A_102 : memref<64x512xf32, #tpu.memory_space<hbm>>)
      tpu.yield
    }) : () -> ()
    %mul3A_47 = arith.constant 8 : i32
    %mul3A_48 = arith.muli %add3A, %mul3A_47 : i32
    %add3A_49 = arith.constant 4 : i32
    %add3A_50 = arith.addi %mul3A_48, %add3A_49 : i32
    %mul3A_51 = arith.constant 64 : i32
    %mul3A_52 = arith.muli %add3A_50, %mul3A_51 : i32
    "tpu.region"() ({
      %run_scoped3A = tpu.sem_alloc : memref<!tpu.dma_semaphore, #tpu.memory_space<semaphore_mem>>
      %dma_start3A_95 = tpu.memref_slice %arg3[%mul3A_52] : memref<16384xi32, #tpu.memory_space<hbm>> -> memref<64xi32, #tpu.memory_space<hbm>>
      %dma_start3A_96 = tpu.memref_slice %arg3[%mul3A_52] : memref<16384xi32, #tpu.memory_space<hbm>> -> memref<64xi32, #tpu.memory_space<hbm>>
      tpu.enqueue_dma source(%dma_start3A_96 : memref<64xi32, #tpu.memory_space<hbm>>) target(%arg5 : memref<64xi32, #tpu.memory_space<vmem>>) target_semaphore(%run_scoped3A : memref<!tpu.dma_semaphore, #tpu.memory_space<semaphore_mem>>)
      %dma_wait3A_97 = tpu.memref_slice %arg3[%mul3A_52] : memref<16384xi32, #tpu.memory_space<hbm>> -> memref<64xi32, #tpu.memory_space<hbm>>
      %dma_wait3A_98 = tpu.memref_slice %arg3[%mul3A_52] : memref<16384xi32, #tpu.memory_space<hbm>> -> memref<64xi32, #tpu.memory_space<hbm>>
      tpu.wait_dma2 semaphore(%run_scoped3A : memref<!tpu.dma_semaphore, #tpu.memory_space<semaphore_mem>>) src(%dma_wait3A_98 : memref<64xi32, #tpu.memory_space<hbm>>) dst(%arg5 : memref<64xi32, #tpu.memory_space<vmem>>)
      tpu.yield
    }) : () -> ()
    %dma_start3A_53 = arith.constant 0 : i32
    %dma_start3A_54 = arith.constant 0 : i32
    %dma_start3A_55 = tpu.memref_slice %arg2[%dma_start3A_53, %dma_start3A_54] : memref<16384x512xf32, #tpu.memory_space<hbm>> -> memref<16384x512xf32, #tpu.memory_space<hbm>>
    tpu.enqueue_indirect_dma source(%dma_start3A_55 : memref<16384x512xf32, #tpu.memory_space<hbm>>) target(%arg6 : memref<64x512xf32, #tpu.memory_space<vmem>>) offsets(%arg5 : memref<64xi32, #tpu.memory_space<vmem>>) semaphore(%arg7 : memref<!tpu.dma_semaphore, #tpu.memory_space<semaphore_mem>>)
    %dma_wait3A_56 = arith.constant 0 : i32
    %dma_wait3A_57 = arith.constant 0 : i32
    %dma_wait3A_58 = tpu.memref_slice %arg2[%dma_wait3A_56, %dma_wait3A_57] : memref<16384x512xf32, #tpu.memory_space<hbm>> -> memref<16384x512xf32, #tpu.memory_space<hbm>>
    tpu.wait_indirect_dma semaphore(%arg7 : memref<!tpu.dma_semaphore, #tpu.memory_space<semaphore_mem>>) src(%dma_wait3A_58 : memref<16384x512xf32, #tpu.memory_space<hbm>>) dst(%arg6 : memref<64x512xf32, #tpu.memory_space<vmem>>)
    "tpu.region"() ({
      %run_scoped3A = tpu.sem_alloc : memref<!tpu.dma_semaphore, #tpu.memory_space<semaphore_mem>>
      %dma_start3A_95 = arith.constant 0 : i32
      %dma_start3A_96 = tpu.memref_slice %arg4[%mul3A_52, %dma_start3A_95] : memref<16384x512xf32, #tpu.memory_space<hbm>> -> memref<64x512xf32, #tpu.memory_space<hbm>>
      %dma_start3A_97 = arith.constant 0 : i32
      %dma_start3A_98 = tpu.memref_slice %arg4[%mul3A_52, %dma_start3A_97] : memref<16384x512xf32, #tpu.memory_space<hbm>> -> memref<64x512xf32, #tpu.memory_space<hbm>>
      tpu.enqueue_dma source(%arg6 : memref<64x512xf32, #tpu.memory_space<vmem>>) target(%dma_start3A_98 : memref<64x512xf32, #tpu.memory_space<hbm>>) target_semaphore(%run_scoped3A : memref<!tpu.dma_semaphore, #tpu.memory_space<semaphore_mem>>)
      %dma_wait3A_99 = arith.constant 0 : i32
      %dma_wait3A_100 = tpu.memref_slice %arg4[%mul3A_52, %dma_wait3A_99] : memref<16384x512xf32, #tpu.memory_space<hbm>> -> memref<64x512xf32, #tpu.memory_space<hbm>>
      %dma_wait3A_101 = arith.constant 0 : i32
      %dma_wait3A_102 = tpu.memref_slice %arg4[%mul3A_52, %dma_wait3A_101] : memref<16384x512xf32, #tpu.memory_space<hbm>> -> memref<64x512xf32, #tpu.memory_space<hbm>>
      tpu.wait_dma2 semaphore(%run_scoped3A : memref<!tpu.dma_semaphore, #tpu.memory_space<semaphore_mem>>) src(%arg6 : memref<64x512xf32, #tpu.memory_space<vmem>>) dst(%dma_wait3A_102 : memref<64x512xf32, #tpu.memory_space<hbm>>)
      tpu.yield
    }) : () -> ()
    %mul3A_59 = arith.constant 8 : i32
    %mul3A_60 = arith.muli %add3A, %mul3A_59 : i32
    %add3A_61 = arith.constant 5 : i32
    %add3A_62 = arith.addi %mul3A_60, %add3A_61 : i32
    %mul3A_63 = arith.constant 64 : i32
    %mul3A_64 = arith.muli %add3A_62, %mul3A_63 : i32
    "tpu.region"() ({
      %run_scoped3A = tpu.sem_alloc : memref<!tpu.dma_semaphore, #tpu.memory_space<semaphore_mem>>
      %dma_start3A_95 = tpu.memref_slice %arg3[%mul3A_64] : memref<16384xi32, #tpu.memory_space<hbm>> -> memref<64xi32, #tpu.memory_space<hbm>>
      %dma_start3A_96 = tpu.memref_slice %arg3[%mul3A_64] : memref<16384xi32, #tpu.memory_space<hbm>> -> memref<64xi32, #tpu.memory_space<hbm>>
      tpu.enqueue_dma source(%dma_start3A_96 : memref<64xi32, #tpu.memory_space<hbm>>) target(%arg5 : memref<64xi32, #tpu.memory_space<vmem>>) target_semaphore(%run_scoped3A : memref<!tpu.dma_semaphore, #tpu.memory_space<semaphore_mem>>)
      %dma_wait3A_97 = tpu.memref_slice %arg3[%mul3A_64] : memref<16384xi32, #tpu.memory_space<hbm>> -> memref<64xi32, #tpu.memory_space<hbm>>
      %dma_wait3A_98 = tpu.memref_slice %arg3[%mul3A_64] : memref<16384xi32, #tpu.memory_space<hbm>> -> memref<64xi32, #tpu.memory_space<hbm>>
      tpu.wait_dma2 semaphore(%run_scoped3A : memref<!tpu.dma_semaphore, #tpu.memory_space<semaphore_mem>>) src(%dma_wait3A_98 : memref<64xi32, #tpu.memory_space<hbm>>) dst(%arg5 : memref<64xi32, #tpu.memory_space<vmem>>)
      tpu.yield
    }) : () -> ()
    %dma_start3A_65 = arith.constant 0 : i32
    %dma_start3A_66 = arith.constant 0 : i32
    %dma_start3A_67 = tpu.memref_slice %arg2[%dma_start3A_65, %dma_start3A_66] : memref<16384x512xf32, #tpu.memory_space<hbm>> -> memref<16384x512xf32, #tpu.memory_space<hbm>>
    tpu.enqueue_indirect_dma source(%dma_start3A_67 : memref<16384x512xf32, #tpu.memory_space<hbm>>) target(%arg6 : memref<64x512xf32, #tpu.memory_space<vmem>>) offsets(%arg5 : memref<64xi32, #tpu.memory_space<vmem>>) semaphore(%arg7 : memref<!tpu.dma_semaphore, #tpu.memory_space<semaphore_mem>>)
    %dma_wait3A_68 = arith.constant 0 : i32
    %dma_wait3A_69 = arith.constant 0 : i32
    %dma_wait3A_70 = tpu.memref_slice %arg2[%dma_wait3A_68, %dma_wait3A_69] : memref<16384x512xf32, #tpu.memory_space<hbm>> -> memref<16384x512xf32, #tpu.memory_space<hbm>>
    tpu.wait_indirect_dma semaphore(%arg7 : memref<!tpu.dma_semaphore, #tpu.memory_space<semaphore_mem>>) src(%dma_wait3A_70 : memref<16384x512xf32, #tpu.memory_space<hbm>>) dst(%arg6 : memref<64x512xf32, #tpu.memory_space<vmem>>)
    "tpu.region"() ({
      %run_scoped3A = tpu.sem_alloc : memref<!tpu.dma_semaphore, #tpu.memory_space<semaphore_mem>>
      %dma_start3A_95 = arith.constant 0 : i32
      %dma_start3A_96 = tpu.memref_slice %arg4[%mul3A_64, %dma_start3A_95] : memref<16384x512xf32, #tpu.memory_space<hbm>> -> memref<64x512xf32, #tpu.memory_space<hbm>>
      %dma_start3A_97 = arith.constant 0 : i32
      %dma_start3A_98 = tpu.memref_slice %arg4[%mul3A_64, %dma_start3A_97] : memref<16384x512xf32, #tpu.memory_space<hbm>> -> memref<64x512xf32, #tpu.memory_space<hbm>>
      tpu.enqueue_dma source(%arg6 : memref<64x512xf32, #tpu.memory_space<vmem>>) target(%dma_start3A_98 : memref<64x512xf32, #tpu.memory_space<hbm>>) target_semaphore(%run_scoped3A : memref<!tpu.dma_semaphore, #tpu.memory_space<semaphore_mem>>)
      %dma_wait3A_99 = arith.constant 0 : i32
      %dma_wait3A_100 = tpu.memref_slice %arg4[%mul3A_64, %dma_wait3A_99] : memref<16384x512xf32, #tpu.memory_space<hbm>> -> memref<64x512xf32, #tpu.memory_space<hbm>>
      %dma_wait3A_101 = arith.constant 0 : i32
      %dma_wait3A_102 = tpu.memref_slice %arg4[%mul3A_64, %dma_wait3A_101] : memref<16384x512xf32, #tpu.memory_space<hbm>> -> memref<64x512xf32, #tpu.memory_space<hbm>>
      tpu.wait_dma2 semaphore(%run_scoped3A : memref<!tpu.dma_semaphore, #tpu.memory_space<semaphore_mem>>) src(%arg6 : memref<64x512xf32, #tpu.memory_space<vmem>>) dst(%dma_wait3A_102 : memref<64x512xf32, #tpu.memory_space<hbm>>)
      tpu.yield
    }) : () -> ()
    %mul3A_71 = arith.constant 8 : i32
    %mul3A_72 = arith.muli %add3A, %mul3A_71 : i32
    %add3A_73 = arith.constant 6 : i32
    %add3A_74 = arith.addi %mul3A_72, %add3A_73 : i32
    %mul3A_75 = arith.constant 64 : i32
    %mul3A_76 = arith.muli %add3A_74, %mul3A_75 : i32
    "tpu.region"() ({
      %run_scoped3A = tpu.sem_alloc : memref<!tpu.dma_semaphore, #tpu.memory_space<semaphore_mem>>
      %dma_start3A_95 = tpu.memref_slice %arg3[%mul3A_76] : memref<16384xi32, #tpu.memory_space<hbm>> -> memref<64xi32, #tpu.memory_space<hbm>>
      %dma_start3A_96 = tpu.memref_slice %arg3[%mul3A_76] : memref<16384xi32, #tpu.memory_space<hbm>> -> memref<64xi32, #tpu.memory_space<hbm>>
      tpu.enqueue_dma source(%dma_start3A_96 : memref<64xi32, #tpu.memory_space<hbm>>) target(%arg5 : memref<64xi32, #tpu.memory_space<vmem>>) target_semaphore(%run_scoped3A : memref<!tpu.dma_semaphore, #tpu.memory_space<semaphore_mem>>)
      %dma_wait3A_97 = tpu.memref_slice %arg3[%mul3A_76] : memref<16384xi32, #tpu.memory_space<hbm>> -> memref<64xi32, #tpu.memory_space<hbm>>
      %dma_wait3A_98 = tpu.memref_slice %arg3[%mul3A_76] : memref<16384xi32, #tpu.memory_space<hbm>> -> memref<64xi32, #tpu.memory_space<hbm>>
      tpu.wait_dma2 semaphore(%run_scoped3A : memref<!tpu.dma_semaphore, #tpu.memory_space<semaphore_mem>>) src(%dma_wait3A_98 : memref<64xi32, #tpu.memory_space<hbm>>) dst(%arg5 : memref<64xi32, #tpu.memory_space<vmem>>)
      tpu.yield
    }) : () -> ()
    %dma_start3A_77 = arith.constant 0 : i32
    %dma_start3A_78 = arith.constant 0 : i32
    %dma_start3A_79 = tpu.memref_slice %arg2[%dma_start3A_77, %dma_start3A_78] : memref<16384x512xf32, #tpu.memory_space<hbm>> -> memref<16384x512xf32, #tpu.memory_space<hbm>>
    tpu.enqueue_indirect_dma source(%dma_start3A_79 : memref<16384x512xf32, #tpu.memory_space<hbm>>) target(%arg6 : memref<64x512xf32, #tpu.memory_space<vmem>>) offsets(%arg5 : memref<64xi32, #tpu.memory_space<vmem>>) semaphore(%arg7 : memref<!tpu.dma_semaphore, #tpu.memory_space<semaphore_mem>>)
    %dma_wait3A_80 = arith.constant 0 : i32
    %dma_wait3A_81 = arith.constant 0 : i32
    %dma_wait3A_82 = tpu.memref_slice %arg2[%dma_wait3A_80, %dma_wait3A_81] : memref<16384x512xf32, #tpu.memory_space<hbm>> -> memref<16384x512xf32, #tpu.memory_space<hbm>>
    tpu.wait_indirect_dma semaphore(%arg7 : memref<!tpu.dma_semaphore, #tpu.memory_space<semaphore_mem>>) src(%dma_wait3A_82 : memref<16384x512xf32, #tpu.memory_space<hbm>>) dst(%arg6 : memref<64x512xf32, #tpu.memory_space<vmem>>)
    "tpu.region"() ({
      %run_scoped3A = tpu.sem_alloc : memref<!tpu.dma_semaphore, #tpu.memory_space<semaphore_mem>>
      %dma_start3A_95 = arith.constant 0 : i32
      %dma_start3A_96 = tpu.memref_slice %arg4[%mul3A_76, %dma_start3A_95] : memref<16384x512xf32, #tpu.memory_space<hbm>> -> memref<64x512xf32, #tpu.memory_space<hbm>>
      %dma_start3A_97 = arith.constant 0 : i32
      %dma_start3A_98 = tpu.memref_slice %arg4[%mul3A_76, %dma_start3A_97] : memref<16384x512xf32, #tpu.memory_space<hbm>> -> memref<64x512xf32, #tpu.memory_space<hbm>>
      tpu.enqueue_dma source(%arg6 : memref<64x512xf32, #tpu.memory_space<vmem>>) target(%dma_start3A_98 : memref<64x512xf32, #tpu.memory_space<hbm>>) target_semaphore(%run_scoped3A : memref<!tpu.dma_semaphore, #tpu.memory_space<semaphore_mem>>)
      %dma_wait3A_99 = arith.constant 0 : i32
      %dma_wait3A_100 = tpu.memref_slice %arg4[%mul3A_76, %dma_wait3A_99] : memref<16384x512xf32, #tpu.memory_space<hbm>> -> memref<64x512xf32, #tpu.memory_space<hbm>>
      %dma_wait3A_101 = arith.constant 0 : i32
      %dma_wait3A_102 = tpu.memref_slice %arg4[%mul3A_76, %dma_wait3A_101] : memref<16384x512xf32, #tpu.memory_space<hbm>> -> memref<64x512xf32, #tpu.memory_space<hbm>>
      tpu.wait_dma2 semaphore(%run_scoped3A : memref<!tpu.dma_semaphore, #tpu.memory_space<semaphore_mem>>) src(%arg6 : memref<64x512xf32, #tpu.memory_space<vmem>>) dst(%dma_wait3A_102 : memref<64x512xf32, #tpu.memory_space<hbm>>)
      tpu.yield
    }) : () -> ()
    %mul3A_83 = arith.constant 8 : i32
    %mul3A_84 = arith.muli %add3A, %mul3A_83 : i32
    %add3A_85 = arith.constant 7 : i32
    %add3A_86 = arith.addi %mul3A_84, %add3A_85 : i32
    %mul3A_87 = arith.constant 64 : i32
    %mul3A_88 = arith.muli %add3A_86, %mul3A_87 : i32
    "tpu.region"() ({
      %run_scoped3A = tpu.sem_alloc : memref<!tpu.dma_semaphore, #tpu.memory_space<semaphore_mem>>
      %dma_start3A_95 = tpu.memref_slice %arg3[%mul3A_88] : memref<16384xi32, #tpu.memory_space<hbm>> -> memref<64xi32, #tpu.memory_space<hbm>>
      %dma_start3A_96 = tpu.memref_slice %arg3[%mul3A_88] : memref<16384xi32, #tpu.memory_space<hbm>> -> memref<64xi32, #tpu.memory_space<hbm>>
      tpu.enqueue_dma source(%dma_start3A_96 : memref<64xi32, #tpu.memory_space<hbm>>) target(%arg5 : memref<64xi32, #tpu.memory_space<vmem>>) target_semaphore(%run_scoped3A : memref<!tpu.dma_semaphore, #tpu.memory_space<semaphore_mem>>)
      %dma_wait3A_97 = tpu.memref_slice %arg3[%mul3A_88] : memref<16384xi32, #tpu.memory_space<hbm>> -> memref<64xi32, #tpu.memory_space<hbm>>
      %dma_wait3A_98 = tpu.memref_slice %arg3[%mul3A_88] : memref<16384xi32, #tpu.memory_space<hbm>> -> memref<64xi32, #tpu.memory_space<hbm>>
      tpu.wait_dma2 semaphore(%run_scoped3A : memref<!tpu.dma_semaphore, #tpu.memory_space<semaphore_mem>>) src(%dma_wait3A_98 : memref<64xi32, #tpu.memory_space<hbm>>) dst(%arg5 : memref<64xi32, #tpu.memory_space<vmem>>)
      tpu.yield
    }) : () -> ()
    %dma_start3A_89 = arith.constant 0 : i32
    %dma_start3A_90 = arith.constant 0 : i32
    %dma_start3A_91 = tpu.memref_slice %arg2[%dma_start3A_89, %dma_start3A_90] : memref<16384x512xf32, #tpu.memory_space<hbm>> -> memref<16384x512xf32, #tpu.memory_space<hbm>>
    tpu.enqueue_indirect_dma source(%dma_start3A_91 : memref<16384x512xf32, #tpu.memory_space<hbm>>) target(%arg6 : memref<64x512xf32, #tpu.memory_space<vmem>>) offsets(%arg5 : memref<64xi32, #tpu.memory_space<vmem>>) semaphore(%arg7 : memref<!tpu.dma_semaphore, #tpu.memory_space<semaphore_mem>>)
    %dma_wait3A_92 = arith.constant 0 : i32
    %dma_wait3A_93 = arith.constant 0 : i32
    %dma_wait3A_94 = tpu.memref_slice %arg2[%dma_wait3A_92, %dma_wait3A_93] : memref<16384x512xf32, #tpu.memory_space<hbm>> -> memref<16384x512xf32, #tpu.memory_space<hbm>>
    tpu.wait_indirect_dma semaphore(%arg7 : memref<!tpu.dma_semaphore, #tpu.memory_space<semaphore_mem>>) src(%dma_wait3A_94 : memref<16384x512xf32, #tpu.memory_space<hbm>>) dst(%arg6 : memref<64x512xf32, #tpu.memory_space<vmem>>)
    "tpu.region"() ({
      %run_scoped3A = tpu.sem_alloc : memref<!tpu.dma_semaphore, #tpu.memory_space<semaphore_mem>>
      %dma_start3A_95 = arith.constant 0 : i32
      %dma_start3A_96 = tpu.memref_slice %arg4[%mul3A_88, %dma_start3A_95] : memref<16384x512xf32, #tpu.memory_space<hbm>> -> memref<64x512xf32, #tpu.memory_space<hbm>>
      %dma_start3A_97 = arith.constant 0 : i32
      %dma_start3A_98 = tpu.memref_slice %arg4[%mul3A_88, %dma_start3A_97] : memref<16384x512xf32, #tpu.memory_space<hbm>> -> memref<64x512xf32, #tpu.memory_space<hbm>>
      tpu.enqueue_dma source(%arg6 : memref<64x512xf32, #tpu.memory_space<vmem>>) target(%dma_start3A_98 : memref<64x512xf32, #tpu.memory_space<hbm>>) target_semaphore(%run_scoped3A : memref<!tpu.dma_semaphore, #tpu.memory_space<semaphore_mem>>)
      %dma_wait3A_99 = arith.constant 0 : i32
      %dma_wait3A_100 = tpu.memref_slice %arg4[%mul3A_88, %dma_wait3A_99] : memref<16384x512xf32, #tpu.memory_space<hbm>> -> memref<64x512xf32, #tpu.memory_space<hbm>>
      %dma_wait3A_101 = arith.constant 0 : i32
      %dma_wait3A_102 = tpu.memref_slice %arg4[%mul3A_88, %dma_wait3A_101] : memref<16384x512xf32, #tpu.memory_space<hbm>> -> memref<64x512xf32, #tpu.memory_space<hbm>>
      tpu.wait_dma2 semaphore(%run_scoped3A : memref<!tpu.dma_semaphore, #tpu.memory_space<semaphore_mem>>) src(%arg6 : memref<64x512xf32, #tpu.memory_space<vmem>>) dst(%dma_wait3A_102 : memref<64x512xf32, #tpu.memory_space<hbm>>)
      tpu.yield
    }) : () -> ()
    return
  }
}

module attributes {stable_mosaic.version = 14 : i64} {
  func.func @_fused_body(%arg0: i32, %arg1: memref<1x2048x1xi32, #tpu.memory_space<vmem>>, %arg2: memref<1x2048x512xf32, #tpu.memory_space<vmem>>, %arg3: memref<512x2048xbf16, #tpu.memory_space<vmem>>, %arg4: memref<1x2048xf32, #tpu.memory_space<vmem>>, %arg5: memref<2048x512xbf16, #tpu.memory_space<vmem>>, %arg6: memref<1x512xf32, #tpu.memory_space<vmem>>, %arg7: memref<1x512xf32, #tpu.memory_space<vmem>>, %arg8: memref<1x512xf32, #tpu.memory_space<vmem>>, %arg9: memref<1x2048x512xf32, #tpu.memory_space<vmem>>, %arg10: memref<1x2048x1xi32, #tpu.memory_space<vmem>>, %arg11: memref<256x512xf32, #tpu.memory_space<vmem>>, %arg12: memref<256x1xf32, #tpu.memory_space<vmem>>) attributes {dimension_semantics = [#tpu.dimension_semantics<arbitrary>], iteration_bounds = array<i64: 8>, scalar_prefetch = 0 : i64, scratch_operands = 2 : i64, tpu.core_type = #tpu.core_type<tc>, window_params = [{transform_indices = @transform_0, window_bounds = array<i64: 1, 2048, 1>}, {transform_indices = @transform_1, window_bounds = array<i64: 1, 2048, 512>}, {pipeline_mode = #tpu.pipeline_mode<synchronous>, transform_indices = @transform_2, window_bounds = array<i64: 512, 2048>}, {pipeline_mode = #tpu.pipeline_mode<synchronous>, transform_indices = @transform_3, window_bounds = array<i64: 1, 2048>}, {pipeline_mode = #tpu.pipeline_mode<synchronous>, transform_indices = @transform_4, window_bounds = array<i64: 2048, 512>}, {pipeline_mode = #tpu.pipeline_mode<synchronous>, transform_indices = @transform_5, window_bounds = array<i64: 1, 512>}, {pipeline_mode = #tpu.pipeline_mode<synchronous>, transform_indices = @transform_6, window_bounds = array<i64: 1, 512>}, {pipeline_mode = #tpu.pipeline_mode<synchronous>, transform_indices = @transform_7, window_bounds = array<i64: 1, 512>}, {transform_indices = @transform_8, window_bounds = array<i64: 1, 2048, 512>}, {transform_indices = @transform_9, window_bounds = array<i64: 1, 2048, 1>}]} {
    %get3A = arith.constant 0 : index
    %get3A_0 = arith.constant 0 : index
    %get3A_1 = arith.constant 0 : index
    %get3A_2 = vector.load %arg1[%get3A, %get3A_0, %get3A_1] : memref<1x2048x1xi32, #tpu.memory_space<vmem>>, vector<1x2048x1xi32>
    %get3A_3 = vector.shape_cast %get3A_2 : vector<1x2048x1xi32> to vector<2048x1xi32>
    %broadcast_in_dim3A = arith.constant 0 : i32
    %broadcast_in_dim3A_4 = vector.broadcast %broadcast_in_dim3A : i32 to vector<1x1xi32>
    %slice3A = vector.extract_strided_slice %get3A_3 {offsets = [0, 0], sizes = [2047, 1], strides = [1, 1]} : vector<2048x1xi32> to vector<2047x1xi32>
    %concatenate3A = tpu.concatenate %broadcast_in_dim3A_4, %slice3A in 0 : vector<1x1xi32>, vector<2047x1xi32> -> vector<2048x1xi32>
    %add3A = arith.addi %get3A_3, %concatenate3A : vector<2048x1xi32>
    %broadcast_in_dim3A_5 = arith.constant 0 : i32
    %broadcast_in_dim3A_6 = vector.broadcast %broadcast_in_dim3A_5 : i32 to vector<2x1xi32>
    %slice3A_7 = vector.extract_strided_slice %add3A {offsets = [0, 0], sizes = [2046, 1], strides = [1, 1]} : vector<2048x1xi32> to vector<2046x1xi32>
    %concatenate3A_8 = tpu.concatenate %broadcast_in_dim3A_6, %slice3A_7 in 0 : vector<2x1xi32>, vector<2046x1xi32> -> vector<2048x1xi32>
    %add3A_9 = arith.addi %add3A, %concatenate3A_8 : vector<2048x1xi32>
    %broadcast_in_dim3A_10 = arith.constant 0 : i32
    %broadcast_in_dim3A_11 = vector.broadcast %broadcast_in_dim3A_10 : i32 to vector<4x1xi32>
    %slice3A_12 = vector.extract_strided_slice %add3A_9 {offsets = [0, 0], sizes = [2044, 1], strides = [1, 1]} : vector<2048x1xi32> to vector<2044x1xi32>
    %concatenate3A_13 = tpu.concatenate %broadcast_in_dim3A_11, %slice3A_12 in 0 : vector<4x1xi32>, vector<2044x1xi32> -> vector<2048x1xi32>
    %add3A_14 = arith.addi %add3A_9, %concatenate3A_13 : vector<2048x1xi32>
    %broadcast_in_dim3A_15 = arith.constant 0 : i32
    %broadcast_in_dim3A_16 = vector.broadcast %broadcast_in_dim3A_15 : i32 to vector<8x1xi32>
    %slice3A_17 = vector.extract_strided_slice %add3A_14 {offsets = [0, 0], sizes = [2040, 1], strides = [1, 1]} : vector<2048x1xi32> to vector<2040x1xi32>
    %concatenate3A_18 = tpu.concatenate %broadcast_in_dim3A_16, %slice3A_17 in 0 : vector<8x1xi32>, vector<2040x1xi32> -> vector<2048x1xi32>
    %add3A_19 = arith.addi %add3A_14, %concatenate3A_18 : vector<2048x1xi32>
    %broadcast_in_dim3A_20 = arith.constant 0 : i32
    %broadcast_in_dim3A_21 = vector.broadcast %broadcast_in_dim3A_20 : i32 to vector<16x1xi32>
    %slice3A_22 = vector.extract_strided_slice %add3A_19 {offsets = [0, 0], sizes = [2032, 1], strides = [1, 1]} : vector<2048x1xi32> to vector<2032x1xi32>
    %concatenate3A_23 = tpu.concatenate %broadcast_in_dim3A_21, %slice3A_22 in 0 : vector<16x1xi32>, vector<2032x1xi32> -> vector<2048x1xi32>
    %add3A_24 = arith.addi %add3A_19, %concatenate3A_23 : vector<2048x1xi32>
    %broadcast_in_dim3A_25 = arith.constant 0 : i32
    %broadcast_in_dim3A_26 = vector.broadcast %broadcast_in_dim3A_25 : i32 to vector<32x1xi32>
    %slice3A_27 = vector.extract_strided_slice %add3A_24 {offsets = [0, 0], sizes = [2016, 1], strides = [1, 1]} : vector<2048x1xi32> to vector<2016x1xi32>
    %concatenate3A_28 = tpu.concatenate %broadcast_in_dim3A_26, %slice3A_27 in 0 : vector<32x1xi32>, vector<2016x1xi32> -> vector<2048x1xi32>
    %add3A_29 = arith.addi %add3A_24, %concatenate3A_28 : vector<2048x1xi32>
    %broadcast_in_dim3A_30 = arith.constant 0 : i32
    %broadcast_in_dim3A_31 = vector.broadcast %broadcast_in_dim3A_30 : i32 to vector<64x1xi32>
    %slice3A_32 = vector.extract_strided_slice %add3A_29 {offsets = [0, 0], sizes = [1984, 1], strides = [1, 1]} : vector<2048x1xi32> to vector<1984x1xi32>
    %concatenate3A_33 = tpu.concatenate %broadcast_in_dim3A_31, %slice3A_32 in 0 : vector<64x1xi32>, vector<1984x1xi32> -> vector<2048x1xi32>
    %add3A_34 = arith.addi %add3A_29, %concatenate3A_33 : vector<2048x1xi32>
    %broadcast_in_dim3A_35 = arith.constant 0 : i32
    %broadcast_in_dim3A_36 = vector.broadcast %broadcast_in_dim3A_35 : i32 to vector<128x1xi32>
    %slice3A_37 = vector.extract_strided_slice %add3A_34 {offsets = [0, 0], sizes = [1920, 1], strides = [1, 1]} : vector<2048x1xi32> to vector<1920x1xi32>
    %concatenate3A_38 = tpu.concatenate %broadcast_in_dim3A_36, %slice3A_37 in 0 : vector<128x1xi32>, vector<1920x1xi32> -> vector<2048x1xi32>
    %add3A_39 = arith.addi %add3A_34, %concatenate3A_38 : vector<2048x1xi32>
    %broadcast_in_dim3A_40 = arith.constant 0 : i32
    %broadcast_in_dim3A_41 = vector.broadcast %broadcast_in_dim3A_40 : i32 to vector<256x1xi32>
    %slice3A_42 = vector.extract_strided_slice %add3A_39 {offsets = [0, 0], sizes = [1792, 1], strides = [1, 1]} : vector<2048x1xi32> to vector<1792x1xi32>
    %concatenate3A_43 = tpu.concatenate %broadcast_in_dim3A_41, %slice3A_42 in 0 : vector<256x1xi32>, vector<1792x1xi32> -> vector<2048x1xi32>
    %add3A_44 = arith.addi %add3A_39, %concatenate3A_43 : vector<2048x1xi32>
    %broadcast_in_dim3A_45 = arith.constant 0 : i32
    %broadcast_in_dim3A_46 = vector.broadcast %broadcast_in_dim3A_45 : i32 to vector<512x1xi32>
    %slice3A_47 = vector.extract_strided_slice %add3A_44 {offsets = [0, 0], sizes = [1536, 1], strides = [1, 1]} : vector<2048x1xi32> to vector<1536x1xi32>
    %concatenate3A_48 = tpu.concatenate %broadcast_in_dim3A_46, %slice3A_47 in 0 : vector<512x1xi32>, vector<1536x1xi32> -> vector<2048x1xi32>
    %add3A_49 = arith.addi %add3A_44, %concatenate3A_48 : vector<2048x1xi32>
    %broadcast_in_dim3A_50 = arith.constant 0 : i32
    %broadcast_in_dim3A_51 = vector.broadcast %broadcast_in_dim3A_50 : i32 to vector<1024x1xi32>
    %slice3A_52 = vector.extract_strided_slice %add3A_49 {offsets = [0, 0], sizes = [1024, 1], strides = [1, 1]} : vector<2048x1xi32> to vector<1024x1xi32>
    %concatenate3A_53 = tpu.concatenate %broadcast_in_dim3A_51, %slice3A_52 in 0 : vector<1024x1xi32>, vector<1024x1xi32> -> vector<2048x1xi32>
    %add3A_54 = arith.addi %add3A_49, %concatenate3A_53 : vector<2048x1xi32>
    %slice3A_55 = vector.extract_strided_slice %add3A_54 {offsets = [0, 0], sizes = [1, 1], strides = [1, 1]} : vector<2048x1xi32> to vector<1x1xi32>
    %sub3A = vector.broadcast %slice3A_55 : vector<1x1xi32> to vector<2048x1xi32>
    %sub3A_56 = arith.subi %add3A_54, %sub3A : vector<2048x1xi32>
    %mul3A = arith.constant 2048 : i32
    %mul3A_57 = arith.muli %arg0, %mul3A : i32
    %add3A_58 = vector.broadcast %mul3A_57 : i32 to vector<2048x1xi32>
    %add3A_59 = arith.addi %sub3A_56, %add3A_58 : vector<2048x1xi32>
    %swap3A = arith.constant 0 : index
    %swap3A_60 = arith.constant 0 : index
    %swap3A_61 = arith.constant 0 : index
    %swap3A_62 = vector.load %arg10[%swap3A, %swap3A_60, %swap3A_61] : memref<1x2048x1xi32, #tpu.memory_space<vmem>>, vector<1x2048x1xi32>
    %swap3A_63 = vector.shape_cast %swap3A_62 : vector<1x2048x1xi32> to vector<2048x1xi32>
    %swap3A_64 = vector.shape_cast %add3A_59 : vector<2048x1xi32> to vector<1x2048x1xi32>
    tpu.vector_store %arg10[%swap3A, %swap3A_60, %swap3A_61], %swap3A_64 {strides = array<i32>} : memref<1x2048x1xi32, #tpu.memory_space<vmem>>, vector<1x2048x1xi32>,
    %slice3A_65 = vector.extract_strided_slice %sub3A_56 {offsets = [2047, 0], sizes = [1, 1], strides = [1, 1]} : vector<2048x1xi32> to vector<1x1xi32>
    %squeeze3A = vector.extract %slice3A_65[0, 0] : i32 from vector<1x1xi32>
    %add3A_66 = arith.constant 1 : i32
    %add3A_67 = arith.addi %squeeze3A, %add3A_66 : i32
    %get3A_68 = arith.constant 0 : index
    %get3A_69 = arith.constant 0 : index
    %get3A_70 = arith.constant 0 : index
    %get3A_71 = vector.load %arg2[%get3A_68, %get3A_69, %get3A_70] : memref<1x2048x512xf32, #tpu.memory_space<vmem>>, vector<1x2048x512xf32>
    %get3A_72 = vector.shape_cast %get3A_71 : vector<1x2048x512xf32> to vector<2048x512xf32>
    %convert_element_type3A = arith.truncf %get3A_72 : vector<2048x512xf32> to vector<2048x512xbf16>
    %broadcast_in_dim3A_73 = arith.constant 1.000000e+00 : bf16
    %broadcast_in_dim3A_74 = vector.broadcast %broadcast_in_dim3A_73 : bf16 to vector<512x1xbf16>
    %iota3A = tpu.iota {dimensions = array<i32: 1>} : vector<512x256xi32>
    %gt3A = arith.constant 0 : i32
    %gt3A_75 = arith.cmpi sgt, %add3A_67, %gt3A : i32
    %convert_element_type3A_76 = arith.extui %gt3A_75 : i1 to i32
    %cond3A = arith.constant 0 : i32
    %cond3A_77 = arith.cmpi ne, %convert_element_type3A_76, %cond3A : i32
    scf.if %cond3A_77 {
      %broadcast_in_dim3A_113 = arith.constant 0.000000e+00 : f32
      %broadcast_in_dim3A_114 = vector.broadcast %broadcast_in_dim3A_113 : f32 to vector<256x512xf32>
      %swap3A_115 = arith.constant 0 : index
      %swap3A_116 = arith.constant 0 : index
      %swap3A_117 = vector.load %arg11[%swap3A_115, %swap3A_116] : memref<256x512xf32, #tpu.memory_space<vmem>>, vector<256x512xf32>
      tpu.vector_store %arg11[%swap3A_115, %swap3A_116], %broadcast_in_dim3A_114 {strides = array<i32>} : memref<256x512xf32, #tpu.memory_space<vmem>>, vector<256x512xf32>,
      %broadcast_in_dim3A_118 = arith.constant 0.000000e+00 : f32
      %broadcast_in_dim3A_119 = vector.broadcast %broadcast_in_dim3A_118 : f32 to vector<256x1xf32>
      %swap3A_120 = arith.constant 0 : index
      %swap3A_121 = arith.constant 0 : index
      %swap3A_122 = vector.load %arg12[%swap3A_120, %swap3A_121] : memref<256x1xf32, #tpu.memory_space<vmem>>, vector<256x1xf32>
      tpu.vector_store %arg12[%swap3A_120, %swap3A_121], %broadcast_in_dim3A_119 {strides = array<i32>} : memref<256x1xf32, #tpu.memory_space<vmem>>, vector<256x1xf32>,
      %slice3A_123 = vector.extract_strided_slice %sub3A_56 {offsets = [0, 0], sizes = [1, 1], strides = [1, 1]} : vector<2048x1xi32> to vector<1x1xi32>
      %squeeze3A_124 = vector.extract %slice3A_123[0, 0] : i32 from vector<1x1xi32>
      %slice3A_125 = vector.extract_strided_slice %sub3A_56 {offsets = [511, 0], sizes = [1, 1], strides = [1, 1]} : vector<2048x1xi32> to vector<1x1xi32>
      %squeeze3A_126 = vector.extract %slice3A_125[0, 0] : i32 from vector<1x1xi32>
      %ge3A = arith.constant 0 : i32
      %ge3A_127 = arith.cmpi sge, %squeeze3A_126, %ge3A : i32
      %lt3A = arith.constant 256 : i32
      %lt3A_128 = arith.cmpi slt, %squeeze3A_124, %lt3A : i32
      %and3A = arith.andi %ge3A_127, %lt3A_128 : i1
      %convert_element_type3A_129 = arith.extui %and3A : i1 to i32
      %cond3A_130 = arith.constant 0 : i32
      %cond3A_131 = arith.cmpi ne, %convert_element_type3A_129, %cond3A_130 : i32
      scf.if %cond3A_131 {
        %slice3A_240 = vector.extract_strided_slice %sub3A_56 {offsets = [0, 0], sizes = [512, 1], strides = [1, 1]} : vector<2048x1xi32> to vector<512x1xi32>
        %add3A_241 = arith.constant 0 : i32
        %add3A_242 = vector.broadcast %add3A_241 : i32 to vector<512x256xi32>
        %add3A_243 = arith.addi %iota3A, %add3A_242 : vector<512x256xi32>
        %eq3A = vector.broadcast %slice3A_240 : vector<512x1xi32> to vector<512x256xi32>
        %eq3A_244 = arith.cmpi eq, %eq3A, %add3A_243 : vector<512x256xi32>
        %convert_element_type3A_245 = arith.extui %eq3A_244 : vector<512x256xi1> to vector<512x256xi32>
        %convert_element_type3A_246 = arith.sitofp %convert_element_type3A_245 : vector<512x256xi32> to vector<512x256xf32>
        %convert_element_type3A_247 = arith.truncf %convert_element_type3A_246 : vector<512x256xf32> to vector<512x256xbf16>
        %get3A_248 = arith.constant 0 : index
        %get3A_249 = arith.constant 0 : index
        %get3A_250 = vector.load %arg12[%get3A_248, %get3A_249] : memref<256x1xf32, #tpu.memory_space<vmem>>, vector<256x1xf32>
        %dot_general3A_251 = arith.constant dense<0.000000e+00> : vector<256x1xf32>
        %dot_general3A_252 = tpu.matmul %convert_element_type3A_247, %broadcast_in_dim3A_74, %dot_general3A_251 {dimension_numbers = #tpu.dot_dimension_numbers<[0], [0], [1], [1], [0, 1, 1, 1], [], []>, transpose_lhs_hint = false} : vector<512x256xbf16>, vector<512x1xbf16>, vector<256x1xf32> -> vector<256x1xf32>
        %add3A_253 = arith.addf %get3A_250, %dot_general3A_252 : vector<256x1xf32>
        %swap3A_254 = arith.constant 0 : index
        %swap3A_255 = arith.constant 0 : index
        %swap3A_256 = vector.load %arg12[%swap3A_254, %swap3A_255] : memref<256x1xf32, #tpu.memory_space<vmem>>, vector<256x1xf32>
        tpu.vector_store %arg12[%swap3A_254, %swap3A_255], %add3A_253 {strides = array<i32>} : memref<256x1xf32, #tpu.memory_space<vmem>>, vector<256x1xf32>,
        %get3A_257 = arith.constant 0 : index
        %get3A_258 = arith.constant 0 : index
        %get3A_259 = vector.load %arg11[%get3A_257, %get3A_258] : memref<256x512xf32, #tpu.memory_space<vmem>>, vector<256x512xf32>
        %slice3A_260 = vector.extract_strided_slice %convert_element_type3A {offsets = [0, 0], sizes = [512, 512], strides = [1, 1]} : vector<2048x512xbf16> to vector<512x512xbf16>
        %dot_general3A_261 = arith.constant dense<0.000000e+00> : vector<256x512xf32>
        %dot_general3A_262 = tpu.matmul %convert_element_type3A_247, %slice3A_260, %dot_general3A_261 {dimension_numbers = #tpu.dot_dimension_numbers<[0], [0], [1], [1], [0, 1, 1, 1], [], []>, transpose_lhs_hint = false} : vector<512x256xbf16>, vector<512x512xbf16>, vector<256x512xf32> -> vector<256x512xf32>
        %add3A_263 = arith.addf %get3A_259, %dot_general3A_262 : vector<256x512xf32>
        %swap3A_264 = arith.constant 0 : index
        %swap3A_265 = arith.constant 0 : index
        %swap3A_266 = vector.load %arg11[%swap3A_264, %swap3A_265] : memref<256x512xf32, #tpu.memory_space<vmem>>, vector<256x512xf32>
        tpu.vector_store %arg11[%swap3A_264, %swap3A_265], %add3A_263 {strides = array<i32>} : memref<256x512xf32, #tpu.memory_space<vmem>>, vector<256x512xf32>,
      } else {
      }
      %slice3A_132 = vector.extract_strided_slice %sub3A_56 {offsets = [512, 0], sizes = [1, 1], strides = [1, 1]} : vector<2048x1xi32> to vector<1x1xi32>
      %squeeze3A_133 = vector.extract %slice3A_132[0, 0] : i32 from vector<1x1xi32>
      %slice3A_134 = vector.extract_strided_slice %sub3A_56 {offsets = [1023, 0], sizes = [1, 1], strides = [1, 1]} : vector<2048x1xi32> to vector<1x1xi32>
      %squeeze3A_135 = vector.extract %slice3A_134[0, 0] : i32 from vector<1x1xi32>
      %ge3A_136 = arith.constant 0 : i32
      %ge3A_137 = arith.cmpi sge, %squeeze3A_135, %ge3A_136 : i32
      %lt3A_138 = arith.constant 256 : i32
      %lt3A_139 = arith.cmpi slt, %squeeze3A_133, %lt3A_138 : i32
      %and3A_140 = arith.andi %ge3A_137, %lt3A_139 : i1
      %convert_element_type3A_141 = arith.extui %and3A_140 : i1 to i32
      %cond3A_142 = arith.constant 0 : i32
      %cond3A_143 = arith.cmpi ne, %convert_element_type3A_141, %cond3A_142 : i32
      scf.if %cond3A_143 {
        %slice3A_240 = vector.extract_strided_slice %sub3A_56 {offsets = [512, 0], sizes = [512, 1], strides = [1, 1]} : vector<2048x1xi32> to vector<512x1xi32>
        %add3A_241 = arith.constant 0 : i32
        %add3A_242 = vector.broadcast %add3A_241 : i32 to vector<512x256xi32>
        %add3A_243 = arith.addi %iota3A, %add3A_242 : vector<512x256xi32>
        %eq3A = vector.broadcast %slice3A_240 : vector<512x1xi32> to vector<512x256xi32>
        %eq3A_244 = arith.cmpi eq, %eq3A, %add3A_243 : vector<512x256xi32>
        %convert_element_type3A_245 = arith.extui %eq3A_244 : vector<512x256xi1> to vector<512x256xi32>
        %convert_element_type3A_246 = arith.sitofp %convert_element_type3A_245 : vector<512x256xi32> to vector<512x256xf32>
        %convert_element_type3A_247 = arith.truncf %convert_element_type3A_246 : vector<512x256xf32> to vector<512x256xbf16>
        %get3A_248 = arith.constant 0 : index
        %get3A_249 = arith.constant 0 : index
        %get3A_250 = vector.load %arg12[%get3A_248, %get3A_249] : memref<256x1xf32, #tpu.memory_space<vmem>>, vector<256x1xf32>
        %dot_general3A_251 = arith.constant dense<0.000000e+00> : vector<256x1xf32>
        %dot_general3A_252 = tpu.matmul %convert_element_type3A_247, %broadcast_in_dim3A_74, %dot_general3A_251 {dimension_numbers = #tpu.dot_dimension_numbers<[0], [0], [1], [1], [0, 1, 1, 1], [], []>, transpose_lhs_hint = false} : vector<512x256xbf16>, vector<512x1xbf16>, vector<256x1xf32> -> vector<256x1xf32>
        %add3A_253 = arith.addf %get3A_250, %dot_general3A_252 : vector<256x1xf32>
        %swap3A_254 = arith.constant 0 : index
        %swap3A_255 = arith.constant 0 : index
        %swap3A_256 = vector.load %arg12[%swap3A_254, %swap3A_255] : memref<256x1xf32, #tpu.memory_space<vmem>>, vector<256x1xf32>
        tpu.vector_store %arg12[%swap3A_254, %swap3A_255], %add3A_253 {strides = array<i32>} : memref<256x1xf32, #tpu.memory_space<vmem>>, vector<256x1xf32>,
        %get3A_257 = arith.constant 0 : index
        %get3A_258 = arith.constant 0 : index
        %get3A_259 = vector.load %arg11[%get3A_257, %get3A_258] : memref<256x512xf32, #tpu.memory_space<vmem>>, vector<256x512xf32>
        %slice3A_260 = vector.extract_strided_slice %convert_element_type3A {offsets = [512, 0], sizes = [512, 512], strides = [1, 1]} : vector<2048x512xbf16> to vector<512x512xbf16>
        %dot_general3A_261 = arith.constant dense<0.000000e+00> : vector<256x512xf32>
        %dot_general3A_262 = tpu.matmul %convert_element_type3A_247, %slice3A_260, %dot_general3A_261 {dimension_numbers = #tpu.dot_dimension_numbers<[0], [0], [1], [1], [0, 1, 1, 1], [], []>, transpose_lhs_hint = false} : vector<512x256xbf16>, vector<512x512xbf16>, vector<256x512xf32> -> vector<256x512xf32>
        %add3A_263 = arith.addf %get3A_259, %dot_general3A_262 : vector<256x512xf32>
        %swap3A_264 = arith.constant 0 : index
        %swap3A_265 = arith.constant 0 : index
        %swap3A_266 = vector.load %arg11[%swap3A_264, %swap3A_265] : memref<256x512xf32, #tpu.memory_space<vmem>>, vector<256x512xf32>
        tpu.vector_store %arg11[%swap3A_264, %swap3A_265], %add3A_263 {strides = array<i32>} : memref<256x512xf32, #tpu.memory_space<vmem>>, vector<256x512xf32>,
      } else {
      }
      %slice3A_144 = vector.extract_strided_slice %sub3A_56 {offsets = [1024, 0], sizes = [1, 1], strides = [1, 1]} : vector<2048x1xi32> to vector<1x1xi32>
      %squeeze3A_145 = vector.extract %slice3A_144[0, 0] : i32 from vector<1x1xi32>
      %slice3A_146 = vector.extract_strided_slice %sub3A_56 {offsets = [1535, 0], sizes = [1, 1], strides = [1, 1]} : vector<2048x1xi32> to vector<1x1xi32>
      %squeeze3A_147 = vector.extract %slice3A_146[0, 0] : i32 from vector<1x1xi32>
      %ge3A_148 = arith.constant 0 : i32
      %ge3A_149 = arith.cmpi sge, %squeeze3A_147, %ge3A_148 : i32
      %lt3A_150 = arith.constant 256 : i32
      %lt3A_151 = arith.cmpi slt, %squeeze3A_145, %lt3A_150 : i32
      %and3A_152 = arith.andi %ge3A_149, %lt3A_151 : i1
      %convert_element_type3A_153 = arith.extui %and3A_152 : i1 to i32
      %cond3A_154 = arith.constant 0 : i32
      %cond3A_155 = arith.cmpi ne, %convert_element_type3A_153, %cond3A_154 : i32
      scf.if %cond3A_155 {
        %slice3A_240 = vector.extract_strided_slice %sub3A_56 {offsets = [1024, 0], sizes = [512, 1], strides = [1, 1]} : vector<2048x1xi32> to vector<512x1xi32>
        %add3A_241 = arith.constant 0 : i32
        %add3A_242 = vector.broadcast %add3A_241 : i32 to vector<512x256xi32>
        %add3A_243 = arith.addi %iota3A, %add3A_242 : vector<512x256xi32>
        %eq3A = vector.broadcast %slice3A_240 : vector<512x1xi32> to vector<512x256xi32>
        %eq3A_244 = arith.cmpi eq, %eq3A, %add3A_243 : vector<512x256xi32>
        %convert_element_type3A_245 = arith.extui %eq3A_244 : vector<512x256xi1> to vector<512x256xi32>
        %convert_element_type3A_246 = arith.sitofp %convert_element_type3A_245 : vector<512x256xi32> to vector<512x256xf32>
        %convert_element_type3A_247 = arith.truncf %convert_element_type3A_246 : vector<512x256xf32> to vector<512x256xbf16>
        %get3A_248 = arith.constant 0 : index
        %get3A_249 = arith.constant 0 : index
        %get3A_250 = vector.load %arg12[%get3A_248, %get3A_249] : memref<256x1xf32, #tpu.memory_space<vmem>>, vector<256x1xf32>
        %dot_general3A_251 = arith.constant dense<0.000000e+00> : vector<256x1xf32>
        %dot_general3A_252 = tpu.matmul %convert_element_type3A_247, %broadcast_in_dim3A_74, %dot_general3A_251 {dimension_numbers = #tpu.dot_dimension_numbers<[0], [0], [1], [1], [0, 1, 1, 1], [], []>, transpose_lhs_hint = false} : vector<512x256xbf16>, vector<512x1xbf16>, vector<256x1xf32> -> vector<256x1xf32>
        %add3A_253 = arith.addf %get3A_250, %dot_general3A_252 : vector<256x1xf32>
        %swap3A_254 = arith.constant 0 : index
        %swap3A_255 = arith.constant 0 : index
        %swap3A_256 = vector.load %arg12[%swap3A_254, %swap3A_255] : memref<256x1xf32, #tpu.memory_space<vmem>>, vector<256x1xf32>
        tpu.vector_store %arg12[%swap3A_254, %swap3A_255], %add3A_253 {strides = array<i32>} : memref<256x1xf32, #tpu.memory_space<vmem>>, vector<256x1xf32>,
        %get3A_257 = arith.constant 0 : index
        %get3A_258 = arith.constant 0 : index
        %get3A_259 = vector.load %arg11[%get3A_257, %get3A_258] : memref<256x512xf32, #tpu.memory_space<vmem>>, vector<256x512xf32>
        %slice3A_260 = vector.extract_strided_slice %convert_element_type3A {offsets = [1024, 0], sizes = [512, 512], strides = [1, 1]} : vector<2048x512xbf16> to vector<512x512xbf16>
        %dot_general3A_261 = arith.constant dense<0.000000e+00> : vector<256x512xf32>
        %dot_general3A_262 = tpu.matmul %convert_element_type3A_247, %slice3A_260, %dot_general3A_261 {dimension_numbers = #tpu.dot_dimension_numbers<[0], [0], [1], [1], [0, 1, 1, 1], [], []>, transpose_lhs_hint = false} : vector<512x256xbf16>, vector<512x512xbf16>, vector<256x512xf32> -> vector<256x512xf32>
        %add3A_263 = arith.addf %get3A_259, %dot_general3A_262 : vector<256x512xf32>
        %swap3A_264 = arith.constant 0 : index
        %swap3A_265 = arith.constant 0 : index
        %swap3A_266 = vector.load %arg11[%swap3A_264, %swap3A_265] : memref<256x512xf32, #tpu.memory_space<vmem>>, vector<256x512xf32>
        tpu.vector_store %arg11[%swap3A_264, %swap3A_265], %add3A_263 {strides = array<i32>} : memref<256x512xf32, #tpu.memory_space<vmem>>, vector<256x512xf32>,
      } else {
      }
      %slice3A_156 = vector.extract_strided_slice %sub3A_56 {offsets = [1536, 0], sizes = [1, 1], strides = [1, 1]} : vector<2048x1xi32> to vector<1x1xi32>
      %squeeze3A_157 = vector.extract %slice3A_156[0, 0] : i32 from vector<1x1xi32>
      %slice3A_158 = vector.extract_strided_slice %sub3A_56 {offsets = [2047, 0], sizes = [1, 1], strides = [1, 1]} : vector<2048x1xi32> to vector<1x1xi32>
      %squeeze3A_159 = vector.extract %slice3A_158[0, 0] : i32 from vector<1x1xi32>
      %ge3A_160 = arith.constant 0 : i32
      %ge3A_161 = arith.cmpi sge, %squeeze3A_159, %ge3A_160 : i32
      %lt3A_162 = arith.constant 256 : i32
      %lt3A_163 = arith.cmpi slt, %squeeze3A_157, %lt3A_162 : i32
      %and3A_164 = arith.andi %ge3A_161, %lt3A_163 : i1
      %convert_element_type3A_165 = arith.extui %and3A_164 : i1 to i32
      %cond3A_166 = arith.constant 0 : i32
      %cond3A_167 = arith.cmpi ne, %convert_element_type3A_165, %cond3A_166 : i32
      scf.if %cond3A_167 {
        %slice3A_240 = vector.extract_strided_slice %sub3A_56 {offsets = [1536, 0], sizes = [512, 1], strides = [1, 1]} : vector<2048x1xi32> to vector<512x1xi32>
        %add3A_241 = arith.constant 0 : i32
        %add3A_242 = vector.broadcast %add3A_241 : i32 to vector<512x256xi32>
        %add3A_243 = arith.addi %iota3A, %add3A_242 : vector<512x256xi32>
        %eq3A = vector.broadcast %slice3A_240 : vector<512x1xi32> to vector<512x256xi32>
        %eq3A_244 = arith.cmpi eq, %eq3A, %add3A_243 : vector<512x256xi32>
        %convert_element_type3A_245 = arith.extui %eq3A_244 : vector<512x256xi1> to vector<512x256xi32>
        %convert_element_type3A_246 = arith.sitofp %convert_element_type3A_245 : vector<512x256xi32> to vector<512x256xf32>
        %convert_element_type3A_247 = arith.truncf %convert_element_type3A_246 : vector<512x256xf32> to vector<512x256xbf16>
        %get3A_248 = arith.constant 0 : index
        %get3A_249 = arith.constant 0 : index
        %get3A_250 = vector.load %arg12[%get3A_248, %get3A_249] : memref<256x1xf32, #tpu.memory_space<vmem>>, vector<256x1xf32>
        %dot_general3A_251 = arith.constant dense<0.000000e+00> : vector<256x1xf32>
        %dot_general3A_252 = tpu.matmul %convert_element_type3A_247, %broadcast_in_dim3A_74, %dot_general3A_251 {dimension_numbers = #tpu.dot_dimension_numbers<[0], [0], [1], [1], [0, 1, 1, 1], [], []>, transpose_lhs_hint = false} : vector<512x256xbf16>, vector<512x1xbf16>, vector<256x1xf32> -> vector<256x1xf32>
        %add3A_253 = arith.addf %get3A_250, %dot_general3A_252 : vector<256x1xf32>
        %swap3A_254 = arith.constant 0 : index
        %swap3A_255 = arith.constant 0 : index
        %swap3A_256 = vector.load %arg12[%swap3A_254, %swap3A_255] : memref<256x1xf32, #tpu.memory_space<vmem>>, vector<256x1xf32>
        tpu.vector_store %arg12[%swap3A_254, %swap3A_255], %add3A_253 {strides = array<i32>} : memref<256x1xf32, #tpu.memory_space<vmem>>, vector<256x1xf32>,
        %get3A_257 = arith.constant 0 : index
        %get3A_258 = arith.constant 0 : index
        %get3A_259 = vector.load %arg11[%get3A_257, %get3A_258] : memref<256x512xf32, #tpu.memory_space<vmem>>, vector<256x512xf32>
        %slice3A_260 = vector.extract_strided_slice %convert_element_type3A {offsets = [1536, 0], sizes = [512, 512], strides = [1, 1]} : vector<2048x512xbf16> to vector<512x512xbf16>
        %dot_general3A_261 = arith.constant dense<0.000000e+00> : vector<256x512xf32>
        %dot_general3A_262 = tpu.matmul %convert_element_type3A_247, %slice3A_260, %dot_general3A_261 {dimension_numbers = #tpu.dot_dimension_numbers<[0], [0], [1], [1], [0, 1, 1, 1], [], []>, transpose_lhs_hint = false} : vector<512x256xbf16>, vector<512x512xbf16>, vector<256x512xf32> -> vector<256x512xf32>
        %add3A_263 = arith.addf %get3A_259, %dot_general3A_262 : vector<256x512xf32>
        %swap3A_264 = arith.constant 0 : index
        %swap3A_265 = arith.constant 0 : index
        %swap3A_266 = vector.load %arg11[%swap3A_264, %swap3A_265] : memref<256x512xf32, #tpu.memory_space<vmem>>, vector<256x512xf32>
        tpu.vector_store %arg11[%swap3A_264, %swap3A_265], %add3A_263 {strides = array<i32>} : memref<256x512xf32, #tpu.memory_space<vmem>>, vector<256x512xf32>,
      } else {
      }
      %get3A_168 = arith.constant 0 : index
      %get3A_169 = arith.constant 0 : index
      %get3A_170 = vector.load %arg11[%get3A_168, %get3A_169] : memref<256x512xf32, #tpu.memory_space<vmem>>, vector<256x512xf32>
      %get3A_171 = arith.constant 0 : index
      %get3A_172 = arith.constant 0 : index
      %get3A_173 = vector.load %arg12[%get3A_171, %get3A_172] : memref<256x1xf32, #tpu.memory_space<vmem>>, vector<256x1xf32>
      %max3A = arith.constant 1.000000e+00 : f32
      %max3A_174 = vector.broadcast %max3A : f32 to vector<256x1xf32>
      %max3A_175 = arith.maximumf %get3A_173, %max3A_174 : vector<256x1xf32>
      %div3A = arith.constant 1.000000e+00 : f32
      %div3A_176 = vector.broadcast %div3A : f32 to vector<256x1xf32>
      %div3A_177 = arith.divf %div3A_176, %max3A_175 : vector<256x1xf32>
      %mul3A_178 = vector.broadcast %div3A_177 : vector<256x1xf32> to vector<256x512xf32>
      %mul3A_179 = arith.mulf %get3A_170, %mul3A_178 : vector<256x512xf32>
      %convert_element_type3A_180 = arith.truncf %mul3A_179 : vector<256x512xf32> to vector<256x512xbf16>
      %get3A_181 = arith.constant 0 : index
      %get3A_182 = arith.constant 0 : index
      %get3A_183 = vector.load %arg3[%get3A_181, %get3A_182] : memref<512x2048xbf16, #tpu.memory_space<vmem>>, vector<512x2048xbf16>
      %dot_general3A = arith.constant dense<0.000000e+00> : vector<256x2048xf32>
      %dot_general3A_184 = tpu.matmul %convert_element_type3A_180, %get3A_183, %dot_general3A {dimension_numbers = #tpu.dot_dimension_numbers<[1], [0], [0], [1], [0, 0, 1, 1], [], []>, transpose_lhs_hint = false} : vector<256x512xbf16>, vector<512x2048xbf16>, vector<256x2048xf32> -> vector<256x2048xf32>
      %get3A_185 = arith.constant 0 : index
      %get3A_186 = arith.constant 0 : index
      %get3A_187 = vector.load %arg4[%get3A_185, %get3A_186] : memref<1x2048xf32, #tpu.memory_space<vmem>>, vector<1x2048xf32>
      %add3A_188 = vector.broadcast %get3A_187 : vector<1x2048xf32> to vector<256x2048xf32>
      %add3A_189 = arith.addf %dot_general3A_184, %add3A_188 : vector<256x2048xf32>
      %max3A_190 = arith.constant 0.000000e+00 : f32
      %max3A_191 = vector.broadcast %max3A_190 : f32 to vector<256x2048xf32>
      %max3A_192 = arith.maximumf %add3A_189, %max3A_191 : vector<256x2048xf32>
      %convert_element_type3A_193 = arith.truncf %max3A_192 : vector<256x2048xf32> to vector<256x2048xbf16>
      %get3A_194 = arith.constant 0 : index
      %get3A_195 = arith.constant 0 : index
      %get3A_196 = vector.load %arg5[%get3A_194, %get3A_195] : memref<2048x512xbf16, #tpu.memory_space<vmem>>, vector<2048x512xbf16>
      %dot_general3A_197 = arith.constant dense<0.000000e+00> : vector<256x512xf32>
      %dot_general3A_198 = tpu.matmul %convert_element_type3A_193, %get3A_196, %dot_general3A_197 {dimension_numbers = #tpu.dot_dimension_numbers<[1], [0], [0], [1], [0, 0, 1, 1], [], []>, transpose_lhs_hint = false} : vector<256x2048xbf16>, vector<2048x512xbf16>, vector<256x512xf32> -> vector<256x512xf32>
      %add3A_199 = arith.addf %mul3A_179, %dot_general3A_198 : vector<256x512xf32>
      %get3A_200 = arith.constant 0 : index
      %get3A_201 = arith.constant 0 : index
      %get3A_202 = vector.load %arg6[%get3A_200, %get3A_201] : memref<1x512xf32, #tpu.memory_space<vmem>>, vector<1x512xf32>
      %add3A_203 = vector.broadcast %get3A_202 : vector<1x512xf32> to vector<256x512xf32>
      %add3A_204 = arith.addf %add3A_199, %add3A_203 : vector<256x512xf32>
      %reduce_sum3A = arith.constant dense<0.000000e+00> : vector<256xf32>
      %reduce_sum3A_205 = vector.multi_reduction <add>, %add3A_204, %reduce_sum3A [1] : vector<256x512xf32> to vector<256xf32>
      %broadcast_in_dim3A_206 = vector.shape_cast %reduce_sum3A_205 : vector<256xf32> to vector<256x1xf32>
      %div3A_207 = arith.constant 5.120000e+02 : f32
      %div3A_208 = vector.broadcast %div3A_207 : f32 to vector<256x1xf32>
      %div3A_209 = arith.divf %broadcast_in_dim3A_206, %div3A_208 : vector<256x1xf32>
      %sub3A_210 = vector.broadcast %div3A_209 : vector<256x1xf32> to vector<256x512xf32>
      %sub3A_211 = arith.subf %add3A_204, %sub3A_210 : vector<256x512xf32>
      %mul3A_212 = arith.mulf %sub3A_211, %sub3A_211 : vector<256x512xf32>
      %reduce_sum3A_213 = arith.constant dense<0.000000e+00> : vector<256xf32>
      %reduce_sum3A_214 = vector.multi_reduction <add>, %mul3A_212, %reduce_sum3A_213 [1] : vector<256x512xf32> to vector<256xf32>
      %broadcast_in_dim3A_215 = vector.shape_cast %reduce_sum3A_214 : vector<256xf32> to vector<256x1xf32>
      %div3A_216 = arith.constant 5.120000e+02 : f32
      %div3A_217 = vector.broadcast %div3A_216 : f32 to vector<256x1xf32>
      %div3A_218 = arith.divf %broadcast_in_dim3A_215, %div3A_217 : vector<256x1xf32>
      %get3A_219 = arith.constant 0 : index
      %get3A_220 = arith.constant 0 : index
      %get3A_221 = vector.load %arg7[%get3A_219, %get3A_220] : memref<1x512xf32, #tpu.memory_space<vmem>>, vector<1x512xf32>
      %mul3A_222 = vector.broadcast %get3A_221 : vector<1x512xf32> to vector<256x512xf32>
      %mul3A_223 = arith.mulf %mul3A_222, %sub3A_211 : vector<256x512xf32>
      %add3A_224 = arith.constant 1.000000e-03 : f32
      %add3A_225 = vector.broadcast %add3A_224 : f32 to vector<256x1xf32>
      %add3A_226 = arith.addf %div3A_218, %add3A_225 : vector<256x1xf32>
      %rsqrt3A = math.rsqrt %add3A_226 : vector<256x1xf32>
      %mul3A_227 = vector.broadcast %rsqrt3A : vector<256x1xf32> to vector<256x512xf32>
      %mul3A_228 = arith.mulf %mul3A_223, %mul3A_227 : vector<256x512xf32>
      %get3A_229 = arith.constant 0 : index
      %get3A_230 = arith.constant 0 : index
      %get3A_231 = vector.load %arg8[%get3A_229, %get3A_230] : memref<1x512xf32, #tpu.memory_space<vmem>>, vector<1x512xf32>
      %add3A_232 = vector.broadcast %get3A_231 : vector<1x512xf32> to vector<256x512xf32>
      %add3A_233 = arith.addf %mul3A_228, %add3A_232 : vector<256x512xf32>
      %swap3A_234 = arith.constant 0 : index
      %swap3A_235 = arith.constant 0 : index
      %swap3A_236 = arith.constant 0 : index
      %swap3A_237 = vector.load %arg9[%swap3A_234, %swap3A_235, %swap3A_236] : memref<1x2048x512xf32, #tpu.memory_space<vmem>>, vector<1x256x512xf32>
      %swap3A_238 = vector.shape_cast %swap3A_237 : vector<1x256x512xf32> to vector<256x512xf32>
      %swap3A_239 = vector.shape_cast %add3A_233 : vector<256x512xf32> to vector<1x256x512xf32>
      tpu.vector_store %arg9[%swap3A_234, %swap3A_235, %swap3A_236], %swap3A_239 {strides = array<i32>} : memref<1x2048x512xf32, #tpu.memory_space<vmem>>, vector<1x256x512xf32>,
    } else {
    }
    %gt3A_78 = arith.constant 256 : i32
    %gt3A_79 = arith.cmpi sgt, %add3A_67, %gt3A_78 : i32
    %convert_element_type3A_80 = arith.extui %gt3A_79 : i1 to i32
    %cond3A_81 = arith.constant 0 : i32
    %cond3A_82 = arith.cmpi ne, %convert_element_type3A_80, %cond3A_81 : i32
    scf.if %cond3A_82 {
      %broadcast_in_dim3A_113 = arith.constant 0.000000e+00 : f32
      %broadcast_in_dim3A_114 = vector.broadcast %broadcast_in_dim3A_113 : f32 to vector<256x512xf32>
      %swap3A_115 = arith.constant 0 : index
      %swap3A_116 = arith.constant 0 : index
      %swap3A_117 = vector.load %arg11[%swap3A_115, %swap3A_116] : memref<256x512xf32, #tpu.memory_space<vmem>>, vector<256x512xf32>
      tpu.vector_store %arg11[%swap3A_115, %swap3A_116], %broadcast_in_dim3A_114 {strides = array<i32>} : memref<256x512xf32, #tpu.memory_space<vmem>>, vector<256x512xf32>,
      %broadcast_in_dim3A_118 = arith.constant 0.000000e+00 : f32
      %broadcast_in_dim3A_119 = vector.broadcast %broadcast_in_dim3A_118 : f32 to vector<256x1xf32>
      %swap3A_120 = arith.constant 0 : index
      %swap3A_121 = arith.constant 0 : index
      %swap3A_122 = vector.load %arg12[%swap3A_120, %swap3A_121] : memref<256x1xf32, #tpu.memory_space<vmem>>, vector<256x1xf32>
      tpu.vector_store %arg12[%swap3A_120, %swap3A_121], %broadcast_in_dim3A_119 {strides = array<i32>} : memref<256x1xf32, #tpu.memory_space<vmem>>, vector<256x1xf32>,
      %slice3A_123 = vector.extract_strided_slice %sub3A_56 {offsets = [0, 0], sizes = [1, 1], strides = [1, 1]} : vector<2048x1xi32> to vector<1x1xi32>
      %squeeze3A_124 = vector.extract %slice3A_123[0, 0] : i32 from vector<1x1xi32>
      %slice3A_125 = vector.extract_strided_slice %sub3A_56 {offsets = [511, 0], sizes = [1, 1], strides = [1, 1]} : vector<2048x1xi32> to vector<1x1xi32>
      %squeeze3A_126 = vector.extract %slice3A_125[0, 0] : i32 from vector<1x1xi32>
      %ge3A = arith.constant 256 : i32
      %ge3A_127 = arith.cmpi sge, %squeeze3A_126, %ge3A : i32
      %lt3A = arith.constant 512 : i32
      %lt3A_128 = arith.cmpi slt, %squeeze3A_124, %lt3A : i32
      %and3A = arith.andi %ge3A_127, %lt3A_128 : i1
      %convert_element_type3A_129 = arith.extui %and3A : i1 to i32
      %cond3A_130 = arith.constant 0 : i32
      %cond3A_131 = arith.cmpi ne, %convert_element_type3A_129, %cond3A_130 : i32
      scf.if %cond3A_131 {
        %slice3A_240 = vector.extract_strided_slice %sub3A_56 {offsets = [0, 0], sizes = [512, 1], strides = [1, 1]} : vector<2048x1xi32> to vector<512x1xi32>
        %add3A_241 = arith.constant 256 : i32
        %add3A_242 = vector.broadcast %add3A_241 : i32 to vector<512x256xi32>
        %add3A_243 = arith.addi %iota3A, %add3A_242 : vector<512x256xi32>
        %eq3A = vector.broadcast %slice3A_240 : vector<512x1xi32> to vector<512x256xi32>
        %eq3A_244 = arith.cmpi eq, %eq3A, %add3A_243 : vector<512x256xi32>
        %convert_element_type3A_245 = arith.extui %eq3A_244 : vector<512x256xi1> to vector<512x256xi32>
        %convert_element_type3A_246 = arith.sitofp %convert_element_type3A_245 : vector<512x256xi32> to vector<512x256xf32>
        %convert_element_type3A_247 = arith.truncf %convert_element_type3A_246 : vector<512x256xf32> to vector<512x256xbf16>
        %get3A_248 = arith.constant 0 : index
        %get3A_249 = arith.constant 0 : index
        %get3A_250 = vector.load %arg12[%get3A_248, %get3A_249] : memref<256x1xf32, #tpu.memory_space<vmem>>, vector<256x1xf32>
        %dot_general3A_251 = arith.constant dense<0.000000e+00> : vector<256x1xf32>
        %dot_general3A_252 = tpu.matmul %convert_element_type3A_247, %broadcast_in_dim3A_74, %dot_general3A_251 {dimension_numbers = #tpu.dot_dimension_numbers<[0], [0], [1], [1], [0, 1, 1, 1], [], []>, transpose_lhs_hint = false} : vector<512x256xbf16>, vector<512x1xbf16>, vector<256x1xf32> -> vector<256x1xf32>
        %add3A_253 = arith.addf %get3A_250, %dot_general3A_252 : vector<256x1xf32>
        %swap3A_254 = arith.constant 0 : index
        %swap3A_255 = arith.constant 0 : index
        %swap3A_256 = vector.load %arg12[%swap3A_254, %swap3A_255] : memref<256x1xf32, #tpu.memory_space<vmem>>, vector<256x1xf32>
        tpu.vector_store %arg12[%swap3A_254, %swap3A_255], %add3A_253 {strides = array<i32>} : memref<256x1xf32, #tpu.memory_space<vmem>>, vector<256x1xf32>,
        %get3A_257 = arith.constant 0 : index
        %get3A_258 = arith.constant 0 : index
        %get3A_259 = vector.load %arg11[%get3A_257, %get3A_258] : memref<256x512xf32, #tpu.memory_space<vmem>>, vector<256x512xf32>
        %slice3A_260 = vector.extract_strided_slice %convert_element_type3A {offsets = [0, 0], sizes = [512, 512], strides = [1, 1]} : vector<2048x512xbf16> to vector<512x512xbf16>
        %dot_general3A_261 = arith.constant dense<0.000000e+00> : vector<256x512xf32>
        %dot_general3A_262 = tpu.matmul %convert_element_type3A_247, %slice3A_260, %dot_general3A_261 {dimension_numbers = #tpu.dot_dimension_numbers<[0], [0], [1], [1], [0, 1, 1, 1], [], []>, transpose_lhs_hint = false} : vector<512x256xbf16>, vector<512x512xbf16>, vector<256x512xf32> -> vector<256x512xf32>
        %add3A_263 = arith.addf %get3A_259, %dot_general3A_262 : vector<256x512xf32>
        %swap3A_264 = arith.constant 0 : index
        %swap3A_265 = arith.constant 0 : index
        %swap3A_266 = vector.load %arg11[%swap3A_264, %swap3A_265] : memref<256x512xf32, #tpu.memory_space<vmem>>, vector<256x512xf32>
        tpu.vector_store %arg11[%swap3A_264, %swap3A_265], %add3A_263 {strides = array<i32>} : memref<256x512xf32, #tpu.memory_space<vmem>>, vector<256x512xf32>,
      } else {
      }
      %slice3A_132 = vector.extract_strided_slice %sub3A_56 {offsets = [512, 0], sizes = [1, 1], strides = [1, 1]} : vector<2048x1xi32> to vector<1x1xi32>
      %squeeze3A_133 = vector.extract %slice3A_132[0, 0] : i32 from vector<1x1xi32>
      %slice3A_134 = vector.extract_strided_slice %sub3A_56 {offsets = [1023, 0], sizes = [1, 1], strides = [1, 1]} : vector<2048x1xi32> to vector<1x1xi32>
      %squeeze3A_135 = vector.extract %slice3A_134[0, 0] : i32 from vector<1x1xi32>
      %ge3A_136 = arith.constant 256 : i32
      %ge3A_137 = arith.cmpi sge, %squeeze3A_135, %ge3A_136 : i32
      %lt3A_138 = arith.constant 512 : i32
      %lt3A_139 = arith.cmpi slt, %squeeze3A_133, %lt3A_138 : i32
      %and3A_140 = arith.andi %ge3A_137, %lt3A_139 : i1
      %convert_element_type3A_141 = arith.extui %and3A_140 : i1 to i32
      %cond3A_142 = arith.constant 0 : i32
      %cond3A_143 = arith.cmpi ne, %convert_element_type3A_141, %cond3A_142 : i32
      scf.if %cond3A_143 {
        %slice3A_240 = vector.extract_strided_slice %sub3A_56 {offsets = [512, 0], sizes = [512, 1], strides = [1, 1]} : vector<2048x1xi32> to vector<512x1xi32>
        %add3A_241 = arith.constant 256 : i32
        %add3A_242 = vector.broadcast %add3A_241 : i32 to vector<512x256xi32>
        %add3A_243 = arith.addi %iota3A, %add3A_242 : vector<512x256xi32>
        %eq3A = vector.broadcast %slice3A_240 : vector<512x1xi32> to vector<512x256xi32>
        %eq3A_244 = arith.cmpi eq, %eq3A, %add3A_243 : vector<512x256xi32>
        %convert_element_type3A_245 = arith.extui %eq3A_244 : vector<512x256xi1> to vector<512x256xi32>
        %convert_element_type3A_246 = arith.sitofp %convert_element_type3A_245 : vector<512x256xi32> to vector<512x256xf32>
        %convert_element_type3A_247 = arith.truncf %convert_element_type3A_246 : vector<512x256xf32> to vector<512x256xbf16>
        %get3A_248 = arith.constant 0 : index
        %get3A_249 = arith.constant 0 : index
        %get3A_250 = vector.load %arg12[%get3A_248, %get3A_249] : memref<256x1xf32, #tpu.memory_space<vmem>>, vector<256x1xf32>
        %dot_general3A_251 = arith.constant dense<0.000000e+00> : vector<256x1xf32>
        %dot_general3A_252 = tpu.matmul %convert_element_type3A_247, %broadcast_in_dim3A_74, %dot_general3A_251 {dimension_numbers = #tpu.dot_dimension_numbers<[0], [0], [1], [1], [0, 1, 1, 1], [], []>, transpose_lhs_hint = false} : vector<512x256xbf16>, vector<512x1xbf16>, vector<256x1xf32> -> vector<256x1xf32>
        %add3A_253 = arith.addf %get3A_250, %dot_general3A_252 : vector<256x1xf32>
        %swap3A_254 = arith.constant 0 : index
        %swap3A_255 = arith.constant 0 : index
        %swap3A_256 = vector.load %arg12[%swap3A_254, %swap3A_255] : memref<256x1xf32, #tpu.memory_space<vmem>>, vector<256x1xf32>
        tpu.vector_store %arg12[%swap3A_254, %swap3A_255], %add3A_253 {strides = array<i32>} : memref<256x1xf32, #tpu.memory_space<vmem>>, vector<256x1xf32>,
        %get3A_257 = arith.constant 0 : index
        %get3A_258 = arith.constant 0 : index
        %get3A_259 = vector.load %arg11[%get3A_257, %get3A_258] : memref<256x512xf32, #tpu.memory_space<vmem>>, vector<256x512xf32>
        %slice3A_260 = vector.extract_strided_slice %convert_element_type3A {offsets = [512, 0], sizes = [512, 512], strides = [1, 1]} : vector<2048x512xbf16> to vector<512x512xbf16>
        %dot_general3A_261 = arith.constant dense<0.000000e+00> : vector<256x512xf32>
        %dot_general3A_262 = tpu.matmul %convert_element_type3A_247, %slice3A_260, %dot_general3A_261 {dimension_numbers = #tpu.dot_dimension_numbers<[0], [0], [1], [1], [0, 1, 1, 1], [], []>, transpose_lhs_hint = false} : vector<512x256xbf16>, vector<512x512xbf16>, vector<256x512xf32> -> vector<256x512xf32>
        %add3A_263 = arith.addf %get3A_259, %dot_general3A_262 : vector<256x512xf32>
        %swap3A_264 = arith.constant 0 : index
        %swap3A_265 = arith.constant 0 : index
        %swap3A_266 = vector.load %arg11[%swap3A_264, %swap3A_265] : memref<256x512xf32, #tpu.memory_space<vmem>>, vector<256x512xf32>
        tpu.vector_store %arg11[%swap3A_264, %swap3A_265], %add3A_263 {strides = array<i32>} : memref<256x512xf32, #tpu.memory_space<vmem>>, vector<256x512xf32>,
      } else {
      }
      %slice3A_144 = vector.extract_strided_slice %sub3A_56 {offsets = [1024, 0], sizes = [1, 1], strides = [1, 1]} : vector<2048x1xi32> to vector<1x1xi32>
      %squeeze3A_145 = vector.extract %slice3A_144[0, 0] : i32 from vector<1x1xi32>
      %slice3A_146 = vector.extract_strided_slice %sub3A_56 {offsets = [1535, 0], sizes = [1, 1], strides = [1, 1]} : vector<2048x1xi32> to vector<1x1xi32>
      %squeeze3A_147 = vector.extract %slice3A_146[0, 0] : i32 from vector<1x1xi32>
      %ge3A_148 = arith.constant 256 : i32
      %ge3A_149 = arith.cmpi sge, %squeeze3A_147, %ge3A_148 : i32
      %lt3A_150 = arith.constant 512 : i32
      %lt3A_151 = arith.cmpi slt, %squeeze3A_145, %lt3A_150 : i32
      %and3A_152 = arith.andi %ge3A_149, %lt3A_151 : i1
      %convert_element_type3A_153 = arith.extui %and3A_152 : i1 to i32
      %cond3A_154 = arith.constant 0 : i32
      %cond3A_155 = arith.cmpi ne, %convert_element_type3A_153, %cond3A_154 : i32
      scf.if %cond3A_155 {
        %slice3A_240 = vector.extract_strided_slice %sub3A_56 {offsets = [1024, 0], sizes = [512, 1], strides = [1, 1]} : vector<2048x1xi32> to vector<512x1xi32>
        %add3A_241 = arith.constant 256 : i32
        %add3A_242 = vector.broadcast %add3A_241 : i32 to vector<512x256xi32>
        %add3A_243 = arith.addi %iota3A, %add3A_242 : vector<512x256xi32>
        %eq3A = vector.broadcast %slice3A_240 : vector<512x1xi32> to vector<512x256xi32>
        %eq3A_244 = arith.cmpi eq, %eq3A, %add3A_243 : vector<512x256xi32>
        %convert_element_type3A_245 = arith.extui %eq3A_244 : vector<512x256xi1> to vector<512x256xi32>
        %convert_element_type3A_246 = arith.sitofp %convert_element_type3A_245 : vector<512x256xi32> to vector<512x256xf32>
        %convert_element_type3A_247 = arith.truncf %convert_element_type3A_246 : vector<512x256xf32> to vector<512x256xbf16>
        %get3A_248 = arith.constant 0 : index
        %get3A_249 = arith.constant 0 : index
        %get3A_250 = vector.load %arg12[%get3A_248, %get3A_249] : memref<256x1xf32, #tpu.memory_space<vmem>>, vector<256x1xf32>
        %dot_general3A_251 = arith.constant dense<0.000000e+00> : vector<256x1xf32>
        %dot_general3A_252 = tpu.matmul %convert_element_type3A_247, %broadcast_in_dim3A_74, %dot_general3A_251 {dimension_numbers = #tpu.dot_dimension_numbers<[0], [0], [1], [1], [0, 1, 1, 1], [], []>, transpose_lhs_hint = false} : vector<512x256xbf16>, vector<512x1xbf16>, vector<256x1xf32> -> vector<256x1xf32>
        %add3A_253 = arith.addf %get3A_250, %dot_general3A_252 : vector<256x1xf32>
        %swap3A_254 = arith.constant 0 : index
        %swap3A_255 = arith.constant 0 : index
        %swap3A_256 = vector.load %arg12[%swap3A_254, %swap3A_255] : memref<256x1xf32, #tpu.memory_space<vmem>>, vector<256x1xf32>
        tpu.vector_store %arg12[%swap3A_254, %swap3A_255], %add3A_253 {strides = array<i32>} : memref<256x1xf32, #tpu.memory_space<vmem>>, vector<256x1xf32>,
        %get3A_257 = arith.constant 0 : index
        %get3A_258 = arith.constant 0 : index
        %get3A_259 = vector.load %arg11[%get3A_257, %get3A_258] : memref<256x512xf32, #tpu.memory_space<vmem>>, vector<256x512xf32>
        %slice3A_260 = vector.extract_strided_slice %convert_element_type3A {offsets = [1024, 0], sizes = [512, 512], strides = [1, 1]} : vector<2048x512xbf16> to vector<512x512xbf16>
        %dot_general3A_261 = arith.constant dense<0.000000e+00> : vector<256x512xf32>
        %dot_general3A_262 = tpu.matmul %convert_element_type3A_247, %slice3A_260, %dot_general3A_261 {dimension_numbers = #tpu.dot_dimension_numbers<[0], [0], [1], [1], [0, 1, 1, 1], [], []>, transpose_lhs_hint = false} : vector<512x256xbf16>, vector<512x512xbf16>, vector<256x512xf32> -> vector<256x512xf32>
        %add3A_263 = arith.addf %get3A_259, %dot_general3A_262 : vector<256x512xf32>
        %swap3A_264 = arith.constant 0 : index
        %swap3A_265 = arith.constant 0 : index
        %swap3A_266 = vector.load %arg11[%swap3A_264, %swap3A_265] : memref<256x512xf32, #tpu.memory_space<vmem>>, vector<256x512xf32>
        tpu.vector_store %arg11[%swap3A_264, %swap3A_265], %add3A_263 {strides = array<i32>} : memref<256x512xf32, #tpu.memory_space<vmem>>, vector<256x512xf32>,
      } else {
      }
      %slice3A_156 = vector.extract_strided_slice %sub3A_56 {offsets = [1536, 0], sizes = [1, 1], strides = [1, 1]} : vector<2048x1xi32> to vector<1x1xi32>
      %squeeze3A_157 = vector.extract %slice3A_156[0, 0] : i32 from vector<1x1xi32>
      %slice3A_158 = vector.extract_strided_slice %sub3A_56 {offsets = [2047, 0], sizes = [1, 1], strides = [1, 1]} : vector<2048x1xi32> to vector<1x1xi32>
      %squeeze3A_159 = vector.extract %slice3A_158[0, 0] : i32 from vector<1x1xi32>
      %ge3A_160 = arith.constant 256 : i32
      %ge3A_161 = arith.cmpi sge, %squeeze3A_159, %ge3A_160 : i32
      %lt3A_162 = arith.constant 512 : i32
      %lt3A_163 = arith.cmpi slt, %squeeze3A_157, %lt3A_162 : i32
      %and3A_164 = arith.andi %ge3A_161, %lt3A_163 : i1
      %convert_element_type3A_165 = arith.extui %and3A_164 : i1 to i32
      %cond3A_166 = arith.constant 0 : i32
      %cond3A_167 = arith.cmpi ne, %convert_element_type3A_165, %cond3A_166 : i32
      scf.if %cond3A_167 {
        %slice3A_240 = vector.extract_strided_slice %sub3A_56 {offsets = [1536, 0], sizes = [512, 1], strides = [1, 1]} : vector<2048x1xi32> to vector<512x1xi32>
        %add3A_241 = arith.constant 256 : i32
        %add3A_242 = vector.broadcast %add3A_241 : i32 to vector<512x256xi32>
        %add3A_243 = arith.addi %iota3A, %add3A_242 : vector<512x256xi32>
        %eq3A = vector.broadcast %slice3A_240 : vector<512x1xi32> to vector<512x256xi32>
        %eq3A_244 = arith.cmpi eq, %eq3A, %add3A_243 : vector<512x256xi32>
        %convert_element_type3A_245 = arith.extui %eq3A_244 : vector<512x256xi1> to vector<512x256xi32>
        %convert_element_type3A_246 = arith.sitofp %convert_element_type3A_245 : vector<512x256xi32> to vector<512x256xf32>
        %convert_element_type3A_247 = arith.truncf %convert_element_type3A_246 : vector<512x256xf32> to vector<512x256xbf16>
        %get3A_248 = arith.constant 0 : index
        %get3A_249 = arith.constant 0 : index
        %get3A_250 = vector.load %arg12[%get3A_248, %get3A_249] : memref<256x1xf32, #tpu.memory_space<vmem>>, vector<256x1xf32>
        %dot_general3A_251 = arith.constant dense<0.000000e+00> : vector<256x1xf32>
        %dot_general3A_252 = tpu.matmul %convert_element_type3A_247, %broadcast_in_dim3A_74, %dot_general3A_251 {dimension_numbers = #tpu.dot_dimension_numbers<[0], [0], [1], [1], [0, 1, 1, 1], [], []>, transpose_lhs_hint = false} : vector<512x256xbf16>, vector<512x1xbf16>, vector<256x1xf32> -> vector<256x1xf32>
        %add3A_253 = arith.addf %get3A_250, %dot_general3A_252 : vector<256x1xf32>
        %swap3A_254 = arith.constant 0 : index
        %swap3A_255 = arith.constant 0 : index
        %swap3A_256 = vector.load %arg12[%swap3A_254, %swap3A_255] : memref<256x1xf32, #tpu.memory_space<vmem>>, vector<256x1xf32>
        tpu.vector_store %arg12[%swap3A_254, %swap3A_255], %add3A_253 {strides = array<i32>} : memref<256x1xf32, #tpu.memory_space<vmem>>, vector<256x1xf32>,
        %get3A_257 = arith.constant 0 : index
        %get3A_258 = arith.constant 0 : index
        %get3A_259 = vector.load %arg11[%get3A_257, %get3A_258] : memref<256x512xf32, #tpu.memory_space<vmem>>, vector<256x512xf32>
        %slice3A_260 = vector.extract_strided_slice %convert_element_type3A {offsets = [1536, 0], sizes = [512, 512], strides = [1, 1]} : vector<2048x512xbf16> to vector<512x512xbf16>
        %dot_general3A_261 = arith.constant dense<0.000000e+00> : vector<256x512xf32>
        %dot_general3A_262 = tpu.matmul %convert_element_type3A_247, %slice3A_260, %dot_general3A_261 {dimension_numbers = #tpu.dot_dimension_numbers<[0], [0], [1], [1], [0, 1, 1, 1], [], []>, transpose_lhs_hint = false} : vector<512x256xbf16>, vector<512x512xbf16>, vector<256x512xf32> -> vector<256x512xf32>
        %add3A_263 = arith.addf %get3A_259, %dot_general3A_262 : vector<256x512xf32>
        %swap3A_264 = arith.constant 0 : index
        %swap3A_265 = arith.constant 0 : index
        %swap3A_266 = vector.load %arg11[%swap3A_264, %swap3A_265] : memref<256x512xf32, #tpu.memory_space<vmem>>, vector<256x512xf32>
        tpu.vector_store %arg11[%swap3A_264, %swap3A_265], %add3A_263 {strides = array<i32>} : memref<256x512xf32, #tpu.memory_space<vmem>>, vector<256x512xf32>,
      } else {
      }
      %get3A_168 = arith.constant 0 : index
      %get3A_169 = arith.constant 0 : index
      %get3A_170 = vector.load %arg11[%get3A_168, %get3A_169] : memref<256x512xf32, #tpu.memory_space<vmem>>, vector<256x512xf32>
      %get3A_171 = arith.constant 0 : index
      %get3A_172 = arith.constant 0 : index
      %get3A_173 = vector.load %arg12[%get3A_171, %get3A_172] : memref<256x1xf32, #tpu.memory_space<vmem>>, vector<256x1xf32>
      %max3A = arith.constant 1.000000e+00 : f32
      %max3A_174 = vector.broadcast %max3A : f32 to vector<256x1xf32>
      %max3A_175 = arith.maximumf %get3A_173, %max3A_174 : vector<256x1xf32>
      %div3A = arith.constant 1.000000e+00 : f32
      %div3A_176 = vector.broadcast %div3A : f32 to vector<256x1xf32>
      %div3A_177 = arith.divf %div3A_176, %max3A_175 : vector<256x1xf32>
      %mul3A_178 = vector.broadcast %div3A_177 : vector<256x1xf32> to vector<256x512xf32>
      %mul3A_179 = arith.mulf %get3A_170, %mul3A_178 : vector<256x512xf32>
      %convert_element_type3A_180 = arith.truncf %mul3A_179 : vector<256x512xf32> to vector<256x512xbf16>
      %get3A_181 = arith.constant 0 : index
      %get3A_182 = arith.constant 0 : index
      %get3A_183 = vector.load %arg3[%get3A_181, %get3A_182] : memref<512x2048xbf16, #tpu.memory_space<vmem>>, vector<512x2048xbf16>
      %dot_general3A = arith.constant dense<0.000000e+00> : vector<256x2048xf32>
      %dot_general3A_184 = tpu.matmul %convert_element_type3A_180, %get3A_183, %dot_general3A {dimension_numbers = #tpu.dot_dimension_numbers<[1], [0], [0], [1], [0, 0, 1, 1], [], []>, transpose_lhs_hint = false} : vector<256x512xbf16>, vector<512x2048xbf16>, vector<256x2048xf32> -> vector<256x2048xf32>
      %get3A_185 = arith.constant 0 : index
      %get3A_186 = arith.constant 0 : index
      %get3A_187 = vector.load %arg4[%get3A_185, %get3A_186] : memref<1x2048xf32, #tpu.memory_space<vmem>>, vector<1x2048xf32>
      %add3A_188 = vector.broadcast %get3A_187 : vector<1x2048xf32> to vector<256x2048xf32>
      %add3A_189 = arith.addf %dot_general3A_184, %add3A_188 : vector<256x2048xf32>
      %max3A_190 = arith.constant 0.000000e+00 : f32
      %max3A_191 = vector.broadcast %max3A_190 : f32 to vector<256x2048xf32>
      %max3A_192 = arith.maximumf %add3A_189, %max3A_191 : vector<256x2048xf32>
      %convert_element_type3A_193 = arith.truncf %max3A_192 : vector<256x2048xf32> to vector<256x2048xbf16>
      %get3A_194 = arith.constant 0 : index
      %get3A_195 = arith.constant 0 : index
      %get3A_196 = vector.load %arg5[%get3A_194, %get3A_195] : memref<2048x512xbf16, #tpu.memory_space<vmem>>, vector<2048x512xbf16>
      %dot_general3A_197 = arith.constant dense<0.000000e+00> : vector<256x512xf32>
      %dot_general3A_198 = tpu.matmul %convert_element_type3A_193, %get3A_196, %dot_general3A_197 {dimension_numbers = #tpu.dot_dimension_numbers<[1], [0], [0], [1], [0, 0, 1, 1], [], []>, transpose_lhs_hint = false} : vector<256x2048xbf16>, vector<2048x512xbf16>, vector<256x512xf32> -> vector<256x512xf32>
      %add3A_199 = arith.addf %mul3A_179, %dot_general3A_198 : vector<256x512xf32>
      %get3A_200 = arith.constant 0 : index
      %get3A_201 = arith.constant 0 : index
      %get3A_202 = vector.load %arg6[%get3A_200, %get3A_201] : memref<1x512xf32, #tpu.memory_space<vmem>>, vector<1x512xf32>
      %add3A_203 = vector.broadcast %get3A_202 : vector<1x512xf32> to vector<256x512xf32>
      %add3A_204 = arith.addf %add3A_199, %add3A_203 : vector<256x512xf32>
      %reduce_sum3A = arith.constant dense<0.000000e+00> : vector<256xf32>
      %reduce_sum3A_205 = vector.multi_reduction <add>, %add3A_204, %reduce_sum3A [1] : vector<256x512xf32> to vector<256xf32>
      %broadcast_in_dim3A_206 = vector.shape_cast %reduce_sum3A_205 : vector<256xf32> to vector<256x1xf32>
      %div3A_207 = arith.constant 5.120000e+02 : f32
      %div3A_208 = vector.broadcast %div3A_207 : f32 to vector<256x1xf32>
      %div3A_209 = arith.divf %broadcast_in_dim3A_206, %div3A_208 : vector<256x1xf32>
      %sub3A_210 = vector.broadcast %div3A_209 : vector<256x1xf32> to vector<256x512xf32>
      %sub3A_211 = arith.subf %add3A_204, %sub3A_210 : vector<256x512xf32>
      %mul3A_212 = arith.mulf %sub3A_211, %sub3A_211 : vector<256x512xf32>
      %reduce_sum3A_213 = arith.constant dense<0.000000e+00> : vector<256xf32>
      %reduce_sum3A_214 = vector.multi_reduction <add>, %mul3A_212, %reduce_sum3A_213 [1] : vector<256x512xf32> to vector<256xf32>
      %broadcast_in_dim3A_215 = vector.shape_cast %reduce_sum3A_214 : vector<256xf32> to vector<256x1xf32>
      %div3A_216 = arith.constant 5.120000e+02 : f32
      %div3A_217 = vector.broadcast %div3A_216 : f32 to vector<256x1xf32>
      %div3A_218 = arith.divf %broadcast_in_dim3A_215, %div3A_217 : vector<256x1xf32>
      %get3A_219 = arith.constant 0 : index
      %get3A_220 = arith.constant 0 : index
      %get3A_221 = vector.load %arg7[%get3A_219, %get3A_220] : memref<1x512xf32, #tpu.memory_space<vmem>>, vector<1x512xf32>
      %mul3A_222 = vector.broadcast %get3A_221 : vector<1x512xf32> to vector<256x512xf32>
      %mul3A_223 = arith.mulf %mul3A_222, %sub3A_211 : vector<256x512xf32>
      %add3A_224 = arith.constant 1.000000e-03 : f32
      %add3A_225 = vector.broadcast %add3A_224 : f32 to vector<256x1xf32>
      %add3A_226 = arith.addf %div3A_218, %add3A_225 : vector<256x1xf32>
      %rsqrt3A = math.rsqrt %add3A_226 : vector<256x1xf32>
      %mul3A_227 = vector.broadcast %rsqrt3A : vector<256x1xf32> to vector<256x512xf32>
      %mul3A_228 = arith.mulf %mul3A_223, %mul3A_227 : vector<256x512xf32>
      %get3A_229 = arith.constant 0 : index
      %get3A_230 = arith.constant 0 : index
      %get3A_231 = vector.load %arg8[%get3A_229, %get3A_230] : memref<1x512xf32, #tpu.memory_space<vmem>>, vector<1x512xf32>
      %add3A_232 = vector.broadcast %get3A_231 : vector<1x512xf32> to vector<256x512xf32>
      %add3A_233 = arith.addf %mul3A_228, %add3A_232 : vector<256x512xf32>
      %swap3A_234 = arith.constant 0 : index
      %swap3A_235 = arith.constant 256 : index
      %swap3A_236 = arith.constant 0 : index
      %swap3A_237 = vector.load %arg9[%swap3A_234, %swap3A_235, %swap3A_236] : memref<1x2048x512xf32, #tpu.memory_space<vmem>>, vector<1x256x512xf32>
      %swap3A_238 = vector.shape_cast %swap3A_237 : vector<1x256x512xf32> to vector<256x512xf32>
      %swap3A_239 = vector.shape_cast %add3A_233 : vector<256x512xf32> to vector<1x256x512xf32>
      tpu.vector_store %arg9[%swap3A_234, %swap3A_235, %swap3A_236], %swap3A_239 {strides = array<i32>} : memref<1x2048x512xf32, #tpu.memory_space<vmem>>, vector<1x256x512xf32>,
    } else {
    }
    %gt3A_83 = arith.constant 512 : i32
    %gt3A_84 = arith.cmpi sgt, %add3A_67, %gt3A_83 : i32
    %convert_element_type3A_85 = arith.extui %gt3A_84 : i1 to i32
    %cond3A_86 = arith.constant 0 : i32
    %cond3A_87 = arith.cmpi ne, %convert_element_type3A_85, %cond3A_86 : i32
    scf.if %cond3A_87 {
      %broadcast_in_dim3A_113 = arith.constant 0.000000e+00 : f32
      %broadcast_in_dim3A_114 = vector.broadcast %broadcast_in_dim3A_113 : f32 to vector<256x512xf32>
      %swap3A_115 = arith.constant 0 : index
      %swap3A_116 = arith.constant 0 : index
      %swap3A_117 = vector.load %arg11[%swap3A_115, %swap3A_116] : memref<256x512xf32, #tpu.memory_space<vmem>>, vector<256x512xf32>
      tpu.vector_store %arg11[%swap3A_115, %swap3A_116], %broadcast_in_dim3A_114 {strides = array<i32>} : memref<256x512xf32, #tpu.memory_space<vmem>>, vector<256x512xf32>,
      %broadcast_in_dim3A_118 = arith.constant 0.000000e+00 : f32
      %broadcast_in_dim3A_119 = vector.broadcast %broadcast_in_dim3A_118 : f32 to vector<256x1xf32>
      %swap3A_120 = arith.constant 0 : index
      %swap3A_121 = arith.constant 0 : index
      %swap3A_122 = vector.load %arg12[%swap3A_120, %swap3A_121] : memref<256x1xf32, #tpu.memory_space<vmem>>, vector<256x1xf32>
      tpu.vector_store %arg12[%swap3A_120, %swap3A_121], %broadcast_in_dim3A_119 {strides = array<i32>} : memref<256x1xf32, #tpu.memory_space<vmem>>, vector<256x1xf32>,
      %slice3A_123 = vector.extract_strided_slice %sub3A_56 {offsets = [0, 0], sizes = [1, 1], strides = [1, 1]} : vector<2048x1xi32> to vector<1x1xi32>
      %squeeze3A_124 = vector.extract %slice3A_123[0, 0] : i32 from vector<1x1xi32>
      %slice3A_125 = vector.extract_strided_slice %sub3A_56 {offsets = [511, 0], sizes = [1, 1], strides = [1, 1]} : vector<2048x1xi32> to vector<1x1xi32>
      %squeeze3A_126 = vector.extract %slice3A_125[0, 0] : i32 from vector<1x1xi32>
      %ge3A = arith.constant 512 : i32
      %ge3A_127 = arith.cmpi sge, %squeeze3A_126, %ge3A : i32
      %lt3A = arith.constant 768 : i32
      %lt3A_128 = arith.cmpi slt, %squeeze3A_124, %lt3A : i32
      %and3A = arith.andi %ge3A_127, %lt3A_128 : i1
      %convert_element_type3A_129 = arith.extui %and3A : i1 to i32
      %cond3A_130 = arith.constant 0 : i32
      %cond3A_131 = arith.cmpi ne, %convert_element_type3A_129, %cond3A_130 : i32
      scf.if %cond3A_131 {
        %slice3A_240 = vector.extract_strided_slice %sub3A_56 {offsets = [0, 0], sizes = [512, 1], strides = [1, 1]} : vector<2048x1xi32> to vector<512x1xi32>
        %add3A_241 = arith.constant 512 : i32
        %add3A_242 = vector.broadcast %add3A_241 : i32 to vector<512x256xi32>
        %add3A_243 = arith.addi %iota3A, %add3A_242 : vector<512x256xi32>
        %eq3A = vector.broadcast %slice3A_240 : vector<512x1xi32> to vector<512x256xi32>
        %eq3A_244 = arith.cmpi eq, %eq3A, %add3A_243 : vector<512x256xi32>
        %convert_element_type3A_245 = arith.extui %eq3A_244 : vector<512x256xi1> to vector<512x256xi32>
        %convert_element_type3A_246 = arith.sitofp %convert_element_type3A_245 : vector<512x256xi32> to vector<512x256xf32>
        %convert_element_type3A_247 = arith.truncf %convert_element_type3A_246 : vector<512x256xf32> to vector<512x256xbf16>
        %get3A_248 = arith.constant 0 : index
        %get3A_249 = arith.constant 0 : index
        %get3A_250 = vector.load %arg12[%get3A_248, %get3A_249] : memref<256x1xf32, #tpu.memory_space<vmem>>, vector<256x1xf32>
        %dot_general3A_251 = arith.constant dense<0.000000e+00> : vector<256x1xf32>
        %dot_general3A_252 = tpu.matmul %convert_element_type3A_247, %broadcast_in_dim3A_74, %dot_general3A_251 {dimension_numbers = #tpu.dot_dimension_numbers<[0], [0], [1], [1], [0, 1, 1, 1], [], []>, transpose_lhs_hint = false} : vector<512x256xbf16>, vector<512x1xbf16>, vector<256x1xf32> -> vector<256x1xf32>
        %add3A_253 = arith.addf %get3A_250, %dot_general3A_252 : vector<256x1xf32>
        %swap3A_254 = arith.constant 0 : index
        %swap3A_255 = arith.constant 0 : index
        %swap3A_256 = vector.load %arg12[%swap3A_254, %swap3A_255] : memref<256x1xf32, #tpu.memory_space<vmem>>, vector<256x1xf32>
        tpu.vector_store %arg12[%swap3A_254, %swap3A_255], %add3A_253 {strides = array<i32>} : memref<256x1xf32, #tpu.memory_space<vmem>>, vector<256x1xf32>,
        %get3A_257 = arith.constant 0 : index
        %get3A_258 = arith.constant 0 : index
        %get3A_259 = vector.load %arg11[%get3A_257, %get3A_258] : memref<256x512xf32, #tpu.memory_space<vmem>>, vector<256x512xf32>
        %slice3A_260 = vector.extract_strided_slice %convert_element_type3A {offsets = [0, 0], sizes = [512, 512], strides = [1, 1]} : vector<2048x512xbf16> to vector<512x512xbf16>
        %dot_general3A_261 = arith.constant dense<0.000000e+00> : vector<256x512xf32>
        %dot_general3A_262 = tpu.matmul %convert_element_type3A_247, %slice3A_260, %dot_general3A_261 {dimension_numbers = #tpu.dot_dimension_numbers<[0], [0], [1], [1], [0, 1, 1, 1], [], []>, transpose_lhs_hint = false} : vector<512x256xbf16>, vector<512x512xbf16>, vector<256x512xf32> -> vector<256x512xf32>
        %add3A_263 = arith.addf %get3A_259, %dot_general3A_262 : vector<256x512xf32>
        %swap3A_264 = arith.constant 0 : index
        %swap3A_265 = arith.constant 0 : index
        %swap3A_266 = vector.load %arg11[%swap3A_264, %swap3A_265] : memref<256x512xf32, #tpu.memory_space<vmem>>, vector<256x512xf32>
        tpu.vector_store %arg11[%swap3A_264, %swap3A_265], %add3A_263 {strides = array<i32>} : memref<256x512xf32, #tpu.memory_space<vmem>>, vector<256x512xf32>,
      } else {
      }
      %slice3A_132 = vector.extract_strided_slice %sub3A_56 {offsets = [512, 0], sizes = [1, 1], strides = [1, 1]} : vector<2048x1xi32> to vector<1x1xi32>
      %squeeze3A_133 = vector.extract %slice3A_132[0, 0] : i32 from vector<1x1xi32>
      %slice3A_134 = vector.extract_strided_slice %sub3A_56 {offsets = [1023, 0], sizes = [1, 1], strides = [1, 1]} : vector<2048x1xi32> to vector<1x1xi32>
      %squeeze3A_135 = vector.extract %slice3A_134[0, 0] : i32 from vector<1x1xi32>
      %ge3A_136 = arith.constant 512 : i32
      %ge3A_137 = arith.cmpi sge, %squeeze3A_135, %ge3A_136 : i32
      %lt3A_138 = arith.constant 768 : i32
      %lt3A_139 = arith.cmpi slt, %squeeze3A_133, %lt3A_138 : i32
      %and3A_140 = arith.andi %ge3A_137, %lt3A_139 : i1
      %convert_element_type3A_141 = arith.extui %and3A_140 : i1 to i32
      %cond3A_142 = arith.constant 0 : i32
      %cond3A_143 = arith.cmpi ne, %convert_element_type3A_141, %cond3A_142 : i32
      scf.if %cond3A_143 {
        %slice3A_240 = vector.extract_strided_slice %sub3A_56 {offsets = [512, 0], sizes = [512, 1], strides = [1, 1]} : vector<2048x1xi32> to vector<512x1xi32>
        %add3A_241 = arith.constant 512 : i32
        %add3A_242 = vector.broadcast %add3A_241 : i32 to vector<512x256xi32>
        %add3A_243 = arith.addi %iota3A, %add3A_242 : vector<512x256xi32>
        %eq3A = vector.broadcast %slice3A_240 : vector<512x1xi32> to vector<512x256xi32>
        %eq3A_244 = arith.cmpi eq, %eq3A, %add3A_243 : vector<512x256xi32>
        %convert_element_type3A_245 = arith.extui %eq3A_244 : vector<512x256xi1> to vector<512x256xi32>
        %convert_element_type3A_246 = arith.sitofp %convert_element_type3A_245 : vector<512x256xi32> to vector<512x256xf32>
        %convert_element_type3A_247 = arith.truncf %convert_element_type3A_246 : vector<512x256xf32> to vector<512x256xbf16>
        %get3A_248 = arith.constant 0 : index
        %get3A_249 = arith.constant 0 : index
        %get3A_250 = vector.load %arg12[%get3A_248, %get3A_249] : memref<256x1xf32, #tpu.memory_space<vmem>>, vector<256x1xf32>
        %dot_general3A_251 = arith.constant dense<0.000000e+00> : vector<256x1xf32>
        %dot_general3A_252 = tpu.matmul %convert_element_type3A_247, %broadcast_in_dim3A_74, %dot_general3A_251 {dimension_numbers = #tpu.dot_dimension_numbers<[0], [0], [1], [1], [0, 1, 1, 1], [], []>, transpose_lhs_hint = false} : vector<512x256xbf16>, vector<512x1xbf16>, vector<256x1xf32> -> vector<256x1xf32>
        %add3A_253 = arith.addf %get3A_250, %dot_general3A_252 : vector<256x1xf32>
        %swap3A_254 = arith.constant 0 : index
        %swap3A_255 = arith.constant 0 : index
        %swap3A_256 = vector.load %arg12[%swap3A_254, %swap3A_255] : memref<256x1xf32, #tpu.memory_space<vmem>>, vector<256x1xf32>
        tpu.vector_store %arg12[%swap3A_254, %swap3A_255], %add3A_253 {strides = array<i32>} : memref<256x1xf32, #tpu.memory_space<vmem>>, vector<256x1xf32>,
        %get3A_257 = arith.constant 0 : index
        %get3A_258 = arith.constant 0 : index
        %get3A_259 = vector.load %arg11[%get3A_257, %get3A_258] : memref<256x512xf32, #tpu.memory_space<vmem>>, vector<256x512xf32>
        %slice3A_260 = vector.extract_strided_slice %convert_element_type3A {offsets = [512, 0], sizes = [512, 512], strides = [1, 1]} : vector<2048x512xbf16> to vector<512x512xbf16>
        %dot_general3A_261 = arith.constant dense<0.000000e+00> : vector<256x512xf32>
        %dot_general3A_262 = tpu.matmul %convert_element_type3A_247, %slice3A_260, %dot_general3A_261 {dimension_numbers = #tpu.dot_dimension_numbers<[0], [0], [1], [1], [0, 1, 1, 1], [], []>, transpose_lhs_hint = false} : vector<512x256xbf16>, vector<512x512xbf16>, vector<256x512xf32> -> vector<256x512xf32>
        %add3A_263 = arith.addf %get3A_259, %dot_general3A_262 : vector<256x512xf32>
        %swap3A_264 = arith.constant 0 : index
        %swap3A_265 = arith.constant 0 : index
        %swap3A_266 = vector.load %arg11[%swap3A_264, %swap3A_265] : memref<256x512xf32, #tpu.memory_space<vmem>>, vector<256x512xf32>
        tpu.vector_store %arg11[%swap3A_264, %swap3A_265], %add3A_263 {strides = array<i32>} : memref<256x512xf32, #tpu.memory_space<vmem>>, vector<256x512xf32>,
      } else {
      }
      %slice3A_144 = vector.extract_strided_slice %sub3A_56 {offsets = [1024, 0], sizes = [1, 1], strides = [1, 1]} : vector<2048x1xi32> to vector<1x1xi32>
      %squeeze3A_145 = vector.extract %slice3A_144[0, 0] : i32 from vector<1x1xi32>
      %slice3A_146 = vector.extract_strided_slice %sub3A_56 {offsets = [1535, 0], sizes = [1, 1], strides = [1, 1]} : vector<2048x1xi32> to vector<1x1xi32>
      %squeeze3A_147 = vector.extract %slice3A_146[0, 0] : i32 from vector<1x1xi32>
      %ge3A_148 = arith.constant 512 : i32
      %ge3A_149 = arith.cmpi sge, %squeeze3A_147, %ge3A_148 : i32
      %lt3A_150 = arith.constant 768 : i32
      %lt3A_151 = arith.cmpi slt, %squeeze3A_145, %lt3A_150 : i32
      %and3A_152 = arith.andi %ge3A_149, %lt3A_151 : i1
      %convert_element_type3A_153 = arith.extui %and3A_152 : i1 to i32
      %cond3A_154 = arith.constant 0 : i32
      %cond3A_155 = arith.cmpi ne, %convert_element_type3A_153, %cond3A_154 : i32
      scf.if %cond3A_155 {
        %slice3A_240 = vector.extract_strided_slice %sub3A_56 {offsets = [1024, 0], sizes = [512, 1], strides = [1, 1]} : vector<2048x1xi32> to vector<512x1xi32>
        %add3A_241 = arith.constant 512 : i32
        %add3A_242 = vector.broadcast %add3A_241 : i32 to vector<512x256xi32>
        %add3A_243 = arith.addi %iota3A, %add3A_242 : vector<512x256xi32>
        %eq3A = vector.broadcast %slice3A_240 : vector<512x1xi32> to vector<512x256xi32>
        %eq3A_244 = arith.cmpi eq, %eq3A, %add3A_243 : vector<512x256xi32>
        %convert_element_type3A_245 = arith.extui %eq3A_244 : vector<512x256xi1> to vector<512x256xi32>
        %convert_element_type3A_246 = arith.sitofp %convert_element_type3A_245 : vector<512x256xi32> to vector<512x256xf32>
        %convert_element_type3A_247 = arith.truncf %convert_element_type3A_246 : vector<512x256xf32> to vector<512x256xbf16>
        %get3A_248 = arith.constant 0 : index
        %get3A_249 = arith.constant 0 : index
        %get3A_250 = vector.load %arg12[%get3A_248, %get3A_249] : memref<256x1xf32, #tpu.memory_space<vmem>>, vector<256x1xf32>
        %dot_general3A_251 = arith.constant dense<0.000000e+00> : vector<256x1xf32>
        %dot_general3A_252 = tpu.matmul %convert_element_type3A_247, %broadcast_in_dim3A_74, %dot_general3A_251 {dimension_numbers = #tpu.dot_dimension_numbers<[0], [0], [1], [1], [0, 1, 1, 1], [], []>, transpose_lhs_hint = false} : vector<512x256xbf16>, vector<512x1xbf16>, vector<256x1xf32> -> vector<256x1xf32>
        %add3A_253 = arith.addf %get3A_250, %dot_general3A_252 : vector<256x1xf32>
        %swap3A_254 = arith.constant 0 : index
        %swap3A_255 = arith.constant 0 : index
        %swap3A_256 = vector.load %arg12[%swap3A_254, %swap3A_255] : memref<256x1xf32, #tpu.memory_space<vmem>>, vector<256x1xf32>
        tpu.vector_store %arg12[%swap3A_254, %swap3A_255], %add3A_253 {strides = array<i32>} : memref<256x1xf32, #tpu.memory_space<vmem>>, vector<256x1xf32>,
        %get3A_257 = arith.constant 0 : index
        %get3A_258 = arith.constant 0 : index
        %get3A_259 = vector.load %arg11[%get3A_257, %get3A_258] : memref<256x512xf32, #tpu.memory_space<vmem>>, vector<256x512xf32>
        %slice3A_260 = vector.extract_strided_slice %convert_element_type3A {offsets = [1024, 0], sizes = [512, 512], strides = [1, 1]} : vector<2048x512xbf16> to vector<512x512xbf16>
        %dot_general3A_261 = arith.constant dense<0.000000e+00> : vector<256x512xf32>
        %dot_general3A_262 = tpu.matmul %convert_element_type3A_247, %slice3A_260, %dot_general3A_261 {dimension_numbers = #tpu.dot_dimension_numbers<[0], [0], [1], [1], [0, 1, 1, 1], [], []>, transpose_lhs_hint = false} : vector<512x256xbf16>, vector<512x512xbf16>, vector<256x512xf32> -> vector<256x512xf32>
        %add3A_263 = arith.addf %get3A_259, %dot_general3A_262 : vector<256x512xf32>
        %swap3A_264 = arith.constant 0 : index
        %swap3A_265 = arith.constant 0 : index
        %swap3A_266 = vector.load %arg11[%swap3A_264, %swap3A_265] : memref<256x512xf32, #tpu.memory_space<vmem>>, vector<256x512xf32>
        tpu.vector_store %arg11[%swap3A_264, %swap3A_265], %add3A_263 {strides = array<i32>} : memref<256x512xf32, #tpu.memory_space<vmem>>, vector<256x512xf32>,
      } else {
      }
      %slice3A_156 = vector.extract_strided_slice %sub3A_56 {offsets = [1536, 0], sizes = [1, 1], strides = [1, 1]} : vector<2048x1xi32> to vector<1x1xi32>
      %squeeze3A_157 = vector.extract %slice3A_156[0, 0] : i32 from vector<1x1xi32>
      %slice3A_158 = vector.extract_strided_slice %sub3A_56 {offsets = [2047, 0], sizes = [1, 1], strides = [1, 1]} : vector<2048x1xi32> to vector<1x1xi32>
      %squeeze3A_159 = vector.extract %slice3A_158[0, 0] : i32 from vector<1x1xi32>
      %ge3A_160 = arith.constant 512 : i32
      %ge3A_161 = arith.cmpi sge, %squeeze3A_159, %ge3A_160 : i32
      %lt3A_162 = arith.constant 768 : i32
      %lt3A_163 = arith.cmpi slt, %squeeze3A_157, %lt3A_162 : i32
      %and3A_164 = arith.andi %ge3A_161, %lt3A_163 : i1
      %convert_element_type3A_165 = arith.extui %and3A_164 : i1 to i32
      %cond3A_166 = arith.constant 0 : i32
      %cond3A_167 = arith.cmpi ne, %convert_element_type3A_165, %cond3A_166 : i32
      scf.if %cond3A_167 {
        %slice3A_240 = vector.extract_strided_slice %sub3A_56 {offsets = [1536, 0], sizes = [512, 1], strides = [1, 1]} : vector<2048x1xi32> to vector<512x1xi32>
        %add3A_241 = arith.constant 512 : i32
        %add3A_242 = vector.broadcast %add3A_241 : i32 to vector<512x256xi32>
        %add3A_243 = arith.addi %iota3A, %add3A_242 : vector<512x256xi32>
        %eq3A = vector.broadcast %slice3A_240 : vector<512x1xi32> to vector<512x256xi32>
        %eq3A_244 = arith.cmpi eq, %eq3A, %add3A_243 : vector<512x256xi32>
        %convert_element_type3A_245 = arith.extui %eq3A_244 : vector<512x256xi1> to vector<512x256xi32>
        %convert_element_type3A_246 = arith.sitofp %convert_element_type3A_245 : vector<512x256xi32> to vector<512x256xf32>
        %convert_element_type3A_247 = arith.truncf %convert_element_type3A_246 : vector<512x256xf32> to vector<512x256xbf16>
        %get3A_248 = arith.constant 0 : index
        %get3A_249 = arith.constant 0 : index
        %get3A_250 = vector.load %arg12[%get3A_248, %get3A_249] : memref<256x1xf32, #tpu.memory_space<vmem>>, vector<256x1xf32>
        %dot_general3A_251 = arith.constant dense<0.000000e+00> : vector<256x1xf32>
        %dot_general3A_252 = tpu.matmul %convert_element_type3A_247, %broadcast_in_dim3A_74, %dot_general3A_251 {dimension_numbers = #tpu.dot_dimension_numbers<[0], [0], [1], [1], [0, 1, 1, 1], [], []>, transpose_lhs_hint = false} : vector<512x256xbf16>, vector<512x1xbf16>, vector<256x1xf32> -> vector<256x1xf32>
        %add3A_253 = arith.addf %get3A_250, %dot_general3A_252 : vector<256x1xf32>
        %swap3A_254 = arith.constant 0 : index
        %swap3A_255 = arith.constant 0 : index
        %swap3A_256 = vector.load %arg12[%swap3A_254, %swap3A_255] : memref<256x1xf32, #tpu.memory_space<vmem>>, vector<256x1xf32>
        tpu.vector_store %arg12[%swap3A_254, %swap3A_255], %add3A_253 {strides = array<i32>} : memref<256x1xf32, #tpu.memory_space<vmem>>, vector<256x1xf32>,
        %get3A_257 = arith.constant 0 : index
        %get3A_258 = arith.constant 0 : index
        %get3A_259 = vector.load %arg11[%get3A_257, %get3A_258] : memref<256x512xf32, #tpu.memory_space<vmem>>, vector<256x512xf32>
        %slice3A_260 = vector.extract_strided_slice %convert_element_type3A {offsets = [1536, 0], sizes = [512, 512], strides = [1, 1]} : vector<2048x512xbf16> to vector<512x512xbf16>
        %dot_general3A_261 = arith.constant dense<0.000000e+00> : vector<256x512xf32>
        %dot_general3A_262 = tpu.matmul %convert_element_type3A_247, %slice3A_260, %dot_general3A_261 {dimension_numbers = #tpu.dot_dimension_numbers<[0], [0], [1], [1], [0, 1, 1, 1], [], []>, transpose_lhs_hint = false} : vector<512x256xbf16>, vector<512x512xbf16>, vector<256x512xf32> -> vector<256x512xf32>
        %add3A_263 = arith.addf %get3A_259, %dot_general3A_262 : vector<256x512xf32>
        %swap3A_264 = arith.constant 0 : index
        %swap3A_265 = arith.constant 0 : index
        %swap3A_266 = vector.load %arg11[%swap3A_264, %swap3A_265] : memref<256x512xf32, #tpu.memory_space<vmem>>, vector<256x512xf32>
        tpu.vector_store %arg11[%swap3A_264, %swap3A_265], %add3A_263 {strides = array<i32>} : memref<256x512xf32, #tpu.memory_space<vmem>>, vector<256x512xf32>,
      } else {
      }
      %get3A_168 = arith.constant 0 : index
      %get3A_169 = arith.constant 0 : index
      %get3A_170 = vector.load %arg11[%get3A_168, %get3A_169] : memref<256x512xf32, #tpu.memory_space<vmem>>, vector<256x512xf32>
      %get3A_171 = arith.constant 0 : index
      %get3A_172 = arith.constant 0 : index
      %get3A_173 = vector.load %arg12[%get3A_171, %get3A_172] : memref<256x1xf32, #tpu.memory_space<vmem>>, vector<256x1xf32>
      %max3A = arith.constant 1.000000e+00 : f32
      %max3A_174 = vector.broadcast %max3A : f32 to vector<256x1xf32>
      %max3A_175 = arith.maximumf %get3A_173, %max3A_174 : vector<256x1xf32>
      %div3A = arith.constant 1.000000e+00 : f32
      %div3A_176 = vector.broadcast %div3A : f32 to vector<256x1xf32>
      %div3A_177 = arith.divf %div3A_176, %max3A_175 : vector<256x1xf32>
      %mul3A_178 = vector.broadcast %div3A_177 : vector<256x1xf32> to vector<256x512xf32>
      %mul3A_179 = arith.mulf %get3A_170, %mul3A_178 : vector<256x512xf32>
      %convert_element_type3A_180 = arith.truncf %mul3A_179 : vector<256x512xf32> to vector<256x512xbf16>
      %get3A_181 = arith.constant 0 : index
      %get3A_182 = arith.constant 0 : index
      %get3A_183 = vector.load %arg3[%get3A_181, %get3A_182] : memref<512x2048xbf16, #tpu.memory_space<vmem>>, vector<512x2048xbf16>
      %dot_general3A = arith.constant dense<0.000000e+00> : vector<256x2048xf32>
      %dot_general3A_184 = tpu.matmul %convert_element_type3A_180, %get3A_183, %dot_general3A {dimension_numbers = #tpu.dot_dimension_numbers<[1], [0], [0], [1], [0, 0, 1, 1], [], []>, transpose_lhs_hint = false} : vector<256x512xbf16>, vector<512x2048xbf16>, vector<256x2048xf32> -> vector<256x2048xf32>
      %get3A_185 = arith.constant 0 : index
      %get3A_186 = arith.constant 0 : index
      %get3A_187 = vector.load %arg4[%get3A_185, %get3A_186] : memref<1x2048xf32, #tpu.memory_space<vmem>>, vector<1x2048xf32>
      %add3A_188 = vector.broadcast %get3A_187 : vector<1x2048xf32> to vector<256x2048xf32>
      %add3A_189 = arith.addf %dot_general3A_184, %add3A_188 : vector<256x2048xf32>
      %max3A_190 = arith.constant 0.000000e+00 : f32
      %max3A_191 = vector.broadcast %max3A_190 : f32 to vector<256x2048xf32>
      %max3A_192 = arith.maximumf %add3A_189, %max3A_191 : vector<256x2048xf32>
      %convert_element_type3A_193 = arith.truncf %max3A_192 : vector<256x2048xf32> to vector<256x2048xbf16>
      %get3A_194 = arith.constant 0 : index
      %get3A_195 = arith.constant 0 : index
      %get3A_196 = vector.load %arg5[%get3A_194, %get3A_195] : memref<2048x512xbf16, #tpu.memory_space<vmem>>, vector<2048x512xbf16>
      %dot_general3A_197 = arith.constant dense<0.000000e+00> : vector<256x512xf32>
      %dot_general3A_198 = tpu.matmul %convert_element_type3A_193, %get3A_196, %dot_general3A_197 {dimension_numbers = #tpu.dot_dimension_numbers<[1], [0], [0], [1], [0, 0, 1, 1], [], []>, transpose_lhs_hint = false} : vector<256x2048xbf16>, vector<2048x512xbf16>, vector<256x512xf32> -> vector<256x512xf32>
      %add3A_199 = arith.addf %mul3A_179, %dot_general3A_198 : vector<256x512xf32>
      %get3A_200 = arith.constant 0 : index
      %get3A_201 = arith.constant 0 : index
      %get3A_202 = vector.load %arg6[%get3A_200, %get3A_201] : memref<1x512xf32, #tpu.memory_space<vmem>>, vector<1x512xf32>
      %add3A_203 = vector.broadcast %get3A_202 : vector<1x512xf32> to vector<256x512xf32>
      %add3A_204 = arith.addf %add3A_199, %add3A_203 : vector<256x512xf32>
      %reduce_sum3A = arith.constant dense<0.000000e+00> : vector<256xf32>
      %reduce_sum3A_205 = vector.multi_reduction <add>, %add3A_204, %reduce_sum3A [1] : vector<256x512xf32> to vector<256xf32>
      %broadcast_in_dim3A_206 = vector.shape_cast %reduce_sum3A_205 : vector<256xf32> to vector<256x1xf32>
      %div3A_207 = arith.constant 5.120000e+02 : f32
      %div3A_208 = vector.broadcast %div3A_207 : f32 to vector<256x1xf32>
      %div3A_209 = arith.divf %broadcast_in_dim3A_206, %div3A_208 : vector<256x1xf32>
      %sub3A_210 = vector.broadcast %div3A_209 : vector<256x1xf32> to vector<256x512xf32>
      %sub3A_211 = arith.subf %add3A_204, %sub3A_210 : vector<256x512xf32>
      %mul3A_212 = arith.mulf %sub3A_211, %sub3A_211 : vector<256x512xf32>
      %reduce_sum3A_213 = arith.constant dense<0.000000e+00> : vector<256xf32>
      %reduce_sum3A_214 = vector.multi_reduction <add>, %mul3A_212, %reduce_sum3A_213 [1] : vector<256x512xf32> to vector<256xf32>
      %broadcast_in_dim3A_215 = vector.shape_cast %reduce_sum3A_214 : vector<256xf32> to vector<256x1xf32>
      %div3A_216 = arith.constant 5.120000e+02 : f32
      %div3A_217 = vector.broadcast %div3A_216 : f32 to vector<256x1xf32>
      %div3A_218 = arith.divf %broadcast_in_dim3A_215, %div3A_217 : vector<256x1xf32>
      %get3A_219 = arith.constant 0 : index
      %get3A_220 = arith.constant 0 : index
      %get3A_221 = vector.load %arg7[%get3A_219, %get3A_220] : memref<1x512xf32, #tpu.memory_space<vmem>>, vector<1x512xf32>
      %mul3A_222 = vector.broadcast %get3A_221 : vector<1x512xf32> to vector<256x512xf32>
      %mul3A_223 = arith.mulf %mul3A_222, %sub3A_211 : vector<256x512xf32>
      %add3A_224 = arith.constant 1.000000e-03 : f32
      %add3A_225 = vector.broadcast %add3A_224 : f32 to vector<256x1xf32>
      %add3A_226 = arith.addf %div3A_218, %add3A_225 : vector<256x1xf32>
      %rsqrt3A = math.rsqrt %add3A_226 : vector<256x1xf32>
      %mul3A_227 = vector.broadcast %rsqrt3A : vector<256x1xf32> to vector<256x512xf32>
      %mul3A_228 = arith.mulf %mul3A_223, %mul3A_227 : vector<256x512xf32>
      %get3A_229 = arith.constant 0 : index
      %get3A_230 = arith.constant 0 : index
      %get3A_231 = vector.load %arg8[%get3A_229, %get3A_230] : memref<1x512xf32, #tpu.memory_space<vmem>>, vector<1x512xf32>
      %add3A_232 = vector.broadcast %get3A_231 : vector<1x512xf32> to vector<256x512xf32>
      %add3A_233 = arith.addf %mul3A_228, %add3A_232 : vector<256x512xf32>
      %swap3A_234 = arith.constant 0 : index
      %swap3A_235 = arith.constant 512 : index
      %swap3A_236 = arith.constant 0 : index
      %swap3A_237 = vector.load %arg9[%swap3A_234, %swap3A_235, %swap3A_236] : memref<1x2048x512xf32, #tpu.memory_space<vmem>>, vector<1x256x512xf32>
      %swap3A_238 = vector.shape_cast %swap3A_237 : vector<1x256x512xf32> to vector<256x512xf32>
      %swap3A_239 = vector.shape_cast %add3A_233 : vector<256x512xf32> to vector<1x256x512xf32>
      tpu.vector_store %arg9[%swap3A_234, %swap3A_235, %swap3A_236], %swap3A_239 {strides = array<i32>} : memref<1x2048x512xf32, #tpu.memory_space<vmem>>, vector<1x256x512xf32>,
    } else {
    }
    %gt3A_88 = arith.constant 768 : i32
    %gt3A_89 = arith.cmpi sgt, %add3A_67, %gt3A_88 : i32
    %convert_element_type3A_90 = arith.extui %gt3A_89 : i1 to i32
    %cond3A_91 = arith.constant 0 : i32
    %cond3A_92 = arith.cmpi ne, %convert_element_type3A_90, %cond3A_91 : i32
    scf.if %cond3A_92 {
      %broadcast_in_dim3A_113 = arith.constant 0.000000e+00 : f32
      %broadcast_in_dim3A_114 = vector.broadcast %broadcast_in_dim3A_113 : f32 to vector<256x512xf32>
      %swap3A_115 = arith.constant 0 : index
      %swap3A_116 = arith.constant 0 : index
      %swap3A_117 = vector.load %arg11[%swap3A_115, %swap3A_116] : memref<256x512xf32, #tpu.memory_space<vmem>>, vector<256x512xf32>
      tpu.vector_store %arg11[%swap3A_115, %swap3A_116], %broadcast_in_dim3A_114 {strides = array<i32>} : memref<256x512xf32, #tpu.memory_space<vmem>>, vector<256x512xf32>,
      %broadcast_in_dim3A_118 = arith.constant 0.000000e+00 : f32
      %broadcast_in_dim3A_119 = vector.broadcast %broadcast_in_dim3A_118 : f32 to vector<256x1xf32>
      %swap3A_120 = arith.constant 0 : index
      %swap3A_121 = arith.constant 0 : index
      %swap3A_122 = vector.load %arg12[%swap3A_120, %swap3A_121] : memref<256x1xf32, #tpu.memory_space<vmem>>, vector<256x1xf32>
      tpu.vector_store %arg12[%swap3A_120, %swap3A_121], %broadcast_in_dim3A_119 {strides = array<i32>} : memref<256x1xf32, #tpu.memory_space<vmem>>, vector<256x1xf32>,
      %slice3A_123 = vector.extract_strided_slice %sub3A_56 {offsets = [0, 0], sizes = [1, 1], strides = [1, 1]} : vector<2048x1xi32> to vector<1x1xi32>
      %squeeze3A_124 = vector.extract %slice3A_123[0, 0] : i32 from vector<1x1xi32>
      %slice3A_125 = vector.extract_strided_slice %sub3A_56 {offsets = [511, 0], sizes = [1, 1], strides = [1, 1]} : vector<2048x1xi32> to vector<1x1xi32>
      %squeeze3A_126 = vector.extract %slice3A_125[0, 0] : i32 from vector<1x1xi32>
      %ge3A = arith.constant 768 : i32
      %ge3A_127 = arith.cmpi sge, %squeeze3A_126, %ge3A : i32
      %lt3A = arith.constant 1024 : i32
      %lt3A_128 = arith.cmpi slt, %squeeze3A_124, %lt3A : i32
      %and3A = arith.andi %ge3A_127, %lt3A_128 : i1
      %convert_element_type3A_129 = arith.extui %and3A : i1 to i32
      %cond3A_130 = arith.constant 0 : i32
      %cond3A_131 = arith.cmpi ne, %convert_element_type3A_129, %cond3A_130 : i32
      scf.if %cond3A_131 {
        %slice3A_240 = vector.extract_strided_slice %sub3A_56 {offsets = [0, 0], sizes = [512, 1], strides = [1, 1]} : vector<2048x1xi32> to vector<512x1xi32>
        %add3A_241 = arith.constant 768 : i32
        %add3A_242 = vector.broadcast %add3A_241 : i32 to vector<512x256xi32>
        %add3A_243 = arith.addi %iota3A, %add3A_242 : vector<512x256xi32>
        %eq3A = vector.broadcast %slice3A_240 : vector<512x1xi32> to vector<512x256xi32>
        %eq3A_244 = arith.cmpi eq, %eq3A, %add3A_243 : vector<512x256xi32>
        %convert_element_type3A_245 = arith.extui %eq3A_244 : vector<512x256xi1> to vector<512x256xi32>
        %convert_element_type3A_246 = arith.sitofp %convert_element_type3A_245 : vector<512x256xi32> to vector<512x256xf32>
        %convert_element_type3A_247 = arith.truncf %convert_element_type3A_246 : vector<512x256xf32> to vector<512x256xbf16>
        %get3A_248 = arith.constant 0 : index
        %get3A_249 = arith.constant 0 : index
        %get3A_250 = vector.load %arg12[%get3A_248, %get3A_249] : memref<256x1xf32, #tpu.memory_space<vmem>>, vector<256x1xf32>
        %dot_general3A_251 = arith.constant dense<0.000000e+00> : vector<256x1xf32>
        %dot_general3A_252 = tpu.matmul %convert_element_type3A_247, %broadcast_in_dim3A_74, %dot_general3A_251 {dimension_numbers = #tpu.dot_dimension_numbers<[0], [0], [1], [1], [0, 1, 1, 1], [], []>, transpose_lhs_hint = false} : vector<512x256xbf16>, vector<512x1xbf16>, vector<256x1xf32> -> vector<256x1xf32>
        %add3A_253 = arith.addf %get3A_250, %dot_general3A_252 : vector<256x1xf32>
        %swap3A_254 = arith.constant 0 : index
        %swap3A_255 = arith.constant 0 : index
        %swap3A_256 = vector.load %arg12[%swap3A_254, %swap3A_255] : memref<256x1xf32, #tpu.memory_space<vmem>>, vector<256x1xf32>
        tpu.vector_store %arg12[%swap3A_254, %swap3A_255], %add3A_253 {strides = array<i32>} : memref<256x1xf32, #tpu.memory_space<vmem>>, vector<256x1xf32>,
        %get3A_257 = arith.constant 0 : index
        %get3A_258 = arith.constant 0 : index
        %get3A_259 = vector.load %arg11[%get3A_257, %get3A_258] : memref<256x512xf32, #tpu.memory_space<vmem>>, vector<256x512xf32>
        %slice3A_260 = vector.extract_strided_slice %convert_element_type3A {offsets = [0, 0], sizes = [512, 512], strides = [1, 1]} : vector<2048x512xbf16> to vector<512x512xbf16>
        %dot_general3A_261 = arith.constant dense<0.000000e+00> : vector<256x512xf32>
        %dot_general3A_262 = tpu.matmul %convert_element_type3A_247, %slice3A_260, %dot_general3A_261 {dimension_numbers = #tpu.dot_dimension_numbers<[0], [0], [1], [1], [0, 1, 1, 1], [], []>, transpose_lhs_hint = false} : vector<512x256xbf16>, vector<512x512xbf16>, vector<256x512xf32> -> vector<256x512xf32>
        %add3A_263 = arith.addf %get3A_259, %dot_general3A_262 : vector<256x512xf32>
        %swap3A_264 = arith.constant 0 : index
        %swap3A_265 = arith.constant 0 : index
        %swap3A_266 = vector.load %arg11[%swap3A_264, %swap3A_265] : memref<256x512xf32, #tpu.memory_space<vmem>>, vector<256x512xf32>
        tpu.vector_store %arg11[%swap3A_264, %swap3A_265], %add3A_263 {strides = array<i32>} : memref<256x512xf32, #tpu.memory_space<vmem>>, vector<256x512xf32>,
      } else {
      }
      %slice3A_132 = vector.extract_strided_slice %sub3A_56 {offsets = [512, 0], sizes = [1, 1], strides = [1, 1]} : vector<2048x1xi32> to vector<1x1xi32>
      %squeeze3A_133 = vector.extract %slice3A_132[0, 0] : i32 from vector<1x1xi32>
      %slice3A_134 = vector.extract_strided_slice %sub3A_56 {offsets = [1023, 0], sizes = [1, 1], strides = [1, 1]} : vector<2048x1xi32> to vector<1x1xi32>
      %squeeze3A_135 = vector.extract %slice3A_134[0, 0] : i32 from vector<1x1xi32>
      %ge3A_136 = arith.constant 768 : i32
      %ge3A_137 = arith.cmpi sge, %squeeze3A_135, %ge3A_136 : i32
      %lt3A_138 = arith.constant 1024 : i32
      %lt3A_139 = arith.cmpi slt, %squeeze3A_133, %lt3A_138 : i32
      %and3A_140 = arith.andi %ge3A_137, %lt3A_139 : i1
      %convert_element_type3A_141 = arith.extui %and3A_140 : i1 to i32
      %cond3A_142 = arith.constant 0 : i32
      %cond3A_143 = arith.cmpi ne, %convert_element_type3A_141, %cond3A_142 : i32
      scf.if %cond3A_143 {
        %slice3A_240 = vector.extract_strided_slice %sub3A_56 {offsets = [512, 0], sizes = [512, 1], strides = [1, 1]} : vector<2048x1xi32> to vector<512x1xi32>
        %add3A_241 = arith.constant 768 : i32
        %add3A_242 = vector.broadcast %add3A_241 : i32 to vector<512x256xi32>
        %add3A_243 = arith.addi %iota3A, %add3A_242 : vector<512x256xi32>
        %eq3A = vector.broadcast %slice3A_240 : vector<512x1xi32> to vector<512x256xi32>
        %eq3A_244 = arith.cmpi eq, %eq3A, %add3A_243 : vector<512x256xi32>
        %convert_element_type3A_245 = arith.extui %eq3A_244 : vector<512x256xi1> to vector<512x256xi32>
        %convert_element_type3A_246 = arith.sitofp %convert_element_type3A_245 : vector<512x256xi32> to vector<512x256xf32>
        %convert_element_type3A_247 = arith.truncf %convert_element_type3A_246 : vector<512x256xf32> to vector<512x256xbf16>
        %get3A_248 = arith.constant 0 : index
        %get3A_249 = arith.constant 0 : index
        %get3A_250 = vector.load %arg12[%get3A_248, %get3A_249] : memref<256x1xf32, #tpu.memory_space<vmem>>, vector<256x1xf32>
        %dot_general3A_251 = arith.constant dense<0.000000e+00> : vector<256x1xf32>
        %dot_general3A_252 = tpu.matmul %convert_element_type3A_247, %broadcast_in_dim3A_74, %dot_general3A_251 {dimension_numbers = #tpu.dot_dimension_numbers<[0], [0], [1], [1], [0, 1, 1, 1], [], []>, transpose_lhs_hint = false} : vector<512x256xbf16>, vector<512x1xbf16>, vector<256x1xf32> -> vector<256x1xf32>
        %add3A_253 = arith.addf %get3A_250, %dot_general3A_252 : vector<256x1xf32>
        %swap3A_254 = arith.constant 0 : index
        %swap3A_255 = arith.constant 0 : index
        %swap3A_256 = vector.load %arg12[%swap3A_254, %swap3A_255] : memref<256x1xf32, #tpu.memory_space<vmem>>, vector<256x1xf32>
        tpu.vector_store %arg12[%swap3A_254, %swap3A_255], %add3A_253 {strides = array<i32>} : memref<256x1xf32, #tpu.memory_space<vmem>>, vector<256x1xf32>,
        %get3A_257 = arith.constant 0 : index
        %get3A_258 = arith.constant 0 : index
        %get3A_259 = vector.load %arg11[%get3A_257, %get3A_258] : memref<256x512xf32, #tpu.memory_space<vmem>>, vector<256x512xf32>
        %slice3A_260 = vector.extract_strided_slice %convert_element_type3A {offsets = [512, 0], sizes = [512, 512], strides = [1, 1]} : vector<2048x512xbf16> to vector<512x512xbf16>
        %dot_general3A_261 = arith.constant dense<0.000000e+00> : vector<256x512xf32>
        %dot_general3A_262 = tpu.matmul %convert_element_type3A_247, %slice3A_260, %dot_general3A_261 {dimension_numbers = #tpu.dot_dimension_numbers<[0], [0], [1], [1], [0, 1, 1, 1], [], []>, transpose_lhs_hint = false} : vector<512x256xbf16>, vector<512x512xbf16>, vector<256x512xf32> -> vector<256x512xf32>
        %add3A_263 = arith.addf %get3A_259, %dot_general3A_262 : vector<256x512xf32>
        %swap3A_264 = arith.constant 0 : index
        %swap3A_265 = arith.constant 0 : index
        %swap3A_266 = vector.load %arg11[%swap3A_264, %swap3A_265] : memref<256x512xf32, #tpu.memory_space<vmem>>, vector<256x512xf32>
        tpu.vector_store %arg11[%swap3A_264, %swap3A_265], %add3A_263 {strides = array<i32>} : memref<256x512xf32, #tpu.memory_space<vmem>>, vector<256x512xf32>,
      } else {
      }
      %slice3A_144 = vector.extract_strided_slice %sub3A_56 {offsets = [1024, 0], sizes = [1, 1], strides = [1, 1]} : vector<2048x1xi32> to vector<1x1xi32>
      %squeeze3A_145 = vector.extract %slice3A_144[0, 0] : i32 from vector<1x1xi32>
      %slice3A_146 = vector.extract_strided_slice %sub3A_56 {offsets = [1535, 0], sizes = [1, 1], strides = [1, 1]} : vector<2048x1xi32> to vector<1x1xi32>
      %squeeze3A_147 = vector.extract %slice3A_146[0, 0] : i32 from vector<1x1xi32>
      %ge3A_148 = arith.constant 768 : i32
      %ge3A_149 = arith.cmpi sge, %squeeze3A_147, %ge3A_148 : i32
      %lt3A_150 = arith.constant 1024 : i32
      %lt3A_151 = arith.cmpi slt, %squeeze3A_145, %lt3A_150 : i32
      %and3A_152 = arith.andi %ge3A_149, %lt3A_151 : i1
      %convert_element_type3A_153 = arith.extui %and3A_152 : i1 to i32
      %cond3A_154 = arith.constant 0 : i32
      %cond3A_155 = arith.cmpi ne, %convert_element_type3A_153, %cond3A_154 : i32
      scf.if %cond3A_155 {
        %slice3A_240 = vector.extract_strided_slice %sub3A_56 {offsets = [1024, 0], sizes = [512, 1], strides = [1, 1]} : vector<2048x1xi32> to vector<512x1xi32>
        %add3A_241 = arith.constant 768 : i32
        %add3A_242 = vector.broadcast %add3A_241 : i32 to vector<512x256xi32>
        %add3A_243 = arith.addi %iota3A, %add3A_242 : vector<512x256xi32>
        %eq3A = vector.broadcast %slice3A_240 : vector<512x1xi32> to vector<512x256xi32>
        %eq3A_244 = arith.cmpi eq, %eq3A, %add3A_243 : vector<512x256xi32>
        %convert_element_type3A_245 = arith.extui %eq3A_244 : vector<512x256xi1> to vector<512x256xi32>
        %convert_element_type3A_246 = arith.sitofp %convert_element_type3A_245 : vector<512x256xi32> to vector<512x256xf32>
        %convert_element_type3A_247 = arith.truncf %convert_element_type3A_246 : vector<512x256xf32> to vector<512x256xbf16>
        %get3A_248 = arith.constant 0 : index
        %get3A_249 = arith.constant 0 : index
        %get3A_250 = vector.load %arg12[%get3A_248, %get3A_249] : memref<256x1xf32, #tpu.memory_space<vmem>>, vector<256x1xf32>
        %dot_general3A_251 = arith.constant dense<0.000000e+00> : vector<256x1xf32>
        %dot_general3A_252 = tpu.matmul %convert_element_type3A_247, %broadcast_in_dim3A_74, %dot_general3A_251 {dimension_numbers = #tpu.dot_dimension_numbers<[0], [0], [1], [1], [0, 1, 1, 1], [], []>, transpose_lhs_hint = false} : vector<512x256xbf16>, vector<512x1xbf16>, vector<256x1xf32> -> vector<256x1xf32>
        %add3A_253 = arith.addf %get3A_250, %dot_general3A_252 : vector<256x1xf32>
        %swap3A_254 = arith.constant 0 : index
        %swap3A_255 = arith.constant 0 : index
        %swap3A_256 = vector.load %arg12[%swap3A_254, %swap3A_255] : memref<256x1xf32, #tpu.memory_space<vmem>>, vector<256x1xf32>
        tpu.vector_store %arg12[%swap3A_254, %swap3A_255], %add3A_253 {strides = array<i32>} : memref<256x1xf32, #tpu.memory_space<vmem>>, vector<256x1xf32>,
        %get3A_257 = arith.constant 0 : index
        %get3A_258 = arith.constant 0 : index
        %get3A_259 = vector.load %arg11[%get3A_257, %get3A_258] : memref<256x512xf32, #tpu.memory_space<vmem>>, vector<256x512xf32>
        %slice3A_260 = vector.extract_strided_slice %convert_element_type3A {offsets = [1024, 0], sizes = [512, 512], strides = [1, 1]} : vector<2048x512xbf16> to vector<512x512xbf16>
        %dot_general3A_261 = arith.constant dense<0.000000e+00> : vector<256x512xf32>
        %dot_general3A_262 = tpu.matmul %convert_element_type3A_247, %slice3A_260, %dot_general3A_261 {dimension_numbers = #tpu.dot_dimension_numbers<[0], [0], [1], [1], [0, 1, 1, 1], [], []>, transpose_lhs_hint = false} : vector<512x256xbf16>, vector<512x512xbf16>, vector<256x512xf32> -> vector<256x512xf32>
        %add3A_263 = arith.addf %get3A_259, %dot_general3A_262 : vector<256x512xf32>
        %swap3A_264 = arith.constant 0 : index
        %swap3A_265 = arith.constant 0 : index
        %swap3A_266 = vector.load %arg11[%swap3A_264, %swap3A_265] : memref<256x512xf32, #tpu.memory_space<vmem>>, vector<256x512xf32>
        tpu.vector_store %arg11[%swap3A_264, %swap3A_265], %add3A_263 {strides = array<i32>} : memref<256x512xf32, #tpu.memory_space<vmem>>, vector<256x512xf32>,
      } else {
      }
      %slice3A_156 = vector.extract_strided_slice %sub3A_56 {offsets = [1536, 0], sizes = [1, 1], strides = [1, 1]} : vector<2048x1xi32> to vector<1x1xi32>
      %squeeze3A_157 = vector.extract %slice3A_156[0, 0] : i32 from vector<1x1xi32>
      %slice3A_158 = vector.extract_strided_slice %sub3A_56 {offsets = [2047, 0], sizes = [1, 1], strides = [1, 1]} : vector<2048x1xi32> to vector<1x1xi32>
      %squeeze3A_159 = vector.extract %slice3A_158[0, 0] : i32 from vector<1x1xi32>
      %ge3A_160 = arith.constant 768 : i32
      %ge3A_161 = arith.cmpi sge, %squeeze3A_159, %ge3A_160 : i32
      %lt3A_162 = arith.constant 1024 : i32
      %lt3A_163 = arith.cmpi slt, %squeeze3A_157, %lt3A_162 : i32
      %and3A_164 = arith.andi %ge3A_161, %lt3A_163 : i1
      %convert_element_type3A_165 = arith.extui %and3A_164 : i1 to i32
      %cond3A_166 = arith.constant 0 : i32
      %cond3A_167 = arith.cmpi ne, %convert_element_type3A_165, %cond3A_166 : i32
      scf.if %cond3A_167 {
        %slice3A_240 = vector.extract_strided_slice %sub3A_56 {offsets = [1536, 0], sizes = [512, 1], strides = [1, 1]} : vector<2048x1xi32> to vector<512x1xi32>
        %add3A_241 = arith.constant 768 : i32
        %add3A_242 = vector.broadcast %add3A_241 : i32 to vector<512x256xi32>
        %add3A_243 = arith.addi %iota3A, %add3A_242 : vector<512x256xi32>
        %eq3A = vector.broadcast %slice3A_240 : vector<512x1xi32> to vector<512x256xi32>
        %eq3A_244 = arith.cmpi eq, %eq3A, %add3A_243 : vector<512x256xi32>
        %convert_element_type3A_245 = arith.extui %eq3A_244 : vector<512x256xi1> to vector<512x256xi32>
        %convert_element_type3A_246 = arith.sitofp %convert_element_type3A_245 : vector<512x256xi32> to vector<512x256xf32>
        %convert_element_type3A_247 = arith.truncf %convert_element_type3A_246 : vector<512x256xf32> to vector<512x256xbf16>
        %get3A_248 = arith.constant 0 : index
        %get3A_249 = arith.constant 0 : index
        %get3A_250 = vector.load %arg12[%get3A_248, %get3A_249] : memref<256x1xf32, #tpu.memory_space<vmem>>, vector<256x1xf32>
        %dot_general3A_251 = arith.constant dense<0.000000e+00> : vector<256x1xf32>
        %dot_general3A_252 = tpu.matmul %convert_element_type3A_247, %broadcast_in_dim3A_74, %dot_general3A_251 {dimension_numbers = #tpu.dot_dimension_numbers<[0], [0], [1], [1], [0, 1, 1, 1], [], []>, transpose_lhs_hint = false} : vector<512x256xbf16>, vector<512x1xbf16>, vector<256x1xf32> -> vector<256x1xf32>
        %add3A_253 = arith.addf %get3A_250, %dot_general3A_252 : vector<256x1xf32>
        %swap3A_254 = arith.constant 0 : index
        %swap3A_255 = arith.constant 0 : index
        %swap3A_256 = vector.load %arg12[%swap3A_254, %swap3A_255] : memref<256x1xf32, #tpu.memory_space<vmem>>, vector<256x1xf32>
        tpu.vector_store %arg12[%swap3A_254, %swap3A_255], %add3A_253 {strides = array<i32>} : memref<256x1xf32, #tpu.memory_space<vmem>>, vector<256x1xf32>,
        %get3A_257 = arith.constant 0 : index
        %get3A_258 = arith.constant 0 : index
        %get3A_259 = vector.load %arg11[%get3A_257, %get3A_258] : memref<256x512xf32, #tpu.memory_space<vmem>>, vector<256x512xf32>
        %slice3A_260 = vector.extract_strided_slice %convert_element_type3A {offsets = [1536, 0], sizes = [512, 512], strides = [1, 1]} : vector<2048x512xbf16> to vector<512x512xbf16>
        %dot_general3A_261 = arith.constant dense<0.000000e+00> : vector<256x512xf32>
        %dot_general3A_262 = tpu.matmul %convert_element_type3A_247, %slice3A_260, %dot_general3A_261 {dimension_numbers = #tpu.dot_dimension_numbers<[0], [0], [1], [1], [0, 1, 1, 1], [], []>, transpose_lhs_hint = false} : vector<512x256xbf16>, vector<512x512xbf16>, vector<256x512xf32> -> vector<256x512xf32>
        %add3A_263 = arith.addf %get3A_259, %dot_general3A_262 : vector<256x512xf32>
        %swap3A_264 = arith.constant 0 : index
        %swap3A_265 = arith.constant 0 : index
        %swap3A_266 = vector.load %arg11[%swap3A_264, %swap3A_265] : memref<256x512xf32, #tpu.memory_space<vmem>>, vector<256x512xf32>
        tpu.vector_store %arg11[%swap3A_264, %swap3A_265], %add3A_263 {strides = array<i32>} : memref<256x512xf32, #tpu.memory_space<vmem>>, vector<256x512xf32>,
      } else {
      }
      %get3A_168 = arith.constant 0 : index
      %get3A_169 = arith.constant 0 : index
      %get3A_170 = vector.load %arg11[%get3A_168, %get3A_169] : memref<256x512xf32, #tpu.memory_space<vmem>>, vector<256x512xf32>
      %get3A_171 = arith.constant 0 : index
      %get3A_172 = arith.constant 0 : index
      %get3A_173 = vector.load %arg12[%get3A_171, %get3A_172] : memref<256x1xf32, #tpu.memory_space<vmem>>, vector<256x1xf32>
      %max3A = arith.constant 1.000000e+00 : f32
      %max3A_174 = vector.broadcast %max3A : f32 to vector<256x1xf32>
      %max3A_175 = arith.maximumf %get3A_173, %max3A_174 : vector<256x1xf32>
      %div3A = arith.constant 1.000000e+00 : f32
      %div3A_176 = vector.broadcast %div3A : f32 to vector<256x1xf32>
      %div3A_177 = arith.divf %div3A_176, %max3A_175 : vector<256x1xf32>
      %mul3A_178 = vector.broadcast %div3A_177 : vector<256x1xf32> to vector<256x512xf32>
      %mul3A_179 = arith.mulf %get3A_170, %mul3A_178 : vector<256x512xf32>
      %convert_element_type3A_180 = arith.truncf %mul3A_179 : vector<256x512xf32> to vector<256x512xbf16>
      %get3A_181 = arith.constant 0 : index
      %get3A_182 = arith.constant 0 : index
      %get3A_183 = vector.load %arg3[%get3A_181, %get3A_182] : memref<512x2048xbf16, #tpu.memory_space<vmem>>, vector<512x2048xbf16>
      %dot_general3A = arith.constant dense<0.000000e+00> : vector<256x2048xf32>
      %dot_general3A_184 = tpu.matmul %convert_element_type3A_180, %get3A_183, %dot_general3A {dimension_numbers = #tpu.dot_dimension_numbers<[1], [0], [0], [1], [0, 0, 1, 1], [], []>, transpose_lhs_hint = false} : vector<256x512xbf16>, vector<512x2048xbf16>, vector<256x2048xf32> -> vector<256x2048xf32>
      %get3A_185 = arith.constant 0 : index
      %get3A_186 = arith.constant 0 : index
      %get3A_187 = vector.load %arg4[%get3A_185, %get3A_186] : memref<1x2048xf32, #tpu.memory_space<vmem>>, vector<1x2048xf32>
      %add3A_188 = vector.broadcast %get3A_187 : vector<1x2048xf32> to vector<256x2048xf32>
      %add3A_189 = arith.addf %dot_general3A_184, %add3A_188 : vector<256x2048xf32>
      %max3A_190 = arith.constant 0.000000e+00 : f32
      %max3A_191 = vector.broadcast %max3A_190 : f32 to vector<256x2048xf32>
      %max3A_192 = arith.maximumf %add3A_189, %max3A_191 : vector<256x2048xf32>
      %convert_element_type3A_193 = arith.truncf %max3A_192 : vector<256x2048xf32> to vector<256x2048xbf16>
      %get3A_194 = arith.constant 0 : index
      %get3A_195 = arith.constant 0 : index
      %get3A_196 = vector.load %arg5[%get3A_194, %get3A_195] : memref<2048x512xbf16, #tpu.memory_space<vmem>>, vector<2048x512xbf16>
      %dot_general3A_197 = arith.constant dense<0.000000e+00> : vector<256x512xf32>
      %dot_general3A_198 = tpu.matmul %convert_element_type3A_193, %get3A_196, %dot_general3A_197 {dimension_numbers = #tpu.dot_dimension_numbers<[1], [0], [0], [1], [0, 0, 1, 1], [], []>, transpose_lhs_hint = false} : vector<256x2048xbf16>, vector<2048x512xbf16>, vector<256x512xf32> -> vector<256x512xf32>
      %add3A_199 = arith.addf %mul3A_179, %dot_general3A_198 : vector<256x512xf32>
      %get3A_200 = arith.constant 0 : index
      %get3A_201 = arith.constant 0 : index
      %get3A_202 = vector.load %arg6[%get3A_200, %get3A_201] : memref<1x512xf32, #tpu.memory_space<vmem>>, vector<1x512xf32>
      %add3A_203 = vector.broadcast %get3A_202 : vector<1x512xf32> to vector<256x512xf32>
      %add3A_204 = arith.addf %add3A_199, %add3A_203 : vector<256x512xf32>
      %reduce_sum3A = arith.constant dense<0.000000e+00> : vector<256xf32>
      %reduce_sum3A_205 = vector.multi_reduction <add>, %add3A_204, %reduce_sum3A [1] : vector<256x512xf32> to vector<256xf32>
      %broadcast_in_dim3A_206 = vector.shape_cast %reduce_sum3A_205 : vector<256xf32> to vector<256x1xf32>
      %div3A_207 = arith.constant 5.120000e+02 : f32
      %div3A_208 = vector.broadcast %div3A_207 : f32 to vector<256x1xf32>
      %div3A_209 = arith.divf %broadcast_in_dim3A_206, %div3A_208 : vector<256x1xf32>
      %sub3A_210 = vector.broadcast %div3A_209 : vector<256x1xf32> to vector<256x512xf32>
      %sub3A_211 = arith.subf %add3A_204, %sub3A_210 : vector<256x512xf32>
      %mul3A_212 = arith.mulf %sub3A_211, %sub3A_211 : vector<256x512xf32>
      %reduce_sum3A_213 = arith.constant dense<0.000000e+00> : vector<256xf32>
      %reduce_sum3A_214 = vector.multi_reduction <add>, %mul3A_212, %reduce_sum3A_213 [1] : vector<256x512xf32> to vector<256xf32>
      %broadcast_in_dim3A_215 = vector.shape_cast %reduce_sum3A_214 : vector<256xf32> to vector<256x1xf32>
      %div3A_216 = arith.constant 5.120000e+02 : f32
      %div3A_217 = vector.broadcast %div3A_216 : f32 to vector<256x1xf32>
      %div3A_218 = arith.divf %broadcast_in_dim3A_215, %div3A_217 : vector<256x1xf32>
      %get3A_219 = arith.constant 0 : index
      %get3A_220 = arith.constant 0 : index
      %get3A_221 = vector.load %arg7[%get3A_219, %get3A_220] : memref<1x512xf32, #tpu.memory_space<vmem>>, vector<1x512xf32>
      %mul3A_222 = vector.broadcast %get3A_221 : vector<1x512xf32> to vector<256x512xf32>
      %mul3A_223 = arith.mulf %mul3A_222, %sub3A_211 : vector<256x512xf32>
      %add3A_224 = arith.constant 1.000000e-03 : f32
      %add3A_225 = vector.broadcast %add3A_224 : f32 to vector<256x1xf32>
      %add3A_226 = arith.addf %div3A_218, %add3A_225 : vector<256x1xf32>
      %rsqrt3A = math.rsqrt %add3A_226 : vector<256x1xf32>
      %mul3A_227 = vector.broadcast %rsqrt3A : vector<256x1xf32> to vector<256x512xf32>
      %mul3A_228 = arith.mulf %mul3A_223, %mul3A_227 : vector<256x512xf32>
      %get3A_229 = arith.constant 0 : index
      %get3A_230 = arith.constant 0 : index
      %get3A_231 = vector.load %arg8[%get3A_229, %get3A_230] : memref<1x512xf32, #tpu.memory_space<vmem>>, vector<1x512xf32>
      %add3A_232 = vector.broadcast %get3A_231 : vector<1x512xf32> to vector<256x512xf32>
      %add3A_233 = arith.addf %mul3A_228, %add3A_232 : vector<256x512xf32>
      %swap3A_234 = arith.constant 0 : index
      %swap3A_235 = arith.constant 768 : index
      %swap3A_236 = arith.constant 0 : index
      %swap3A_237 = vector.load %arg9[%swap3A_234, %swap3A_235, %swap3A_236] : memref<1x2048x512xf32, #tpu.memory_space<vmem>>, vector<1x256x512xf32>
      %swap3A_238 = vector.shape_cast %swap3A_237 : vector<1x256x512xf32> to vector<256x512xf32>
      %swap3A_239 = vector.shape_cast %add3A_233 : vector<256x512xf32> to vector<1x256x512xf32>
      tpu.vector_store %arg9[%swap3A_234, %swap3A_235, %swap3A_236], %swap3A_239 {strides = array<i32>} : memref<1x2048x512xf32, #tpu.memory_space<vmem>>, vector<1x256x512xf32>,
    } else {
    }
    %gt3A_93 = arith.constant 1024 : i32
    %gt3A_94 = arith.cmpi sgt, %add3A_67, %gt3A_93 : i32
    %convert_element_type3A_95 = arith.extui %gt3A_94 : i1 to i32
    %cond3A_96 = arith.constant 0 : i32
    %cond3A_97 = arith.cmpi ne, %convert_element_type3A_95, %cond3A_96 : i32
    scf.if %cond3A_97 {
      %broadcast_in_dim3A_113 = arith.constant 0.000000e+00 : f32
      %broadcast_in_dim3A_114 = vector.broadcast %broadcast_in_dim3A_113 : f32 to vector<256x512xf32>
      %swap3A_115 = arith.constant 0 : index
      %swap3A_116 = arith.constant 0 : index
      %swap3A_117 = vector.load %arg11[%swap3A_115, %swap3A_116] : memref<256x512xf32, #tpu.memory_space<vmem>>, vector<256x512xf32>
      tpu.vector_store %arg11[%swap3A_115, %swap3A_116], %broadcast_in_dim3A_114 {strides = array<i32>} : memref<256x512xf32, #tpu.memory_space<vmem>>, vector<256x512xf32>,
      %broadcast_in_dim3A_118 = arith.constant 0.000000e+00 : f32
      %broadcast_in_dim3A_119 = vector.broadcast %broadcast_in_dim3A_118 : f32 to vector<256x1xf32>
      %swap3A_120 = arith.constant 0 : index
      %swap3A_121 = arith.constant 0 : index
      %swap3A_122 = vector.load %arg12[%swap3A_120, %swap3A_121] : memref<256x1xf32, #tpu.memory_space<vmem>>, vector<256x1xf32>
      tpu.vector_store %arg12[%swap3A_120, %swap3A_121], %broadcast_in_dim3A_119 {strides = array<i32>} : memref<256x1xf32, #tpu.memory_space<vmem>>, vector<256x1xf32>,
      %slice3A_123 = vector.extract_strided_slice %sub3A_56 {offsets = [0, 0], sizes = [1, 1], strides = [1, 1]} : vector<2048x1xi32> to vector<1x1xi32>
      %squeeze3A_124 = vector.extract %slice3A_123[0, 0] : i32 from vector<1x1xi32>
      %slice3A_125 = vector.extract_strided_slice %sub3A_56 {offsets = [511, 0], sizes = [1, 1], strides = [1, 1]} : vector<2048x1xi32> to vector<1x1xi32>
      %squeeze3A_126 = vector.extract %slice3A_125[0, 0] : i32 from vector<1x1xi32>
      %ge3A = arith.constant 1024 : i32
      %ge3A_127 = arith.cmpi sge, %squeeze3A_126, %ge3A : i32
      %lt3A = arith.constant 1280 : i32
      %lt3A_128 = arith.cmpi slt, %squeeze3A_124, %lt3A : i32
      %and3A = arith.andi %ge3A_127, %lt3A_128 : i1
      %convert_element_type3A_129 = arith.extui %and3A : i1 to i32
      %cond3A_130 = arith.constant 0 : i32
      %cond3A_131 = arith.cmpi ne, %convert_element_type3A_129, %cond3A_130 : i32
      scf.if %cond3A_131 {
        %slice3A_240 = vector.extract_strided_slice %sub3A_56 {offsets = [0, 0], sizes = [512, 1], strides = [1, 1]} : vector<2048x1xi32> to vector<512x1xi32>
        %add3A_241 = arith.constant 1024 : i32
        %add3A_242 = vector.broadcast %add3A_241 : i32 to vector<512x256xi32>
        %add3A_243 = arith.addi %iota3A, %add3A_242 : vector<512x256xi32>
        %eq3A = vector.broadcast %slice3A_240 : vector<512x1xi32> to vector<512x256xi32>
        %eq3A_244 = arith.cmpi eq, %eq3A, %add3A_243 : vector<512x256xi32>
        %convert_element_type3A_245 = arith.extui %eq3A_244 : vector<512x256xi1> to vector<512x256xi32>
        %convert_element_type3A_246 = arith.sitofp %convert_element_type3A_245 : vector<512x256xi32> to vector<512x256xf32>
        %convert_element_type3A_247 = arith.truncf %convert_element_type3A_246 : vector<512x256xf32> to vector<512x256xbf16>
        %get3A_248 = arith.constant 0 : index
        %get3A_249 = arith.constant 0 : index
        %get3A_250 = vector.load %arg12[%get3A_248, %get3A_249] : memref<256x1xf32, #tpu.memory_space<vmem>>, vector<256x1xf32>
        %dot_general3A_251 = arith.constant dense<0.000000e+00> : vector<256x1xf32>
        %dot_general3A_252 = tpu.matmul %convert_element_type3A_247, %broadcast_in_dim3A_74, %dot_general3A_251 {dimension_numbers = #tpu.dot_dimension_numbers<[0], [0], [1], [1], [0, 1, 1, 1], [], []>, transpose_lhs_hint = false} : vector<512x256xbf16>, vector<512x1xbf16>, vector<256x1xf32> -> vector<256x1xf32>
        %add3A_253 = arith.addf %get3A_250, %dot_general3A_252 : vector<256x1xf32>
        %swap3A_254 = arith.constant 0 : index
        %swap3A_255 = arith.constant 0 : index
        %swap3A_256 = vector.load %arg12[%swap3A_254, %swap3A_255] : memref<256x1xf32, #tpu.memory_space<vmem>>, vector<256x1xf32>
        tpu.vector_store %arg12[%swap3A_254, %swap3A_255], %add3A_253 {strides = array<i32>} : memref<256x1xf32, #tpu.memory_space<vmem>>, vector<256x1xf32>,
        %get3A_257 = arith.constant 0 : index
        %get3A_258 = arith.constant 0 : index
        %get3A_259 = vector.load %arg11[%get3A_257, %get3A_258] : memref<256x512xf32, #tpu.memory_space<vmem>>, vector<256x512xf32>
        %slice3A_260 = vector.extract_strided_slice %convert_element_type3A {offsets = [0, 0], sizes = [512, 512], strides = [1, 1]} : vector<2048x512xbf16> to vector<512x512xbf16>
        %dot_general3A_261 = arith.constant dense<0.000000e+00> : vector<256x512xf32>
        %dot_general3A_262 = tpu.matmul %convert_element_type3A_247, %slice3A_260, %dot_general3A_261 {dimension_numbers = #tpu.dot_dimension_numbers<[0], [0], [1], [1], [0, 1, 1, 1], [], []>, transpose_lhs_hint = false} : vector<512x256xbf16>, vector<512x512xbf16>, vector<256x512xf32> -> vector<256x512xf32>
        %add3A_263 = arith.addf %get3A_259, %dot_general3A_262 : vector<256x512xf32>
        %swap3A_264 = arith.constant 0 : index
        %swap3A_265 = arith.constant 0 : index
        %swap3A_266 = vector.load %arg11[%swap3A_264, %swap3A_265] : memref<256x512xf32, #tpu.memory_space<vmem>>, vector<256x512xf32>
        tpu.vector_store %arg11[%swap3A_264, %swap3A_265], %add3A_263 {strides = array<i32>} : memref<256x512xf32, #tpu.memory_space<vmem>>, vector<256x512xf32>,
      } else {
      }
      %slice3A_132 = vector.extract_strided_slice %sub3A_56 {offsets = [512, 0], sizes = [1, 1], strides = [1, 1]} : vector<2048x1xi32> to vector<1x1xi32>
      %squeeze3A_133 = vector.extract %slice3A_132[0, 0] : i32 from vector<1x1xi32>
      %slice3A_134 = vector.extract_strided_slice %sub3A_56 {offsets = [1023, 0], sizes = [1, 1], strides = [1, 1]} : vector<2048x1xi32> to vector<1x1xi32>
      %squeeze3A_135 = vector.extract %slice3A_134[0, 0] : i32 from vector<1x1xi32>
      %ge3A_136 = arith.constant 1024 : i32
      %ge3A_137 = arith.cmpi sge, %squeeze3A_135, %ge3A_136 : i32
      %lt3A_138 = arith.constant 1280 : i32
      %lt3A_139 = arith.cmpi slt, %squeeze3A_133, %lt3A_138 : i32
      %and3A_140 = arith.andi %ge3A_137, %lt3A_139 : i1
      %convert_element_type3A_141 = arith.extui %and3A_140 : i1 to i32
      %cond3A_142 = arith.constant 0 : i32
      %cond3A_143 = arith.cmpi ne, %convert_element_type3A_141, %cond3A_142 : i32
      scf.if %cond3A_143 {
        %slice3A_240 = vector.extract_strided_slice %sub3A_56 {offsets = [512, 0], sizes = [512, 1], strides = [1, 1]} : vector<2048x1xi32> to vector<512x1xi32>
        %add3A_241 = arith.constant 1024 : i32
        %add3A_242 = vector.broadcast %add3A_241 : i32 to vector<512x256xi32>
        %add3A_243 = arith.addi %iota3A, %add3A_242 : vector<512x256xi32>
        %eq3A = vector.broadcast %slice3A_240 : vector<512x1xi32> to vector<512x256xi32>
        %eq3A_244 = arith.cmpi eq, %eq3A, %add3A_243 : vector<512x256xi32>
        %convert_element_type3A_245 = arith.extui %eq3A_244 : vector<512x256xi1> to vector<512x256xi32>
        %convert_element_type3A_246 = arith.sitofp %convert_element_type3A_245 : vector<512x256xi32> to vector<512x256xf32>
        %convert_element_type3A_247 = arith.truncf %convert_element_type3A_246 : vector<512x256xf32> to vector<512x256xbf16>
        %get3A_248 = arith.constant 0 : index
        %get3A_249 = arith.constant 0 : index
        %get3A_250 = vector.load %arg12[%get3A_248, %get3A_249] : memref<256x1xf32, #tpu.memory_space<vmem>>, vector<256x1xf32>
        %dot_general3A_251 = arith.constant dense<0.000000e+00> : vector<256x1xf32>
        %dot_general3A_252 = tpu.matmul %convert_element_type3A_247, %broadcast_in_dim3A_74, %dot_general3A_251 {dimension_numbers = #tpu.dot_dimension_numbers<[0], [0], [1], [1], [0, 1, 1, 1], [], []>, transpose_lhs_hint = false} : vector<512x256xbf16>, vector<512x1xbf16>, vector<256x1xf32> -> vector<256x1xf32>
        %add3A_253 = arith.addf %get3A_250, %dot_general3A_252 : vector<256x1xf32>
        %swap3A_254 = arith.constant 0 : index
        %swap3A_255 = arith.constant 0 : index
        %swap3A_256 = vector.load %arg12[%swap3A_254, %swap3A_255] : memref<256x1xf32, #tpu.memory_space<vmem>>, vector<256x1xf32>
        tpu.vector_store %arg12[%swap3A_254, %swap3A_255], %add3A_253 {strides = array<i32>} : memref<256x1xf32, #tpu.memory_space<vmem>>, vector<256x1xf32>,
        %get3A_257 = arith.constant 0 : index
        %get3A_258 = arith.constant 0 : index
        %get3A_259 = vector.load %arg11[%get3A_257, %get3A_258] : memref<256x512xf32, #tpu.memory_space<vmem>>, vector<256x512xf32>
        %slice3A_260 = vector.extract_strided_slice %convert_element_type3A {offsets = [512, 0], sizes = [512, 512], strides = [1, 1]} : vector<2048x512xbf16> to vector<512x512xbf16>
        %dot_general3A_261 = arith.constant dense<0.000000e+00> : vector<256x512xf32>
        %dot_general3A_262 = tpu.matmul %convert_element_type3A_247, %slice3A_260, %dot_general3A_261 {dimension_numbers = #tpu.dot_dimension_numbers<[0], [0], [1], [1], [0, 1, 1, 1], [], []>, transpose_lhs_hint = false} : vector<512x256xbf16>, vector<512x512xbf16>, vector<256x512xf32> -> vector<256x512xf32>
        %add3A_263 = arith.addf %get3A_259, %dot_general3A_262 : vector<256x512xf32>
        %swap3A_264 = arith.constant 0 : index
        %swap3A_265 = arith.constant 0 : index
        %swap3A_266 = vector.load %arg11[%swap3A_264, %swap3A_265] : memref<256x512xf32, #tpu.memory_space<vmem>>, vector<256x512xf32>
        tpu.vector_store %arg11[%swap3A_264, %swap3A_265], %add3A_263 {strides = array<i32>} : memref<256x512xf32, #tpu.memory_space<vmem>>, vector<256x512xf32>,
      } else {
      }
      %slice3A_144 = vector.extract_strided_slice %sub3A_56 {offsets = [1024, 0], sizes = [1, 1], strides = [1, 1]} : vector<2048x1xi32> to vector<1x1xi32>
      %squeeze3A_145 = vector.extract %slice3A_144[0, 0] : i32 from vector<1x1xi32>
      %slice3A_146 = vector.extract_strided_slice %sub3A_56 {offsets = [1535, 0], sizes = [1, 1], strides = [1, 1]} : vector<2048x1xi32> to vector<1x1xi32>
      %squeeze3A_147 = vector.extract %slice3A_146[0, 0] : i32 from vector<1x1xi32>
      %ge3A_148 = arith.constant 1024 : i32
      %ge3A_149 = arith.cmpi sge, %squeeze3A_147, %ge3A_148 : i32
      %lt3A_150 = arith.constant 1280 : i32
      %lt3A_151 = arith.cmpi slt, %squeeze3A_145, %lt3A_150 : i32
      %and3A_152 = arith.andi %ge3A_149, %lt3A_151 : i1
      %convert_element_type3A_153 = arith.extui %and3A_152 : i1 to i32
      %cond3A_154 = arith.constant 0 : i32
      %cond3A_155 = arith.cmpi ne, %convert_element_type3A_153, %cond3A_154 : i32
      scf.if %cond3A_155 {
        %slice3A_240 = vector.extract_strided_slice %sub3A_56 {offsets = [1024, 0], sizes = [512, 1], strides = [1, 1]} : vector<2048x1xi32> to vector<512x1xi32>
        %add3A_241 = arith.constant 1024 : i32
        %add3A_242 = vector.broadcast %add3A_241 : i32 to vector<512x256xi32>
        %add3A_243 = arith.addi %iota3A, %add3A_242 : vector<512x256xi32>
        %eq3A = vector.broadcast %slice3A_240 : vector<512x1xi32> to vector<512x256xi32>
        %eq3A_244 = arith.cmpi eq, %eq3A, %add3A_243 : vector<512x256xi32>
        %convert_element_type3A_245 = arith.extui %eq3A_244 : vector<512x256xi1> to vector<512x256xi32>
        %convert_element_type3A_246 = arith.sitofp %convert_element_type3A_245 : vector<512x256xi32> to vector<512x256xf32>
        %convert_element_type3A_247 = arith.truncf %convert_element_type3A_246 : vector<512x256xf32> to vector<512x256xbf16>
        %get3A_248 = arith.constant 0 : index
        %get3A_249 = arith.constant 0 : index
        %get3A_250 = vector.load %arg12[%get3A_248, %get3A_249] : memref<256x1xf32, #tpu.memory_space<vmem>>, vector<256x1xf32>
        %dot_general3A_251 = arith.constant dense<0.000000e+00> : vector<256x1xf32>
        %dot_general3A_252 = tpu.matmul %convert_element_type3A_247, %broadcast_in_dim3A_74, %dot_general3A_251 {dimension_numbers = #tpu.dot_dimension_numbers<[0], [0], [1], [1], [0, 1, 1, 1], [], []>, transpose_lhs_hint = false} : vector<512x256xbf16>, vector<512x1xbf16>, vector<256x1xf32> -> vector<256x1xf32>
        %add3A_253 = arith.addf %get3A_250, %dot_general3A_252 : vector<256x1xf32>
        %swap3A_254 = arith.constant 0 : index
        %swap3A_255 = arith.constant 0 : index
        %swap3A_256 = vector.load %arg12[%swap3A_254, %swap3A_255] : memref<256x1xf32, #tpu.memory_space<vmem>>, vector<256x1xf32>
        tpu.vector_store %arg12[%swap3A_254, %swap3A_255], %add3A_253 {strides = array<i32>} : memref<256x1xf32, #tpu.memory_space<vmem>>, vector<256x1xf32>,
        %get3A_257 = arith.constant 0 : index
        %get3A_258 = arith.constant 0 : index
        %get3A_259 = vector.load %arg11[%get3A_257, %get3A_258] : memref<256x512xf32, #tpu.memory_space<vmem>>, vector<256x512xf32>
        %slice3A_260 = vector.extract_strided_slice %convert_element_type3A {offsets = [1024, 0], sizes = [512, 512], strides = [1, 1]} : vector<2048x512xbf16> to vector<512x512xbf16>
        %dot_general3A_261 = arith.constant dense<0.000000e+00> : vector<256x512xf32>
        %dot_general3A_262 = tpu.matmul %convert_element_type3A_247, %slice3A_260, %dot_general3A_261 {dimension_numbers = #tpu.dot_dimension_numbers<[0], [0], [1], [1], [0, 1, 1, 1], [], []>, transpose_lhs_hint = false} : vector<512x256xbf16>, vector<512x512xbf16>, vector<256x512xf32> -> vector<256x512xf32>
        %add3A_263 = arith.addf %get3A_259, %dot_general3A_262 : vector<256x512xf32>
        %swap3A_264 = arith.constant 0 : index
        %swap3A_265 = arith.constant 0 : index
        %swap3A_266 = vector.load %arg11[%swap3A_264, %swap3A_265] : memref<256x512xf32, #tpu.memory_space<vmem>>, vector<256x512xf32>
        tpu.vector_store %arg11[%swap3A_264, %swap3A_265], %add3A_263 {strides = array<i32>} : memref<256x512xf32, #tpu.memory_space<vmem>>, vector<256x512xf32>,
      } else {
      }
      %slice3A_156 = vector.extract_strided_slice %sub3A_56 {offsets = [1536, 0], sizes = [1, 1], strides = [1, 1]} : vector<2048x1xi32> to vector<1x1xi32>
      %squeeze3A_157 = vector.extract %slice3A_156[0, 0] : i32 from vector<1x1xi32>
      %slice3A_158 = vector.extract_strided_slice %sub3A_56 {offsets = [2047, 0], sizes = [1, 1], strides = [1, 1]} : vector<2048x1xi32> to vector<1x1xi32>
      %squeeze3A_159 = vector.extract %slice3A_158[0, 0] : i32 from vector<1x1xi32>
      %ge3A_160 = arith.constant 1024 : i32
      %ge3A_161 = arith.cmpi sge, %squeeze3A_159, %ge3A_160 : i32
      %lt3A_162 = arith.constant 1280 : i32
      %lt3A_163 = arith.cmpi slt, %squeeze3A_157, %lt3A_162 : i32
      %and3A_164 = arith.andi %ge3A_161, %lt3A_163 : i1
      %convert_element_type3A_165 = arith.extui %and3A_164 : i1 to i32
      %cond3A_166 = arith.constant 0 : i32
      %cond3A_167 = arith.cmpi ne, %convert_element_type3A_165, %cond3A_166 : i32
      scf.if %cond3A_167 {
        %slice3A_240 = vector.extract_strided_slice %sub3A_56 {offsets = [1536, 0], sizes = [512, 1], strides = [1, 1]} : vector<2048x1xi32> to vector<512x1xi32>
        %add3A_241 = arith.constant 1024 : i32
        %add3A_242 = vector.broadcast %add3A_241 : i32 to vector<512x256xi32>
        %add3A_243 = arith.addi %iota3A, %add3A_242 : vector<512x256xi32>
        %eq3A = vector.broadcast %slice3A_240 : vector<512x1xi32> to vector<512x256xi32>
        %eq3A_244 = arith.cmpi eq, %eq3A, %add3A_243 : vector<512x256xi32>
        %convert_element_type3A_245 = arith.extui %eq3A_244 : vector<512x256xi1> to vector<512x256xi32>
        %convert_element_type3A_246 = arith.sitofp %convert_element_type3A_245 : vector<512x256xi32> to vector<512x256xf32>
        %convert_element_type3A_247 = arith.truncf %convert_element_type3A_246 : vector<512x256xf32> to vector<512x256xbf16>
        %get3A_248 = arith.constant 0 : index
        %get3A_249 = arith.constant 0 : index
        %get3A_250 = vector.load %arg12[%get3A_248, %get3A_249] : memref<256x1xf32, #tpu.memory_space<vmem>>, vector<256x1xf32>
        %dot_general3A_251 = arith.constant dense<0.000000e+00> : vector<256x1xf32>
        %dot_general3A_252 = tpu.matmul %convert_element_type3A_247, %broadcast_in_dim3A_74, %dot_general3A_251 {dimension_numbers = #tpu.dot_dimension_numbers<[0], [0], [1], [1], [0, 1, 1, 1], [], []>, transpose_lhs_hint = false} : vector<512x256xbf16>, vector<512x1xbf16>, vector<256x1xf32> -> vector<256x1xf32>
        %add3A_253 = arith.addf %get3A_250, %dot_general3A_252 : vector<256x1xf32>
        %swap3A_254 = arith.constant 0 : index
        %swap3A_255 = arith.constant 0 : index
        %swap3A_256 = vector.load %arg12[%swap3A_254, %swap3A_255] : memref<256x1xf32, #tpu.memory_space<vmem>>, vector<256x1xf32>
        tpu.vector_store %arg12[%swap3A_254, %swap3A_255], %add3A_253 {strides = array<i32>} : memref<256x1xf32, #tpu.memory_space<vmem>>, vector<256x1xf32>,
        %get3A_257 = arith.constant 0 : index
        %get3A_258 = arith.constant 0 : index
        %get3A_259 = vector.load %arg11[%get3A_257, %get3A_258] : memref<256x512xf32, #tpu.memory_space<vmem>>, vector<256x512xf32>
        %slice3A_260 = vector.extract_strided_slice %convert_element_type3A {offsets = [1536, 0], sizes = [512, 512], strides = [1, 1]} : vector<2048x512xbf16> to vector<512x512xbf16>
        %dot_general3A_261 = arith.constant dense<0.000000e+00> : vector<256x512xf32>
        %dot_general3A_262 = tpu.matmul %convert_element_type3A_247, %slice3A_260, %dot_general3A_261 {dimension_numbers = #tpu.dot_dimension_numbers<[0], [0], [1], [1], [0, 1, 1, 1], [], []>, transpose_lhs_hint = false} : vector<512x256xbf16>, vector<512x512xbf16>, vector<256x512xf32> -> vector<256x512xf32>
        %add3A_263 = arith.addf %get3A_259, %dot_general3A_262 : vector<256x512xf32>
        %swap3A_264 = arith.constant 0 : index
        %swap3A_265 = arith.constant 0 : index
        %swap3A_266 = vector.load %arg11[%swap3A_264, %swap3A_265] : memref<256x512xf32, #tpu.memory_space<vmem>>, vector<256x512xf32>
        tpu.vector_store %arg11[%swap3A_264, %swap3A_265], %add3A_263 {strides = array<i32>} : memref<256x512xf32, #tpu.memory_space<vmem>>, vector<256x512xf32>,
      } else {
      }
      %get3A_168 = arith.constant 0 : index
      %get3A_169 = arith.constant 0 : index
      %get3A_170 = vector.load %arg11[%get3A_168, %get3A_169] : memref<256x512xf32, #tpu.memory_space<vmem>>, vector<256x512xf32>
      %get3A_171 = arith.constant 0 : index
      %get3A_172 = arith.constant 0 : index
      %get3A_173 = vector.load %arg12[%get3A_171, %get3A_172] : memref<256x1xf32, #tpu.memory_space<vmem>>, vector<256x1xf32>
      %max3A = arith.constant 1.000000e+00 : f32
      %max3A_174 = vector.broadcast %max3A : f32 to vector<256x1xf32>
      %max3A_175 = arith.maximumf %get3A_173, %max3A_174 : vector<256x1xf32>
      %div3A = arith.constant 1.000000e+00 : f32
      %div3A_176 = vector.broadcast %div3A : f32 to vector<256x1xf32>
      %div3A_177 = arith.divf %div3A_176, %max3A_175 : vector<256x1xf32>
      %mul3A_178 = vector.broadcast %div3A_177 : vector<256x1xf32> to vector<256x512xf32>
      %mul3A_179 = arith.mulf %get3A_170, %mul3A_178 : vector<256x512xf32>
      %convert_element_type3A_180 = arith.truncf %mul3A_179 : vector<256x512xf32> to vector<256x512xbf16>
      %get3A_181 = arith.constant 0 : index
      %get3A_182 = arith.constant 0 : index
      %get3A_183 = vector.load %arg3[%get3A_181, %get3A_182] : memref<512x2048xbf16, #tpu.memory_space<vmem>>, vector<512x2048xbf16>
      %dot_general3A = arith.constant dense<0.000000e+00> : vector<256x2048xf32>
      %dot_general3A_184 = tpu.matmul %convert_element_type3A_180, %get3A_183, %dot_general3A {dimension_numbers = #tpu.dot_dimension_numbers<[1], [0], [0], [1], [0, 0, 1, 1], [], []>, transpose_lhs_hint = false} : vector<256x512xbf16>, vector<512x2048xbf16>, vector<256x2048xf32> -> vector<256x2048xf32>
      %get3A_185 = arith.constant 0 : index
      %get3A_186 = arith.constant 0 : index
      %get3A_187 = vector.load %arg4[%get3A_185, %get3A_186] : memref<1x2048xf32, #tpu.memory_space<vmem>>, vector<1x2048xf32>
      %add3A_188 = vector.broadcast %get3A_187 : vector<1x2048xf32> to vector<256x2048xf32>
      %add3A_189 = arith.addf %dot_general3A_184, %add3A_188 : vector<256x2048xf32>
      %max3A_190 = arith.constant 0.000000e+00 : f32
      %max3A_191 = vector.broadcast %max3A_190 : f32 to vector<256x2048xf32>
      %max3A_192 = arith.maximumf %add3A_189, %max3A_191 : vector<256x2048xf32>
      %convert_element_type3A_193 = arith.truncf %max3A_192 : vector<256x2048xf32> to vector<256x2048xbf16>
      %get3A_194 = arith.constant 0 : index
      %get3A_195 = arith.constant 0 : index
      %get3A_196 = vector.load %arg5[%get3A_194, %get3A_195] : memref<2048x512xbf16, #tpu.memory_space<vmem>>, vector<2048x512xbf16>
      %dot_general3A_197 = arith.constant dense<0.000000e+00> : vector<256x512xf32>
      %dot_general3A_198 = tpu.matmul %convert_element_type3A_193, %get3A_196, %dot_general3A_197 {dimension_numbers = #tpu.dot_dimension_numbers<[1], [0], [0], [1], [0, 0, 1, 1], [], []>, transpose_lhs_hint = false} : vector<256x2048xbf16>, vector<2048x512xbf16>, vector<256x512xf32> -> vector<256x512xf32>
      %add3A_199 = arith.addf %mul3A_179, %dot_general3A_198 : vector<256x512xf32>
      %get3A_200 = arith.constant 0 : index
      %get3A_201 = arith.constant 0 : index
      %get3A_202 = vector.load %arg6[%get3A_200, %get3A_201] : memref<1x512xf32, #tpu.memory_space<vmem>>, vector<1x512xf32>
      %add3A_203 = vector.broadcast %get3A_202 : vector<1x512xf32> to vector<256x512xf32>
      %add3A_204 = arith.addf %add3A_199, %add3A_203 : vector<256x512xf32>
      %reduce_sum3A = arith.constant dense<0.000000e+00> : vector<256xf32>
      %reduce_sum3A_205 = vector.multi_reduction <add>, %add3A_204, %reduce_sum3A [1] : vector<256x512xf32> to vector<256xf32>
      %broadcast_in_dim3A_206 = vector.shape_cast %reduce_sum3A_205 : vector<256xf32> to vector<256x1xf32>
      %div3A_207 = arith.constant 5.120000e+02 : f32
      %div3A_208 = vector.broadcast %div3A_207 : f32 to vector<256x1xf32>
      %div3A_209 = arith.divf %broadcast_in_dim3A_206, %div3A_208 : vector<256x1xf32>
      %sub3A_210 = vector.broadcast %div3A_209 : vector<256x1xf32> to vector<256x512xf32>
      %sub3A_211 = arith.subf %add3A_204, %sub3A_210 : vector<256x512xf32>
      %mul3A_212 = arith.mulf %sub3A_211, %sub3A_211 : vector<256x512xf32>
      %reduce_sum3A_213 = arith.constant dense<0.000000e+00> : vector<256xf32>
      %reduce_sum3A_214 = vector.multi_reduction <add>, %mul3A_212, %reduce_sum3A_213 [1] : vector<256x512xf32> to vector<256xf32>
      %broadcast_in_dim3A_215 = vector.shape_cast %reduce_sum3A_214 : vector<256xf32> to vector<256x1xf32>
      %div3A_216 = arith.constant 5.120000e+02 : f32
      %div3A_217 = vector.broadcast %div3A_216 : f32 to vector<256x1xf32>
      %div3A_218 = arith.divf %broadcast_in_dim3A_215, %div3A_217 : vector<256x1xf32>
      %get3A_219 = arith.constant 0 : index
      %get3A_220 = arith.constant 0 : index
      %get3A_221 = vector.load %arg7[%get3A_219, %get3A_220] : memref<1x512xf32, #tpu.memory_space<vmem>>, vector<1x512xf32>
      %mul3A_222 = vector.broadcast %get3A_221 : vector<1x512xf32> to vector<256x512xf32>
      %mul3A_223 = arith.mulf %mul3A_222, %sub3A_211 : vector<256x512xf32>
      %add3A_224 = arith.constant 1.000000e-03 : f32
      %add3A_225 = vector.broadcast %add3A_224 : f32 to vector<256x1xf32>
      %add3A_226 = arith.addf %div3A_218, %add3A_225 : vector<256x1xf32>
      %rsqrt3A = math.rsqrt %add3A_226 : vector<256x1xf32>
      %mul3A_227 = vector.broadcast %rsqrt3A : vector<256x1xf32> to vector<256x512xf32>
      %mul3A_228 = arith.mulf %mul3A_223, %mul3A_227 : vector<256x512xf32>
      %get3A_229 = arith.constant 0 : index
      %get3A_230 = arith.constant 0 : index
      %get3A_231 = vector.load %arg8[%get3A_229, %get3A_230] : memref<1x512xf32, #tpu.memory_space<vmem>>, vector<1x512xf32>
      %add3A_232 = vector.broadcast %get3A_231 : vector<1x512xf32> to vector<256x512xf32>
      %add3A_233 = arith.addf %mul3A_228, %add3A_232 : vector<256x512xf32>
      %swap3A_234 = arith.constant 0 : index
      %swap3A_235 = arith.constant 1024 : index
      %swap3A_236 = arith.constant 0 : index
      %swap3A_237 = vector.load %arg9[%swap3A_234, %swap3A_235, %swap3A_236] : memref<1x2048x512xf32, #tpu.memory_space<vmem>>, vector<1x256x512xf32>
      %swap3A_238 = vector.shape_cast %swap3A_237 : vector<1x256x512xf32> to vector<256x512xf32>
      %swap3A_239 = vector.shape_cast %add3A_233 : vector<256x512xf32> to vector<1x256x512xf32>
      tpu.vector_store %arg9[%swap3A_234, %swap3A_235, %swap3A_236], %swap3A_239 {strides = array<i32>} : memref<1x2048x512xf32, #tpu.memory_space<vmem>>, vector<1x256x512xf32>,
    } else {
    }
    %gt3A_98 = arith.constant 1280 : i32
    %gt3A_99 = arith.cmpi sgt, %add3A_67, %gt3A_98 : i32
    %convert_element_type3A_100 = arith.extui %gt3A_99 : i1 to i32
    %cond3A_101 = arith.constant 0 : i32
    %cond3A_102 = arith.cmpi ne, %convert_element_type3A_100, %cond3A_101 : i32
    scf.if %cond3A_102 {
      %broadcast_in_dim3A_113 = arith.constant 0.000000e+00 : f32
      %broadcast_in_dim3A_114 = vector.broadcast %broadcast_in_dim3A_113 : f32 to vector<256x512xf32>
      %swap3A_115 = arith.constant 0 : index
      %swap3A_116 = arith.constant 0 : index
      %swap3A_117 = vector.load %arg11[%swap3A_115, %swap3A_116] : memref<256x512xf32, #tpu.memory_space<vmem>>, vector<256x512xf32>
      tpu.vector_store %arg11[%swap3A_115, %swap3A_116], %broadcast_in_dim3A_114 {strides = array<i32>} : memref<256x512xf32, #tpu.memory_space<vmem>>, vector<256x512xf32>,
      %broadcast_in_dim3A_118 = arith.constant 0.000000e+00 : f32
      %broadcast_in_dim3A_119 = vector.broadcast %broadcast_in_dim3A_118 : f32 to vector<256x1xf32>
      %swap3A_120 = arith.constant 0 : index
      %swap3A_121 = arith.constant 0 : index
      %swap3A_122 = vector.load %arg12[%swap3A_120, %swap3A_121] : memref<256x1xf32, #tpu.memory_space<vmem>>, vector<256x1xf32>
      tpu.vector_store %arg12[%swap3A_120, %swap3A_121], %broadcast_in_dim3A_119 {strides = array<i32>} : memref<256x1xf32, #tpu.memory_space<vmem>>, vector<256x1xf32>,
      %slice3A_123 = vector.extract_strided_slice %sub3A_56 {offsets = [0, 0], sizes = [1, 1], strides = [1, 1]} : vector<2048x1xi32> to vector<1x1xi32>
      %squeeze3A_124 = vector.extract %slice3A_123[0, 0] : i32 from vector<1x1xi32>
      %slice3A_125 = vector.extract_strided_slice %sub3A_56 {offsets = [511, 0], sizes = [1, 1], strides = [1, 1]} : vector<2048x1xi32> to vector<1x1xi32>
      %squeeze3A_126 = vector.extract %slice3A_125[0, 0] : i32 from vector<1x1xi32>
      %ge3A = arith.constant 1280 : i32
      %ge3A_127 = arith.cmpi sge, %squeeze3A_126, %ge3A : i32
      %lt3A = arith.constant 1536 : i32
      %lt3A_128 = arith.cmpi slt, %squeeze3A_124, %lt3A : i32
      %and3A = arith.andi %ge3A_127, %lt3A_128 : i1
      %convert_element_type3A_129 = arith.extui %and3A : i1 to i32
      %cond3A_130 = arith.constant 0 : i32
      %cond3A_131 = arith.cmpi ne, %convert_element_type3A_129, %cond3A_130 : i32
      scf.if %cond3A_131 {
        %slice3A_240 = vector.extract_strided_slice %sub3A_56 {offsets = [0, 0], sizes = [512, 1], strides = [1, 1]} : vector<2048x1xi32> to vector<512x1xi32>
        %add3A_241 = arith.constant 1280 : i32
        %add3A_242 = vector.broadcast %add3A_241 : i32 to vector<512x256xi32>
        %add3A_243 = arith.addi %iota3A, %add3A_242 : vector<512x256xi32>
        %eq3A = vector.broadcast %slice3A_240 : vector<512x1xi32> to vector<512x256xi32>
        %eq3A_244 = arith.cmpi eq, %eq3A, %add3A_243 : vector<512x256xi32>
        %convert_element_type3A_245 = arith.extui %eq3A_244 : vector<512x256xi1> to vector<512x256xi32>
        %convert_element_type3A_246 = arith.sitofp %convert_element_type3A_245 : vector<512x256xi32> to vector<512x256xf32>
        %convert_element_type3A_247 = arith.truncf %convert_element_type3A_246 : vector<512x256xf32> to vector<512x256xbf16>
        %get3A_248 = arith.constant 0 : index
        %get3A_249 = arith.constant 0 : index
        %get3A_250 = vector.load %arg12[%get3A_248, %get3A_249] : memref<256x1xf32, #tpu.memory_space<vmem>>, vector<256x1xf32>
        %dot_general3A_251 = arith.constant dense<0.000000e+00> : vector<256x1xf32>
        %dot_general3A_252 = tpu.matmul %convert_element_type3A_247, %broadcast_in_dim3A_74, %dot_general3A_251 {dimension_numbers = #tpu.dot_dimension_numbers<[0], [0], [1], [1], [0, 1, 1, 1], [], []>, transpose_lhs_hint = false} : vector<512x256xbf16>, vector<512x1xbf16>, vector<256x1xf32> -> vector<256x1xf32>
        %add3A_253 = arith.addf %get3A_250, %dot_general3A_252 : vector<256x1xf32>
        %swap3A_254 = arith.constant 0 : index
        %swap3A_255 = arith.constant 0 : index
        %swap3A_256 = vector.load %arg12[%swap3A_254, %swap3A_255] : memref<256x1xf32, #tpu.memory_space<vmem>>, vector<256x1xf32>
        tpu.vector_store %arg12[%swap3A_254, %swap3A_255], %add3A_253 {strides = array<i32>} : memref<256x1xf32, #tpu.memory_space<vmem>>, vector<256x1xf32>,
        %get3A_257 = arith.constant 0 : index
        %get3A_258 = arith.constant 0 : index
        %get3A_259 = vector.load %arg11[%get3A_257, %get3A_258] : memref<256x512xf32, #tpu.memory_space<vmem>>, vector<256x512xf32>
        %slice3A_260 = vector.extract_strided_slice %convert_element_type3A {offsets = [0, 0], sizes = [512, 512], strides = [1, 1]} : vector<2048x512xbf16> to vector<512x512xbf16>
        %dot_general3A_261 = arith.constant dense<0.000000e+00> : vector<256x512xf32>
        %dot_general3A_262 = tpu.matmul %convert_element_type3A_247, %slice3A_260, %dot_general3A_261 {dimension_numbers = #tpu.dot_dimension_numbers<[0], [0], [1], [1], [0, 1, 1, 1], [], []>, transpose_lhs_hint = false} : vector<512x256xbf16>, vector<512x512xbf16>, vector<256x512xf32> -> vector<256x512xf32>
        %add3A_263 = arith.addf %get3A_259, %dot_general3A_262 : vector<256x512xf32>
        %swap3A_264 = arith.constant 0 : index
        %swap3A_265 = arith.constant 0 : index
        %swap3A_266 = vector.load %arg11[%swap3A_264, %swap3A_265] : memref<256x512xf32, #tpu.memory_space<vmem>>, vector<256x512xf32>
        tpu.vector_store %arg11[%swap3A_264, %swap3A_265], %add3A_263 {strides = array<i32>} : memref<256x512xf32, #tpu.memory_space<vmem>>, vector<256x512xf32>,
      } else {
      }
      %slice3A_132 = vector.extract_strided_slice %sub3A_56 {offsets = [512, 0], sizes = [1, 1], strides = [1, 1]} : vector<2048x1xi32> to vector<1x1xi32>
      %squeeze3A_133 = vector.extract %slice3A_132[0, 0] : i32 from vector<1x1xi32>
      %slice3A_134 = vector.extract_strided_slice %sub3A_56 {offsets = [1023, 0], sizes = [1, 1], strides = [1, 1]} : vector<2048x1xi32> to vector<1x1xi32>
      %squeeze3A_135 = vector.extract %slice3A_134[0, 0] : i32 from vector<1x1xi32>
      %ge3A_136 = arith.constant 1280 : i32
      %ge3A_137 = arith.cmpi sge, %squeeze3A_135, %ge3A_136 : i32
      %lt3A_138 = arith.constant 1536 : i32
      %lt3A_139 = arith.cmpi slt, %squeeze3A_133, %lt3A_138 : i32
      %and3A_140 = arith.andi %ge3A_137, %lt3A_139 : i1
      %convert_element_type3A_141 = arith.extui %and3A_140 : i1 to i32
      %cond3A_142 = arith.constant 0 : i32
      %cond3A_143 = arith.cmpi ne, %convert_element_type3A_141, %cond3A_142 : i32
      scf.if %cond3A_143 {
        %slice3A_240 = vector.extract_strided_slice %sub3A_56 {offsets = [512, 0], sizes = [512, 1], strides = [1, 1]} : vector<2048x1xi32> to vector<512x1xi32>
        %add3A_241 = arith.constant 1280 : i32
        %add3A_242 = vector.broadcast %add3A_241 : i32 to vector<512x256xi32>
        %add3A_243 = arith.addi %iota3A, %add3A_242 : vector<512x256xi32>
        %eq3A = vector.broadcast %slice3A_240 : vector<512x1xi32> to vector<512x256xi32>
        %eq3A_244 = arith.cmpi eq, %eq3A, %add3A_243 : vector<512x256xi32>
        %convert_element_type3A_245 = arith.extui %eq3A_244 : vector<512x256xi1> to vector<512x256xi32>
        %convert_element_type3A_246 = arith.sitofp %convert_element_type3A_245 : vector<512x256xi32> to vector<512x256xf32>
        %convert_element_type3A_247 = arith.truncf %convert_element_type3A_246 : vector<512x256xf32> to vector<512x256xbf16>
        %get3A_248 = arith.constant 0 : index
        %get3A_249 = arith.constant 0 : index
        %get3A_250 = vector.load %arg12[%get3A_248, %get3A_249] : memref<256x1xf32, #tpu.memory_space<vmem>>, vector<256x1xf32>
        %dot_general3A_251 = arith.constant dense<0.000000e+00> : vector<256x1xf32>
        %dot_general3A_252 = tpu.matmul %convert_element_type3A_247, %broadcast_in_dim3A_74, %dot_general3A_251 {dimension_numbers = #tpu.dot_dimension_numbers<[0], [0], [1], [1], [0, 1, 1, 1], [], []>, transpose_lhs_hint = false} : vector<512x256xbf16>, vector<512x1xbf16>, vector<256x1xf32> -> vector<256x1xf32>
        %add3A_253 = arith.addf %get3A_250, %dot_general3A_252 : vector<256x1xf32>
        %swap3A_254 = arith.constant 0 : index
        %swap3A_255 = arith.constant 0 : index
        %swap3A_256 = vector.load %arg12[%swap3A_254, %swap3A_255] : memref<256x1xf32, #tpu.memory_space<vmem>>, vector<256x1xf32>
        tpu.vector_store %arg12[%swap3A_254, %swap3A_255], %add3A_253 {strides = array<i32>} : memref<256x1xf32, #tpu.memory_space<vmem>>, vector<256x1xf32>,
        %get3A_257 = arith.constant 0 : index
        %get3A_258 = arith.constant 0 : index
        %get3A_259 = vector.load %arg11[%get3A_257, %get3A_258] : memref<256x512xf32, #tpu.memory_space<vmem>>, vector<256x512xf32>
        %slice3A_260 = vector.extract_strided_slice %convert_element_type3A {offsets = [512, 0], sizes = [512, 512], strides = [1, 1]} : vector<2048x512xbf16> to vector<512x512xbf16>
        %dot_general3A_261 = arith.constant dense<0.000000e+00> : vector<256x512xf32>
        %dot_general3A_262 = tpu.matmul %convert_element_type3A_247, %slice3A_260, %dot_general3A_261 {dimension_numbers = #tpu.dot_dimension_numbers<[0], [0], [1], [1], [0, 1, 1, 1], [], []>, transpose_lhs_hint = false} : vector<512x256xbf16>, vector<512x512xbf16>, vector<256x512xf32> -> vector<256x512xf32>
        %add3A_263 = arith.addf %get3A_259, %dot_general3A_262 : vector<256x512xf32>
        %swap3A_264 = arith.constant 0 : index
        %swap3A_265 = arith.constant 0 : index
        %swap3A_266 = vector.load %arg11[%swap3A_264, %swap3A_265] : memref<256x512xf32, #tpu.memory_space<vmem>>, vector<256x512xf32>
        tpu.vector_store %arg11[%swap3A_264, %swap3A_265], %add3A_263 {strides = array<i32>} : memref<256x512xf32, #tpu.memory_space<vmem>>, vector<256x512xf32>,
      } else {
      }
      %slice3A_144 = vector.extract_strided_slice %sub3A_56 {offsets = [1024, 0], sizes = [1, 1], strides = [1, 1]} : vector<2048x1xi32> to vector<1x1xi32>
      %squeeze3A_145 = vector.extract %slice3A_144[0, 0] : i32 from vector<1x1xi32>
      %slice3A_146 = vector.extract_strided_slice %sub3A_56 {offsets = [1535, 0], sizes = [1, 1], strides = [1, 1]} : vector<2048x1xi32> to vector<1x1xi32>
      %squeeze3A_147 = vector.extract %slice3A_146[0, 0] : i32 from vector<1x1xi32>
      %ge3A_148 = arith.constant 1280 : i32
      %ge3A_149 = arith.cmpi sge, %squeeze3A_147, %ge3A_148 : i32
      %lt3A_150 = arith.constant 1536 : i32
      %lt3A_151 = arith.cmpi slt, %squeeze3A_145, %lt3A_150 : i32
      %and3A_152 = arith.andi %ge3A_149, %lt3A_151 : i1
      %convert_element_type3A_153 = arith.extui %and3A_152 : i1 to i32
      %cond3A_154 = arith.constant 0 : i32
      %cond3A_155 = arith.cmpi ne, %convert_element_type3A_153, %cond3A_154 : i32
      scf.if %cond3A_155 {
        %slice3A_240 = vector.extract_strided_slice %sub3A_56 {offsets = [1024, 0], sizes = [512, 1], strides = [1, 1]} : vector<2048x1xi32> to vector<512x1xi32>
        %add3A_241 = arith.constant 1280 : i32
        %add3A_242 = vector.broadcast %add3A_241 : i32 to vector<512x256xi32>
        %add3A_243 = arith.addi %iota3A, %add3A_242 : vector<512x256xi32>
        %eq3A = vector.broadcast %slice3A_240 : vector<512x1xi32> to vector<512x256xi32>
        %eq3A_244 = arith.cmpi eq, %eq3A, %add3A_243 : vector<512x256xi32>
        %convert_element_type3A_245 = arith.extui %eq3A_244 : vector<512x256xi1> to vector<512x256xi32>
        %convert_element_type3A_246 = arith.sitofp %convert_element_type3A_245 : vector<512x256xi32> to vector<512x256xf32>
        %convert_element_type3A_247 = arith.truncf %convert_element_type3A_246 : vector<512x256xf32> to vector<512x256xbf16>
        %get3A_248 = arith.constant 0 : index
        %get3A_249 = arith.constant 0 : index
        %get3A_250 = vector.load %arg12[%get3A_248, %get3A_249] : memref<256x1xf32, #tpu.memory_space<vmem>>, vector<256x1xf32>
        %dot_general3A_251 = arith.constant dense<0.000000e+00> : vector<256x1xf32>
        %dot_general3A_252 = tpu.matmul %convert_element_type3A_247, %broadcast_in_dim3A_74, %dot_general3A_251 {dimension_numbers = #tpu.dot_dimension_numbers<[0], [0], [1], [1], [0, 1, 1, 1], [], []>, transpose_lhs_hint = false} : vector<512x256xbf16>, vector<512x1xbf16>, vector<256x1xf32> -> vector<256x1xf32>
        %add3A_253 = arith.addf %get3A_250, %dot_general3A_252 : vector<256x1xf32>
        %swap3A_254 = arith.constant 0 : index
        %swap3A_255 = arith.constant 0 : index
        %swap3A_256 = vector.load %arg12[%swap3A_254, %swap3A_255] : memref<256x1xf32, #tpu.memory_space<vmem>>, vector<256x1xf32>
        tpu.vector_store %arg12[%swap3A_254, %swap3A_255], %add3A_253 {strides = array<i32>} : memref<256x1xf32, #tpu.memory_space<vmem>>, vector<256x1xf32>,
        %get3A_257 = arith.constant 0 : index
        %get3A_258 = arith.constant 0 : index
        %get3A_259 = vector.load %arg11[%get3A_257, %get3A_258] : memref<256x512xf32, #tpu.memory_space<vmem>>, vector<256x512xf32>
        %slice3A_260 = vector.extract_strided_slice %convert_element_type3A {offsets = [1024, 0], sizes = [512, 512], strides = [1, 1]} : vector<2048x512xbf16> to vector<512x512xbf16>
        %dot_general3A_261 = arith.constant dense<0.000000e+00> : vector<256x512xf32>
        %dot_general3A_262 = tpu.matmul %convert_element_type3A_247, %slice3A_260, %dot_general3A_261 {dimension_numbers = #tpu.dot_dimension_numbers<[0], [0], [1], [1], [0, 1, 1, 1], [], []>, transpose_lhs_hint = false} : vector<512x256xbf16>, vector<512x512xbf16>, vector<256x512xf32> -> vector<256x512xf32>
        %add3A_263 = arith.addf %get3A_259, %dot_general3A_262 : vector<256x512xf32>
        %swap3A_264 = arith.constant 0 : index
        %swap3A_265 = arith.constant 0 : index
        %swap3A_266 = vector.load %arg11[%swap3A_264, %swap3A_265] : memref<256x512xf32, #tpu.memory_space<vmem>>, vector<256x512xf32>
        tpu.vector_store %arg11[%swap3A_264, %swap3A_265], %add3A_263 {strides = array<i32>} : memref<256x512xf32, #tpu.memory_space<vmem>>, vector<256x512xf32>,
      } else {
      }
      %slice3A_156 = vector.extract_strided_slice %sub3A_56 {offsets = [1536, 0], sizes = [1, 1], strides = [1, 1]} : vector<2048x1xi32> to vector<1x1xi32>
      %squeeze3A_157 = vector.extract %slice3A_156[0, 0] : i32 from vector<1x1xi32>
      %slice3A_158 = vector.extract_strided_slice %sub3A_56 {offsets = [2047, 0], sizes = [1, 1], strides = [1, 1]} : vector<2048x1xi32> to vector<1x1xi32>
      %squeeze3A_159 = vector.extract %slice3A_158[0, 0] : i32 from vector<1x1xi32>
      %ge3A_160 = arith.constant 1280 : i32
      %ge3A_161 = arith.cmpi sge, %squeeze3A_159, %ge3A_160 : i32
      %lt3A_162 = arith.constant 1536 : i32
      %lt3A_163 = arith.cmpi slt, %squeeze3A_157, %lt3A_162 : i32
      %and3A_164 = arith.andi %ge3A_161, %lt3A_163 : i1
      %convert_element_type3A_165 = arith.extui %and3A_164 : i1 to i32
      %cond3A_166 = arith.constant 0 : i32
      %cond3A_167 = arith.cmpi ne, %convert_element_type3A_165, %cond3A_166 : i32
      scf.if %cond3A_167 {
        %slice3A_240 = vector.extract_strided_slice %sub3A_56 {offsets = [1536, 0], sizes = [512, 1], strides = [1, 1]} : vector<2048x1xi32> to vector<512x1xi32>
        %add3A_241 = arith.constant 1280 : i32
        %add3A_242 = vector.broadcast %add3A_241 : i32 to vector<512x256xi32>
        %add3A_243 = arith.addi %iota3A, %add3A_242 : vector<512x256xi32>
        %eq3A = vector.broadcast %slice3A_240 : vector<512x1xi32> to vector<512x256xi32>
        %eq3A_244 = arith.cmpi eq, %eq3A, %add3A_243 : vector<512x256xi32>
        %convert_element_type3A_245 = arith.extui %eq3A_244 : vector<512x256xi1> to vector<512x256xi32>
        %convert_element_type3A_246 = arith.sitofp %convert_element_type3A_245 : vector<512x256xi32> to vector<512x256xf32>
        %convert_element_type3A_247 = arith.truncf %convert_element_type3A_246 : vector<512x256xf32> to vector<512x256xbf16>
        %get3A_248 = arith.constant 0 : index
        %get3A_249 = arith.constant 0 : index
        %get3A_250 = vector.load %arg12[%get3A_248, %get3A_249] : memref<256x1xf32, #tpu.memory_space<vmem>>, vector<256x1xf32>
        %dot_general3A_251 = arith.constant dense<0.000000e+00> : vector<256x1xf32>
        %dot_general3A_252 = tpu.matmul %convert_element_type3A_247, %broadcast_in_dim3A_74, %dot_general3A_251 {dimension_numbers = #tpu.dot_dimension_numbers<[0], [0], [1], [1], [0, 1, 1, 1], [], []>, transpose_lhs_hint = false} : vector<512x256xbf16>, vector<512x1xbf16>, vector<256x1xf32> -> vector<256x1xf32>
        %add3A_253 = arith.addf %get3A_250, %dot_general3A_252 : vector<256x1xf32>
        %swap3A_254 = arith.constant 0 : index
        %swap3A_255 = arith.constant 0 : index
        %swap3A_256 = vector.load %arg12[%swap3A_254, %swap3A_255] : memref<256x1xf32, #tpu.memory_space<vmem>>, vector<256x1xf32>
        tpu.vector_store %arg12[%swap3A_254, %swap3A_255], %add3A_253 {strides = array<i32>} : memref<256x1xf32, #tpu.memory_space<vmem>>, vector<256x1xf32>,
        %get3A_257 = arith.constant 0 : index
        %get3A_258 = arith.constant 0 : index
        %get3A_259 = vector.load %arg11[%get3A_257, %get3A_258] : memref<256x512xf32, #tpu.memory_space<vmem>>, vector<256x512xf32>
        %slice3A_260 = vector.extract_strided_slice %convert_element_type3A {offsets = [1536, 0], sizes = [512, 512], strides = [1, 1]} : vector<2048x512xbf16> to vector<512x512xbf16>
        %dot_general3A_261 = arith.constant dense<0.000000e+00> : vector<256x512xf32>
        %dot_general3A_262 = tpu.matmul %convert_element_type3A_247, %slice3A_260, %dot_general3A_261 {dimension_numbers = #tpu.dot_dimension_numbers<[0], [0], [1], [1], [0, 1, 1, 1], [], []>, transpose_lhs_hint = false} : vector<512x256xbf16>, vector<512x512xbf16>, vector<256x512xf32> -> vector<256x512xf32>
        %add3A_263 = arith.addf %get3A_259, %dot_general3A_262 : vector<256x512xf32>
        %swap3A_264 = arith.constant 0 : index
        %swap3A_265 = arith.constant 0 : index
        %swap3A_266 = vector.load %arg11[%swap3A_264, %swap3A_265] : memref<256x512xf32, #tpu.memory_space<vmem>>, vector<256x512xf32>
        tpu.vector_store %arg11[%swap3A_264, %swap3A_265], %add3A_263 {strides = array<i32>} : memref<256x512xf32, #tpu.memory_space<vmem>>, vector<256x512xf32>,
      } else {
      }
      %get3A_168 = arith.constant 0 : index
      %get3A_169 = arith.constant 0 : index
      %get3A_170 = vector.load %arg11[%get3A_168, %get3A_169] : memref<256x512xf32, #tpu.memory_space<vmem>>, vector<256x512xf32>
      %get3A_171 = arith.constant 0 : index
      %get3A_172 = arith.constant 0 : index
      %get3A_173 = vector.load %arg12[%get3A_171, %get3A_172] : memref<256x1xf32, #tpu.memory_space<vmem>>, vector<256x1xf32>
      %max3A = arith.constant 1.000000e+00 : f32
      %max3A_174 = vector.broadcast %max3A : f32 to vector<256x1xf32>
      %max3A_175 = arith.maximumf %get3A_173, %max3A_174 : vector<256x1xf32>
      %div3A = arith.constant 1.000000e+00 : f32
      %div3A_176 = vector.broadcast %div3A : f32 to vector<256x1xf32>
      %div3A_177 = arith.divf %div3A_176, %max3A_175 : vector<256x1xf32>
      %mul3A_178 = vector.broadcast %div3A_177 : vector<256x1xf32> to vector<256x512xf32>
      %mul3A_179 = arith.mulf %get3A_170, %mul3A_178 : vector<256x512xf32>
      %convert_element_type3A_180 = arith.truncf %mul3A_179 : vector<256x512xf32> to vector<256x512xbf16>
      %get3A_181 = arith.constant 0 : index
      %get3A_182 = arith.constant 0 : index
      %get3A_183 = vector.load %arg3[%get3A_181, %get3A_182] : memref<512x2048xbf16, #tpu.memory_space<vmem>>, vector<512x2048xbf16>
      %dot_general3A = arith.constant dense<0.000000e+00> : vector<256x2048xf32>
      %dot_general3A_184 = tpu.matmul %convert_element_type3A_180, %get3A_183, %dot_general3A {dimension_numbers = #tpu.dot_dimension_numbers<[1], [0], [0], [1], [0, 0, 1, 1], [], []>, transpose_lhs_hint = false} : vector<256x512xbf16>, vector<512x2048xbf16>, vector<256x2048xf32> -> vector<256x2048xf32>
      %get3A_185 = arith.constant 0 : index
      %get3A_186 = arith.constant 0 : index
      %get3A_187 = vector.load %arg4[%get3A_185, %get3A_186] : memref<1x2048xf32, #tpu.memory_space<vmem>>, vector<1x2048xf32>
      %add3A_188 = vector.broadcast %get3A_187 : vector<1x2048xf32> to vector<256x2048xf32>
      %add3A_189 = arith.addf %dot_general3A_184, %add3A_188 : vector<256x2048xf32>
      %max3A_190 = arith.constant 0.000000e+00 : f32
      %max3A_191 = vector.broadcast %max3A_190 : f32 to vector<256x2048xf32>
      %max3A_192 = arith.maximumf %add3A_189, %max3A_191 : vector<256x2048xf32>
      %convert_element_type3A_193 = arith.truncf %max3A_192 : vector<256x2048xf32> to vector<256x2048xbf16>
      %get3A_194 = arith.constant 0 : index
      %get3A_195 = arith.constant 0 : index
      %get3A_196 = vector.load %arg5[%get3A_194, %get3A_195] : memref<2048x512xbf16, #tpu.memory_space<vmem>>, vector<2048x512xbf16>
      %dot_general3A_197 = arith.constant dense<0.000000e+00> : vector<256x512xf32>
      %dot_general3A_198 = tpu.matmul %convert_element_type3A_193, %get3A_196, %dot_general3A_197 {dimension_numbers = #tpu.dot_dimension_numbers<[1], [0], [0], [1], [0, 0, 1, 1], [], []>, transpose_lhs_hint = false} : vector<256x2048xbf16>, vector<2048x512xbf16>, vector<256x512xf32> -> vector<256x512xf32>
      %add3A_199 = arith.addf %mul3A_179, %dot_general3A_198 : vector<256x512xf32>
      %get3A_200 = arith.constant 0 : index
      %get3A_201 = arith.constant 0 : index
      %get3A_202 = vector.load %arg6[%get3A_200, %get3A_201] : memref<1x512xf32, #tpu.memory_space<vmem>>, vector<1x512xf32>
      %add3A_203 = vector.broadcast %get3A_202 : vector<1x512xf32> to vector<256x512xf32>
      %add3A_204 = arith.addf %add3A_199, %add3A_203 : vector<256x512xf32>
      %reduce_sum3A = arith.constant dense<0.000000e+00> : vector<256xf32>
      %reduce_sum3A_205 = vector.multi_reduction <add>, %add3A_204, %reduce_sum3A [1] : vector<256x512xf32> to vector<256xf32>
      %broadcast_in_dim3A_206 = vector.shape_cast %reduce_sum3A_205 : vector<256xf32> to vector<256x1xf32>
      %div3A_207 = arith.constant 5.120000e+02 : f32
      %div3A_208 = vector.broadcast %div3A_207 : f32 to vector<256x1xf32>
      %div3A_209 = arith.divf %broadcast_in_dim3A_206, %div3A_208 : vector<256x1xf32>
      %sub3A_210 = vector.broadcast %div3A_209 : vector<256x1xf32> to vector<256x512xf32>
      %sub3A_211 = arith.subf %add3A_204, %sub3A_210 : vector<256x512xf32>
      %mul3A_212 = arith.mulf %sub3A_211, %sub3A_211 : vector<256x512xf32>
      %reduce_sum3A_213 = arith.constant dense<0.000000e+00> : vector<256xf32>
      %reduce_sum3A_214 = vector.multi_reduction <add>, %mul3A_212, %reduce_sum3A_213 [1] : vector<256x512xf32> to vector<256xf32>
      %broadcast_in_dim3A_215 = vector.shape_cast %reduce_sum3A_214 : vector<256xf32> to vector<256x1xf32>
      %div3A_216 = arith.constant 5.120000e+02 : f32
      %div3A_217 = vector.broadcast %div3A_216 : f32 to vector<256x1xf32>
      %div3A_218 = arith.divf %broadcast_in_dim3A_215, %div3A_217 : vector<256x1xf32>
      %get3A_219 = arith.constant 0 : index
      %get3A_220 = arith.constant 0 : index
      %get3A_221 = vector.load %arg7[%get3A_219, %get3A_220] : memref<1x512xf32, #tpu.memory_space<vmem>>, vector<1x512xf32>
      %mul3A_222 = vector.broadcast %get3A_221 : vector<1x512xf32> to vector<256x512xf32>
      %mul3A_223 = arith.mulf %mul3A_222, %sub3A_211 : vector<256x512xf32>
      %add3A_224 = arith.constant 1.000000e-03 : f32
      %add3A_225 = vector.broadcast %add3A_224 : f32 to vector<256x1xf32>
      %add3A_226 = arith.addf %div3A_218, %add3A_225 : vector<256x1xf32>
      %rsqrt3A = math.rsqrt %add3A_226 : vector<256x1xf32>
      %mul3A_227 = vector.broadcast %rsqrt3A : vector<256x1xf32> to vector<256x512xf32>
      %mul3A_228 = arith.mulf %mul3A_223, %mul3A_227 : vector<256x512xf32>
      %get3A_229 = arith.constant 0 : index
      %get3A_230 = arith.constant 0 : index
      %get3A_231 = vector.load %arg8[%get3A_229, %get3A_230] : memref<1x512xf32, #tpu.memory_space<vmem>>, vector<1x512xf32>
      %add3A_232 = vector.broadcast %get3A_231 : vector<1x512xf32> to vector<256x512xf32>
      %add3A_233 = arith.addf %mul3A_228, %add3A_232 : vector<256x512xf32>
      %swap3A_234 = arith.constant 0 : index
      %swap3A_235 = arith.constant 1280 : index
      %swap3A_236 = arith.constant 0 : index
      %swap3A_237 = vector.load %arg9[%swap3A_234, %swap3A_235, %swap3A_236] : memref<1x2048x512xf32, #tpu.memory_space<vmem>>, vector<1x256x512xf32>
      %swap3A_238 = vector.shape_cast %swap3A_237 : vector<1x256x512xf32> to vector<256x512xf32>
      %swap3A_239 = vector.shape_cast %add3A_233 : vector<256x512xf32> to vector<1x256x512xf32>
      tpu.vector_store %arg9[%swap3A_234, %swap3A_235, %swap3A_236], %swap3A_239 {strides = array<i32>} : memref<1x2048x512xf32, #tpu.memory_space<vmem>>, vector<1x256x512xf32>,
    } else {
    }
    %gt3A_103 = arith.constant 1536 : i32
    %gt3A_104 = arith.cmpi sgt, %add3A_67, %gt3A_103 : i32
    %convert_element_type3A_105 = arith.extui %gt3A_104 : i1 to i32
    %cond3A_106 = arith.constant 0 : i32
    %cond3A_107 = arith.cmpi ne, %convert_element_type3A_105, %cond3A_106 : i32
    scf.if %cond3A_107 {
      %broadcast_in_dim3A_113 = arith.constant 0.000000e+00 : f32
      %broadcast_in_dim3A_114 = vector.broadcast %broadcast_in_dim3A_113 : f32 to vector<256x512xf32>
      %swap3A_115 = arith.constant 0 : index
      %swap3A_116 = arith.constant 0 : index
      %swap3A_117 = vector.load %arg11[%swap3A_115, %swap3A_116] : memref<256x512xf32, #tpu.memory_space<vmem>>, vector<256x512xf32>
      tpu.vector_store %arg11[%swap3A_115, %swap3A_116], %broadcast_in_dim3A_114 {strides = array<i32>} : memref<256x512xf32, #tpu.memory_space<vmem>>, vector<256x512xf32>,
      %broadcast_in_dim3A_118 = arith.constant 0.000000e+00 : f32
      %broadcast_in_dim3A_119 = vector.broadcast %broadcast_in_dim3A_118 : f32 to vector<256x1xf32>
      %swap3A_120 = arith.constant 0 : index
      %swap3A_121 = arith.constant 0 : index
      %swap3A_122 = vector.load %arg12[%swap3A_120, %swap3A_121] : memref<256x1xf32, #tpu.memory_space<vmem>>, vector<256x1xf32>
      tpu.vector_store %arg12[%swap3A_120, %swap3A_121], %broadcast_in_dim3A_119 {strides = array<i32>} : memref<256x1xf32, #tpu.memory_space<vmem>>, vector<256x1xf32>,
      %slice3A_123 = vector.extract_strided_slice %sub3A_56 {offsets = [0, 0], sizes = [1, 1], strides = [1, 1]} : vector<2048x1xi32> to vector<1x1xi32>
      %squeeze3A_124 = vector.extract %slice3A_123[0, 0] : i32 from vector<1x1xi32>
      %slice3A_125 = vector.extract_strided_slice %sub3A_56 {offsets = [511, 0], sizes = [1, 1], strides = [1, 1]} : vector<2048x1xi32> to vector<1x1xi32>
      %squeeze3A_126 = vector.extract %slice3A_125[0, 0] : i32 from vector<1x1xi32>
      %ge3A = arith.constant 1536 : i32
      %ge3A_127 = arith.cmpi sge, %squeeze3A_126, %ge3A : i32
      %lt3A = arith.constant 1792 : i32
      %lt3A_128 = arith.cmpi slt, %squeeze3A_124, %lt3A : i32
      %and3A = arith.andi %ge3A_127, %lt3A_128 : i1
      %convert_element_type3A_129 = arith.extui %and3A : i1 to i32
      %cond3A_130 = arith.constant 0 : i32
      %cond3A_131 = arith.cmpi ne, %convert_element_type3A_129, %cond3A_130 : i32
      scf.if %cond3A_131 {
        %slice3A_240 = vector.extract_strided_slice %sub3A_56 {offsets = [0, 0], sizes = [512, 1], strides = [1, 1]} : vector<2048x1xi32> to vector<512x1xi32>
        %add3A_241 = arith.constant 1536 : i32
        %add3A_242 = vector.broadcast %add3A_241 : i32 to vector<512x256xi32>
        %add3A_243 = arith.addi %iota3A, %add3A_242 : vector<512x256xi32>
        %eq3A = vector.broadcast %slice3A_240 : vector<512x1xi32> to vector<512x256xi32>
        %eq3A_244 = arith.cmpi eq, %eq3A, %add3A_243 : vector<512x256xi32>
        %convert_element_type3A_245 = arith.extui %eq3A_244 : vector<512x256xi1> to vector<512x256xi32>
        %convert_element_type3A_246 = arith.sitofp %convert_element_type3A_245 : vector<512x256xi32> to vector<512x256xf32>
        %convert_element_type3A_247 = arith.truncf %convert_element_type3A_246 : vector<512x256xf32> to vector<512x256xbf16>
        %get3A_248 = arith.constant 0 : index
        %get3A_249 = arith.constant 0 : index
        %get3A_250 = vector.load %arg12[%get3A_248, %get3A_249] : memref<256x1xf32, #tpu.memory_space<vmem>>, vector<256x1xf32>
        %dot_general3A_251 = arith.constant dense<0.000000e+00> : vector<256x1xf32>
        %dot_general3A_252 = tpu.matmul %convert_element_type3A_247, %broadcast_in_dim3A_74, %dot_general3A_251 {dimension_numbers = #tpu.dot_dimension_numbers<[0], [0], [1], [1], [0, 1, 1, 1], [], []>, transpose_lhs_hint = false} : vector<512x256xbf16>, vector<512x1xbf16>, vector<256x1xf32> -> vector<256x1xf32>
        %add3A_253 = arith.addf %get3A_250, %dot_general3A_252 : vector<256x1xf32>
        %swap3A_254 = arith.constant 0 : index
        %swap3A_255 = arith.constant 0 : index
        %swap3A_256 = vector.load %arg12[%swap3A_254, %swap3A_255] : memref<256x1xf32, #tpu.memory_space<vmem>>, vector<256x1xf32>
        tpu.vector_store %arg12[%swap3A_254, %swap3A_255], %add3A_253 {strides = array<i32>} : memref<256x1xf32, #tpu.memory_space<vmem>>, vector<256x1xf32>,
        %get3A_257 = arith.constant 0 : index
        %get3A_258 = arith.constant 0 : index
        %get3A_259 = vector.load %arg11[%get3A_257, %get3A_258] : memref<256x512xf32, #tpu.memory_space<vmem>>, vector<256x512xf32>
        %slice3A_260 = vector.extract_strided_slice %convert_element_type3A {offsets = [0, 0], sizes = [512, 512], strides = [1, 1]} : vector<2048x512xbf16> to vector<512x512xbf16>
        %dot_general3A_261 = arith.constant dense<0.000000e+00> : vector<256x512xf32>
        %dot_general3A_262 = tpu.matmul %convert_element_type3A_247, %slice3A_260, %dot_general3A_261 {dimension_numbers = #tpu.dot_dimension_numbers<[0], [0], [1], [1], [0, 1, 1, 1], [], []>, transpose_lhs_hint = false} : vector<512x256xbf16>, vector<512x512xbf16>, vector<256x512xf32> -> vector<256x512xf32>
        %add3A_263 = arith.addf %get3A_259, %dot_general3A_262 : vector<256x512xf32>
        %swap3A_264 = arith.constant 0 : index
        %swap3A_265 = arith.constant 0 : index
        %swap3A_266 = vector.load %arg11[%swap3A_264, %swap3A_265] : memref<256x512xf32, #tpu.memory_space<vmem>>, vector<256x512xf32>
        tpu.vector_store %arg11[%swap3A_264, %swap3A_265], %add3A_263 {strides = array<i32>} : memref<256x512xf32, #tpu.memory_space<vmem>>, vector<256x512xf32>,
      } else {
      }
      %slice3A_132 = vector.extract_strided_slice %sub3A_56 {offsets = [512, 0], sizes = [1, 1], strides = [1, 1]} : vector<2048x1xi32> to vector<1x1xi32>
      %squeeze3A_133 = vector.extract %slice3A_132[0, 0] : i32 from vector<1x1xi32>
      %slice3A_134 = vector.extract_strided_slice %sub3A_56 {offsets = [1023, 0], sizes = [1, 1], strides = [1, 1]} : vector<2048x1xi32> to vector<1x1xi32>
      %squeeze3A_135 = vector.extract %slice3A_134[0, 0] : i32 from vector<1x1xi32>
      %ge3A_136 = arith.constant 1536 : i32
      %ge3A_137 = arith.cmpi sge, %squeeze3A_135, %ge3A_136 : i32
      %lt3A_138 = arith.constant 1792 : i32
      %lt3A_139 = arith.cmpi slt, %squeeze3A_133, %lt3A_138 : i32
      %and3A_140 = arith.andi %ge3A_137, %lt3A_139 : i1
      %convert_element_type3A_141 = arith.extui %and3A_140 : i1 to i32
      %cond3A_142 = arith.constant 0 : i32
      %cond3A_143 = arith.cmpi ne, %convert_element_type3A_141, %cond3A_142 : i32
      scf.if %cond3A_143 {
        %slice3A_240 = vector.extract_strided_slice %sub3A_56 {offsets = [512, 0], sizes = [512, 1], strides = [1, 1]} : vector<2048x1xi32> to vector<512x1xi32>
        %add3A_241 = arith.constant 1536 : i32
        %add3A_242 = vector.broadcast %add3A_241 : i32 to vector<512x256xi32>
        %add3A_243 = arith.addi %iota3A, %add3A_242 : vector<512x256xi32>
        %eq3A = vector.broadcast %slice3A_240 : vector<512x1xi32> to vector<512x256xi32>
        %eq3A_244 = arith.cmpi eq, %eq3A, %add3A_243 : vector<512x256xi32>
        %convert_element_type3A_245 = arith.extui %eq3A_244 : vector<512x256xi1> to vector<512x256xi32>
        %convert_element_type3A_246 = arith.sitofp %convert_element_type3A_245 : vector<512x256xi32> to vector<512x256xf32>
        %convert_element_type3A_247 = arith.truncf %convert_element_type3A_246 : vector<512x256xf32> to vector<512x256xbf16>
        %get3A_248 = arith.constant 0 : index
        %get3A_249 = arith.constant 0 : index
        %get3A_250 = vector.load %arg12[%get3A_248, %get3A_249] : memref<256x1xf32, #tpu.memory_space<vmem>>, vector<256x1xf32>
        %dot_general3A_251 = arith.constant dense<0.000000e+00> : vector<256x1xf32>
        %dot_general3A_252 = tpu.matmul %convert_element_type3A_247, %broadcast_in_dim3A_74, %dot_general3A_251 {dimension_numbers = #tpu.dot_dimension_numbers<[0], [0], [1], [1], [0, 1, 1, 1], [], []>, transpose_lhs_hint = false} : vector<512x256xbf16>, vector<512x1xbf16>, vector<256x1xf32> -> vector<256x1xf32>
        %add3A_253 = arith.addf %get3A_250, %dot_general3A_252 : vector<256x1xf32>
        %swap3A_254 = arith.constant 0 : index
        %swap3A_255 = arith.constant 0 : index
        %swap3A_256 = vector.load %arg12[%swap3A_254, %swap3A_255] : memref<256x1xf32, #tpu.memory_space<vmem>>, vector<256x1xf32>
        tpu.vector_store %arg12[%swap3A_254, %swap3A_255], %add3A_253 {strides = array<i32>} : memref<256x1xf32, #tpu.memory_space<vmem>>, vector<256x1xf32>,
        %get3A_257 = arith.constant 0 : index
        %get3A_258 = arith.constant 0 : index
        %get3A_259 = vector.load %arg11[%get3A_257, %get3A_258] : memref<256x512xf32, #tpu.memory_space<vmem>>, vector<256x512xf32>
        %slice3A_260 = vector.extract_strided_slice %convert_element_type3A {offsets = [512, 0], sizes = [512, 512], strides = [1, 1]} : vector<2048x512xbf16> to vector<512x512xbf16>
        %dot_general3A_261 = arith.constant dense<0.000000e+00> : vector<256x512xf32>
        %dot_general3A_262 = tpu.matmul %convert_element_type3A_247, %slice3A_260, %dot_general3A_261 {dimension_numbers = #tpu.dot_dimension_numbers<[0], [0], [1], [1], [0, 1, 1, 1], [], []>, transpose_lhs_hint = false} : vector<512x256xbf16>, vector<512x512xbf16>, vector<256x512xf32> -> vector<256x512xf32>
        %add3A_263 = arith.addf %get3A_259, %dot_general3A_262 : vector<256x512xf32>
        %swap3A_264 = arith.constant 0 : index
        %swap3A_265 = arith.constant 0 : index
        %swap3A_266 = vector.load %arg11[%swap3A_264, %swap3A_265] : memref<256x512xf32, #tpu.memory_space<vmem>>, vector<256x512xf32>
        tpu.vector_store %arg11[%swap3A_264, %swap3A_265], %add3A_263 {strides = array<i32>} : memref<256x512xf32, #tpu.memory_space<vmem>>, vector<256x512xf32>,
      } else {
      }
      %slice3A_144 = vector.extract_strided_slice %sub3A_56 {offsets = [1024, 0], sizes = [1, 1], strides = [1, 1]} : vector<2048x1xi32> to vector<1x1xi32>
      %squeeze3A_145 = vector.extract %slice3A_144[0, 0] : i32 from vector<1x1xi32>
      %slice3A_146 = vector.extract_strided_slice %sub3A_56 {offsets = [1535, 0], sizes = [1, 1], strides = [1, 1]} : vector<2048x1xi32> to vector<1x1xi32>
      %squeeze3A_147 = vector.extract %slice3A_146[0, 0] : i32 from vector<1x1xi32>
      %ge3A_148 = arith.constant 1536 : i32
      %ge3A_149 = arith.cmpi sge, %squeeze3A_147, %ge3A_148 : i32
      %lt3A_150 = arith.constant 1792 : i32
      %lt3A_151 = arith.cmpi slt, %squeeze3A_145, %lt3A_150 : i32
      %and3A_152 = arith.andi %ge3A_149, %lt3A_151 : i1
      %convert_element_type3A_153 = arith.extui %and3A_152 : i1 to i32
      %cond3A_154 = arith.constant 0 : i32
      %cond3A_155 = arith.cmpi ne, %convert_element_type3A_153, %cond3A_154 : i32
      scf.if %cond3A_155 {
        %slice3A_240 = vector.extract_strided_slice %sub3A_56 {offsets = [1024, 0], sizes = [512, 1], strides = [1, 1]} : vector<2048x1xi32> to vector<512x1xi32>
        %add3A_241 = arith.constant 1536 : i32
        %add3A_242 = vector.broadcast %add3A_241 : i32 to vector<512x256xi32>
        %add3A_243 = arith.addi %iota3A, %add3A_242 : vector<512x256xi32>
        %eq3A = vector.broadcast %slice3A_240 : vector<512x1xi32> to vector<512x256xi32>
        %eq3A_244 = arith.cmpi eq, %eq3A, %add3A_243 : vector<512x256xi32>
        %convert_element_type3A_245 = arith.extui %eq3A_244 : vector<512x256xi1> to vector<512x256xi32>
        %convert_element_type3A_246 = arith.sitofp %convert_element_type3A_245 : vector<512x256xi32> to vector<512x256xf32>
        %convert_element_type3A_247 = arith.truncf %convert_element_type3A_246 : vector<512x256xf32> to vector<512x256xbf16>
        %get3A_248 = arith.constant 0 : index
        %get3A_249 = arith.constant 0 : index
        %get3A_250 = vector.load %arg12[%get3A_248, %get3A_249] : memref<256x1xf32, #tpu.memory_space<vmem>>, vector<256x1xf32>
        %dot_general3A_251 = arith.constant dense<0.000000e+00> : vector<256x1xf32>
        %dot_general3A_252 = tpu.matmul %convert_element_type3A_247, %broadcast_in_dim3A_74, %dot_general3A_251 {dimension_numbers = #tpu.dot_dimension_numbers<[0], [0], [1], [1], [0, 1, 1, 1], [], []>, transpose_lhs_hint = false} : vector<512x256xbf16>, vector<512x1xbf16>, vector<256x1xf32> -> vector<256x1xf32>
        %add3A_253 = arith.addf %get3A_250, %dot_general3A_252 : vector<256x1xf32>
        %swap3A_254 = arith.constant 0 : index
        %swap3A_255 = arith.constant 0 : index
        %swap3A_256 = vector.load %arg12[%swap3A_254, %swap3A_255] : memref<256x1xf32, #tpu.memory_space<vmem>>, vector<256x1xf32>
        tpu.vector_store %arg12[%swap3A_254, %swap3A_255], %add3A_253 {strides = array<i32>} : memref<256x1xf32, #tpu.memory_space<vmem>>, vector<256x1xf32>,
        %get3A_257 = arith.constant 0 : index
        %get3A_258 = arith.constant 0 : index
        %get3A_259 = vector.load %arg11[%get3A_257, %get3A_258] : memref<256x512xf32, #tpu.memory_space<vmem>>, vector<256x512xf32>
        %slice3A_260 = vector.extract_strided_slice %convert_element_type3A {offsets = [1024, 0], sizes = [512, 512], strides = [1, 1]} : vector<2048x512xbf16> to vector<512x512xbf16>
        %dot_general3A_261 = arith.constant dense<0.000000e+00> : vector<256x512xf32>
        %dot_general3A_262 = tpu.matmul %convert_element_type3A_247, %slice3A_260, %dot_general3A_261 {dimension_numbers = #tpu.dot_dimension_numbers<[0], [0], [1], [1], [0, 1, 1, 1], [], []>, transpose_lhs_hint = false} : vector<512x256xbf16>, vector<512x512xbf16>, vector<256x512xf32> -> vector<256x512xf32>
        %add3A_263 = arith.addf %get3A_259, %dot_general3A_262 : vector<256x512xf32>
        %swap3A_264 = arith.constant 0 : index
        %swap3A_265 = arith.constant 0 : index
        %swap3A_266 = vector.load %arg11[%swap3A_264, %swap3A_265] : memref<256x512xf32, #tpu.memory_space<vmem>>, vector<256x512xf32>
        tpu.vector_store %arg11[%swap3A_264, %swap3A_265], %add3A_263 {strides = array<i32>} : memref<256x512xf32, #tpu.memory_space<vmem>>, vector<256x512xf32>,
      } else {
      }
      %slice3A_156 = vector.extract_strided_slice %sub3A_56 {offsets = [1536, 0], sizes = [1, 1], strides = [1, 1]} : vector<2048x1xi32> to vector<1x1xi32>
      %squeeze3A_157 = vector.extract %slice3A_156[0, 0] : i32 from vector<1x1xi32>
      %slice3A_158 = vector.extract_strided_slice %sub3A_56 {offsets = [2047, 0], sizes = [1, 1], strides = [1, 1]} : vector<2048x1xi32> to vector<1x1xi32>
      %squeeze3A_159 = vector.extract %slice3A_158[0, 0] : i32 from vector<1x1xi32>
      %ge3A_160 = arith.constant 1536 : i32
      %ge3A_161 = arith.cmpi sge, %squeeze3A_159, %ge3A_160 : i32
      %lt3A_162 = arith.constant 1792 : i32
      %lt3A_163 = arith.cmpi slt, %squeeze3A_157, %lt3A_162 : i32
      %and3A_164 = arith.andi %ge3A_161, %lt3A_163 : i1
      %convert_element_type3A_165 = arith.extui %and3A_164 : i1 to i32
      %cond3A_166 = arith.constant 0 : i32
      %cond3A_167 = arith.cmpi ne, %convert_element_type3A_165, %cond3A_166 : i32
      scf.if %cond3A_167 {
        %slice3A_240 = vector.extract_strided_slice %sub3A_56 {offsets = [1536, 0], sizes = [512, 1], strides = [1, 1]} : vector<2048x1xi32> to vector<512x1xi32>
        %add3A_241 = arith.constant 1536 : i32
        %add3A_242 = vector.broadcast %add3A_241 : i32 to vector<512x256xi32>
        %add3A_243 = arith.addi %iota3A, %add3A_242 : vector<512x256xi32>
        %eq3A = vector.broadcast %slice3A_240 : vector<512x1xi32> to vector<512x256xi32>
        %eq3A_244 = arith.cmpi eq, %eq3A, %add3A_243 : vector<512x256xi32>
        %convert_element_type3A_245 = arith.extui %eq3A_244 : vector<512x256xi1> to vector<512x256xi32>
        %convert_element_type3A_246 = arith.sitofp %convert_element_type3A_245 : vector<512x256xi32> to vector<512x256xf32>
        %convert_element_type3A_247 = arith.truncf %convert_element_type3A_246 : vector<512x256xf32> to vector<512x256xbf16>
        %get3A_248 = arith.constant 0 : index
        %get3A_249 = arith.constant 0 : index
        %get3A_250 = vector.load %arg12[%get3A_248, %get3A_249] : memref<256x1xf32, #tpu.memory_space<vmem>>, vector<256x1xf32>
        %dot_general3A_251 = arith.constant dense<0.000000e+00> : vector<256x1xf32>
        %dot_general3A_252 = tpu.matmul %convert_element_type3A_247, %broadcast_in_dim3A_74, %dot_general3A_251 {dimension_numbers = #tpu.dot_dimension_numbers<[0], [0], [1], [1], [0, 1, 1, 1], [], []>, transpose_lhs_hint = false} : vector<512x256xbf16>, vector<512x1xbf16>, vector<256x1xf32> -> vector<256x1xf32>
        %add3A_253 = arith.addf %get3A_250, %dot_general3A_252 : vector<256x1xf32>
        %swap3A_254 = arith.constant 0 : index
        %swap3A_255 = arith.constant 0 : index
        %swap3A_256 = vector.load %arg12[%swap3A_254, %swap3A_255] : memref<256x1xf32, #tpu.memory_space<vmem>>, vector<256x1xf32>
        tpu.vector_store %arg12[%swap3A_254, %swap3A_255], %add3A_253 {strides = array<i32>} : memref<256x1xf32, #tpu.memory_space<vmem>>, vector<256x1xf32>,
        %get3A_257 = arith.constant 0 : index
        %get3A_258 = arith.constant 0 : index
        %get3A_259 = vector.load %arg11[%get3A_257, %get3A_258] : memref<256x512xf32, #tpu.memory_space<vmem>>, vector<256x512xf32>
        %slice3A_260 = vector.extract_strided_slice %convert_element_type3A {offsets = [1536, 0], sizes = [512, 512], strides = [1, 1]} : vector<2048x512xbf16> to vector<512x512xbf16>
        %dot_general3A_261 = arith.constant dense<0.000000e+00> : vector<256x512xf32>
        %dot_general3A_262 = tpu.matmul %convert_element_type3A_247, %slice3A_260, %dot_general3A_261 {dimension_numbers = #tpu.dot_dimension_numbers<[0], [0], [1], [1], [0, 1, 1, 1], [], []>, transpose_lhs_hint = false} : vector<512x256xbf16>, vector<512x512xbf16>, vector<256x512xf32> -> vector<256x512xf32>
        %add3A_263 = arith.addf %get3A_259, %dot_general3A_262 : vector<256x512xf32>
        %swap3A_264 = arith.constant 0 : index
        %swap3A_265 = arith.constant 0 : index
        %swap3A_266 = vector.load %arg11[%swap3A_264, %swap3A_265] : memref<256x512xf32, #tpu.memory_space<vmem>>, vector<256x512xf32>
        tpu.vector_store %arg11[%swap3A_264, %swap3A_265], %add3A_263 {strides = array<i32>} : memref<256x512xf32, #tpu.memory_space<vmem>>, vector<256x512xf32>,
      } else {
      }
      %get3A_168 = arith.constant 0 : index
      %get3A_169 = arith.constant 0 : index
      %get3A_170 = vector.load %arg11[%get3A_168, %get3A_169] : memref<256x512xf32, #tpu.memory_space<vmem>>, vector<256x512xf32>
      %get3A_171 = arith.constant 0 : index
      %get3A_172 = arith.constant 0 : index
      %get3A_173 = vector.load %arg12[%get3A_171, %get3A_172] : memref<256x1xf32, #tpu.memory_space<vmem>>, vector<256x1xf32>
      %max3A = arith.constant 1.000000e+00 : f32
      %max3A_174 = vector.broadcast %max3A : f32 to vector<256x1xf32>
      %max3A_175 = arith.maximumf %get3A_173, %max3A_174 : vector<256x1xf32>
      %div3A = arith.constant 1.000000e+00 : f32
      %div3A_176 = vector.broadcast %div3A : f32 to vector<256x1xf32>
      %div3A_177 = arith.divf %div3A_176, %max3A_175 : vector<256x1xf32>
      %mul3A_178 = vector.broadcast %div3A_177 : vector<256x1xf32> to vector<256x512xf32>
      %mul3A_179 = arith.mulf %get3A_170, %mul3A_178 : vector<256x512xf32>
      %convert_element_type3A_180 = arith.truncf %mul3A_179 : vector<256x512xf32> to vector<256x512xbf16>
      %get3A_181 = arith.constant 0 : index
      %get3A_182 = arith.constant 0 : index
      %get3A_183 = vector.load %arg3[%get3A_181, %get3A_182] : memref<512x2048xbf16, #tpu.memory_space<vmem>>, vector<512x2048xbf16>
      %dot_general3A = arith.constant dense<0.000000e+00> : vector<256x2048xf32>
      %dot_general3A_184 = tpu.matmul %convert_element_type3A_180, %get3A_183, %dot_general3A {dimension_numbers = #tpu.dot_dimension_numbers<[1], [0], [0], [1], [0, 0, 1, 1], [], []>, transpose_lhs_hint = false} : vector<256x512xbf16>, vector<512x2048xbf16>, vector<256x2048xf32> -> vector<256x2048xf32>
      %get3A_185 = arith.constant 0 : index
      %get3A_186 = arith.constant 0 : index
      %get3A_187 = vector.load %arg4[%get3A_185, %get3A_186] : memref<1x2048xf32, #tpu.memory_space<vmem>>, vector<1x2048xf32>
      %add3A_188 = vector.broadcast %get3A_187 : vector<1x2048xf32> to vector<256x2048xf32>
      %add3A_189 = arith.addf %dot_general3A_184, %add3A_188 : vector<256x2048xf32>
      %max3A_190 = arith.constant 0.000000e+00 : f32
      %max3A_191 = vector.broadcast %max3A_190 : f32 to vector<256x2048xf32>
      %max3A_192 = arith.maximumf %add3A_189, %max3A_191 : vector<256x2048xf32>
      %convert_element_type3A_193 = arith.truncf %max3A_192 : vector<256x2048xf32> to vector<256x2048xbf16>
      %get3A_194 = arith.constant 0 : index
      %get3A_195 = arith.constant 0 : index
      %get3A_196 = vector.load %arg5[%get3A_194, %get3A_195] : memref<2048x512xbf16, #tpu.memory_space<vmem>>, vector<2048x512xbf16>
      %dot_general3A_197 = arith.constant dense<0.000000e+00> : vector<256x512xf32>
      %dot_general3A_198 = tpu.matmul %convert_element_type3A_193, %get3A_196, %dot_general3A_197 {dimension_numbers = #tpu.dot_dimension_numbers<[1], [0], [0], [1], [0, 0, 1, 1], [], []>, transpose_lhs_hint = false} : vector<256x2048xbf16>, vector<2048x512xbf16>, vector<256x512xf32> -> vector<256x512xf32>
      %add3A_199 = arith.addf %mul3A_179, %dot_general3A_198 : vector<256x512xf32>
      %get3A_200 = arith.constant 0 : index
      %get3A_201 = arith.constant 0 : index
      %get3A_202 = vector.load %arg6[%get3A_200, %get3A_201] : memref<1x512xf32, #tpu.memory_space<vmem>>, vector<1x512xf32>
      %add3A_203 = vector.broadcast %get3A_202 : vector<1x512xf32> to vector<256x512xf32>
      %add3A_204 = arith.addf %add3A_199, %add3A_203 : vector<256x512xf32>
      %reduce_sum3A = arith.constant dense<0.000000e+00> : vector<256xf32>
      %reduce_sum3A_205 = vector.multi_reduction <add>, %add3A_204, %reduce_sum3A [1] : vector<256x512xf32> to vector<256xf32>
      %broadcast_in_dim3A_206 = vector.shape_cast %reduce_sum3A_205 : vector<256xf32> to vector<256x1xf32>
      %div3A_207 = arith.constant 5.120000e+02 : f32
      %div3A_208 = vector.broadcast %div3A_207 : f32 to vector<256x1xf32>
      %div3A_209 = arith.divf %broadcast_in_dim3A_206, %div3A_208 : vector<256x1xf32>
      %sub3A_210 = vector.broadcast %div3A_209 : vector<256x1xf32> to vector<256x512xf32>
      %sub3A_211 = arith.subf %add3A_204, %sub3A_210 : vector<256x512xf32>
      %mul3A_212 = arith.mulf %sub3A_211, %sub3A_211 : vector<256x512xf32>
      %reduce_sum3A_213 = arith.constant dense<0.000000e+00> : vector<256xf32>
      %reduce_sum3A_214 = vector.multi_reduction <add>, %mul3A_212, %reduce_sum3A_213 [1] : vector<256x512xf32> to vector<256xf32>
      %broadcast_in_dim3A_215 = vector.shape_cast %reduce_sum3A_214 : vector<256xf32> to vector<256x1xf32>
      %div3A_216 = arith.constant 5.120000e+02 : f32
      %div3A_217 = vector.broadcast %div3A_216 : f32 to vector<256x1xf32>
      %div3A_218 = arith.divf %broadcast_in_dim3A_215, %div3A_217 : vector<256x1xf32>
      %get3A_219 = arith.constant 0 : index
      %get3A_220 = arith.constant 0 : index
      %get3A_221 = vector.load %arg7[%get3A_219, %get3A_220] : memref<1x512xf32, #tpu.memory_space<vmem>>, vector<1x512xf32>
      %mul3A_222 = vector.broadcast %get3A_221 : vector<1x512xf32> to vector<256x512xf32>
      %mul3A_223 = arith.mulf %mul3A_222, %sub3A_211 : vector<256x512xf32>
      %add3A_224 = arith.constant 1.000000e-03 : f32
      %add3A_225 = vector.broadcast %add3A_224 : f32 to vector<256x1xf32>
      %add3A_226 = arith.addf %div3A_218, %add3A_225 : vector<256x1xf32>
      %rsqrt3A = math.rsqrt %add3A_226 : vector<256x1xf32>
      %mul3A_227 = vector.broadcast %rsqrt3A : vector<256x1xf32> to vector<256x512xf32>
      %mul3A_228 = arith.mulf %mul3A_223, %mul3A_227 : vector<256x512xf32>
      %get3A_229 = arith.constant 0 : index
      %get3A_230 = arith.constant 0 : index
      %get3A_231 = vector.load %arg8[%get3A_229, %get3A_230] : memref<1x512xf32, #tpu.memory_space<vmem>>, vector<1x512xf32>
      %add3A_232 = vector.broadcast %get3A_231 : vector<1x512xf32> to vector<256x512xf32>
      %add3A_233 = arith.addf %mul3A_228, %add3A_232 : vector<256x512xf32>
      %swap3A_234 = arith.constant 0 : index
      %swap3A_235 = arith.constant 1536 : index
      %swap3A_236 = arith.constant 0 : index
      %swap3A_237 = vector.load %arg9[%swap3A_234, %swap3A_235, %swap3A_236] : memref<1x2048x512xf32, #tpu.memory_space<vmem>>, vector<1x256x512xf32>
      %swap3A_238 = vector.shape_cast %swap3A_237 : vector<1x256x512xf32> to vector<256x512xf32>
      %swap3A_239 = vector.shape_cast %add3A_233 : vector<256x512xf32> to vector<1x256x512xf32>
      tpu.vector_store %arg9[%swap3A_234, %swap3A_235, %swap3A_236], %swap3A_239 {strides = array<i32>} : memref<1x2048x512xf32, #tpu.memory_space<vmem>>, vector<1x256x512xf32>,
    } else {
    }
    %gt3A_108 = arith.constant 1792 : i32
    %gt3A_109 = arith.cmpi sgt, %add3A_67, %gt3A_108 : i32
    %convert_element_type3A_110 = arith.extui %gt3A_109 : i1 to i32
    %cond3A_111 = arith.constant 0 : i32
    %cond3A_112 = arith.cmpi ne, %convert_element_type3A_110, %cond3A_111 : i32
    scf.if %cond3A_112 {
      %broadcast_in_dim3A_113 = arith.constant 0.000000e+00 : f32
      %broadcast_in_dim3A_114 = vector.broadcast %broadcast_in_dim3A_113 : f32 to vector<256x512xf32>
      %swap3A_115 = arith.constant 0 : index
      %swap3A_116 = arith.constant 0 : index
      %swap3A_117 = vector.load %arg11[%swap3A_115, %swap3A_116] : memref<256x512xf32, #tpu.memory_space<vmem>>, vector<256x512xf32>
      tpu.vector_store %arg11[%swap3A_115, %swap3A_116], %broadcast_in_dim3A_114 {strides = array<i32>} : memref<256x512xf32, #tpu.memory_space<vmem>>, vector<256x512xf32>,
      %broadcast_in_dim3A_118 = arith.constant 0.000000e+00 : f32
      %broadcast_in_dim3A_119 = vector.broadcast %broadcast_in_dim3A_118 : f32 to vector<256x1xf32>
      %swap3A_120 = arith.constant 0 : index
      %swap3A_121 = arith.constant 0 : index
      %swap3A_122 = vector.load %arg12[%swap3A_120, %swap3A_121] : memref<256x1xf32, #tpu.memory_space<vmem>>, vector<256x1xf32>
      tpu.vector_store %arg12[%swap3A_120, %swap3A_121], %broadcast_in_dim3A_119 {strides = array<i32>} : memref<256x1xf32, #tpu.memory_space<vmem>>, vector<256x1xf32>,
      %slice3A_123 = vector.extract_strided_slice %sub3A_56 {offsets = [0, 0], sizes = [1, 1], strides = [1, 1]} : vector<2048x1xi32> to vector<1x1xi32>
      %squeeze3A_124 = vector.extract %slice3A_123[0, 0] : i32 from vector<1x1xi32>
      %slice3A_125 = vector.extract_strided_slice %sub3A_56 {offsets = [511, 0], sizes = [1, 1], strides = [1, 1]} : vector<2048x1xi32> to vector<1x1xi32>
      %squeeze3A_126 = vector.extract %slice3A_125[0, 0] : i32 from vector<1x1xi32>
      %ge3A = arith.constant 1792 : i32
      %ge3A_127 = arith.cmpi sge, %squeeze3A_126, %ge3A : i32
      %lt3A = arith.constant 2048 : i32
      %lt3A_128 = arith.cmpi slt, %squeeze3A_124, %lt3A : i32
      %and3A = arith.andi %ge3A_127, %lt3A_128 : i1
      %convert_element_type3A_129 = arith.extui %and3A : i1 to i32
      %cond3A_130 = arith.constant 0 : i32
      %cond3A_131 = arith.cmpi ne, %convert_element_type3A_129, %cond3A_130 : i32
      scf.if %cond3A_131 {
        %slice3A_240 = vector.extract_strided_slice %sub3A_56 {offsets = [0, 0], sizes = [512, 1], strides = [1, 1]} : vector<2048x1xi32> to vector<512x1xi32>
        %add3A_241 = arith.constant 1792 : i32
        %add3A_242 = vector.broadcast %add3A_241 : i32 to vector<512x256xi32>
        %add3A_243 = arith.addi %iota3A, %add3A_242 : vector<512x256xi32>
        %eq3A = vector.broadcast %slice3A_240 : vector<512x1xi32> to vector<512x256xi32>
        %eq3A_244 = arith.cmpi eq, %eq3A, %add3A_243 : vector<512x256xi32>
        %convert_element_type3A_245 = arith.extui %eq3A_244 : vector<512x256xi1> to vector<512x256xi32>
        %convert_element_type3A_246 = arith.sitofp %convert_element_type3A_245 : vector<512x256xi32> to vector<512x256xf32>
        %convert_element_type3A_247 = arith.truncf %convert_element_type3A_246 : vector<512x256xf32> to vector<512x256xbf16>
        %get3A_248 = arith.constant 0 : index
        %get3A_249 = arith.constant 0 : index
        %get3A_250 = vector.load %arg12[%get3A_248, %get3A_249] : memref<256x1xf32, #tpu.memory_space<vmem>>, vector<256x1xf32>
        %dot_general3A_251 = arith.constant dense<0.000000e+00> : vector<256x1xf32>
        %dot_general3A_252 = tpu.matmul %convert_element_type3A_247, %broadcast_in_dim3A_74, %dot_general3A_251 {dimension_numbers = #tpu.dot_dimension_numbers<[0], [0], [1], [1], [0, 1, 1, 1], [], []>, transpose_lhs_hint = false} : vector<512x256xbf16>, vector<512x1xbf16>, vector<256x1xf32> -> vector<256x1xf32>
        %add3A_253 = arith.addf %get3A_250, %dot_general3A_252 : vector<256x1xf32>
        %swap3A_254 = arith.constant 0 : index
        %swap3A_255 = arith.constant 0 : index
        %swap3A_256 = vector.load %arg12[%swap3A_254, %swap3A_255] : memref<256x1xf32, #tpu.memory_space<vmem>>, vector<256x1xf32>
        tpu.vector_store %arg12[%swap3A_254, %swap3A_255], %add3A_253 {strides = array<i32>} : memref<256x1xf32, #tpu.memory_space<vmem>>, vector<256x1xf32>,
        %get3A_257 = arith.constant 0 : index
        %get3A_258 = arith.constant 0 : index
        %get3A_259 = vector.load %arg11[%get3A_257, %get3A_258] : memref<256x512xf32, #tpu.memory_space<vmem>>, vector<256x512xf32>
        %slice3A_260 = vector.extract_strided_slice %convert_element_type3A {offsets = [0, 0], sizes = [512, 512], strides = [1, 1]} : vector<2048x512xbf16> to vector<512x512xbf16>
        %dot_general3A_261 = arith.constant dense<0.000000e+00> : vector<256x512xf32>
        %dot_general3A_262 = tpu.matmul %convert_element_type3A_247, %slice3A_260, %dot_general3A_261 {dimension_numbers = #tpu.dot_dimension_numbers<[0], [0], [1], [1], [0, 1, 1, 1], [], []>, transpose_lhs_hint = false} : vector<512x256xbf16>, vector<512x512xbf16>, vector<256x512xf32> -> vector<256x512xf32>
        %add3A_263 = arith.addf %get3A_259, %dot_general3A_262 : vector<256x512xf32>
        %swap3A_264 = arith.constant 0 : index
        %swap3A_265 = arith.constant 0 : index
        %swap3A_266 = vector.load %arg11[%swap3A_264, %swap3A_265] : memref<256x512xf32, #tpu.memory_space<vmem>>, vector<256x512xf32>
        tpu.vector_store %arg11[%swap3A_264, %swap3A_265], %add3A_263 {strides = array<i32>} : memref<256x512xf32, #tpu.memory_space<vmem>>, vector<256x512xf32>,
      } else {
      }
      %slice3A_132 = vector.extract_strided_slice %sub3A_56 {offsets = [512, 0], sizes = [1, 1], strides = [1, 1]} : vector<2048x1xi32> to vector<1x1xi32>
      %squeeze3A_133 = vector.extract %slice3A_132[0, 0] : i32 from vector<1x1xi32>
      %slice3A_134 = vector.extract_strided_slice %sub3A_56 {offsets = [1023, 0], sizes = [1, 1], strides = [1, 1]} : vector<2048x1xi32> to vector<1x1xi32>
      %squeeze3A_135 = vector.extract %slice3A_134[0, 0] : i32 from vector<1x1xi32>
      %ge3A_136 = arith.constant 1792 : i32
      %ge3A_137 = arith.cmpi sge, %squeeze3A_135, %ge3A_136 : i32
      %lt3A_138 = arith.constant 2048 : i32
      %lt3A_139 = arith.cmpi slt, %squeeze3A_133, %lt3A_138 : i32
      %and3A_140 = arith.andi %ge3A_137, %lt3A_139 : i1
      %convert_element_type3A_141 = arith.extui %and3A_140 : i1 to i32
      %cond3A_142 = arith.constant 0 : i32
      %cond3A_143 = arith.cmpi ne, %convert_element_type3A_141, %cond3A_142 : i32
      scf.if %cond3A_143 {
        %slice3A_240 = vector.extract_strided_slice %sub3A_56 {offsets = [512, 0], sizes = [512, 1], strides = [1, 1]} : vector<2048x1xi32> to vector<512x1xi32>
        %add3A_241 = arith.constant 1792 : i32
        %add3A_242 = vector.broadcast %add3A_241 : i32 to vector<512x256xi32>
        %add3A_243 = arith.addi %iota3A, %add3A_242 : vector<512x256xi32>
        %eq3A = vector.broadcast %slice3A_240 : vector<512x1xi32> to vector<512x256xi32>
        %eq3A_244 = arith.cmpi eq, %eq3A, %add3A_243 : vector<512x256xi32>
        %convert_element_type3A_245 = arith.extui %eq3A_244 : vector<512x256xi1> to vector<512x256xi32>
        %convert_element_type3A_246 = arith.sitofp %convert_element_type3A_245 : vector<512x256xi32> to vector<512x256xf32>
        %convert_element_type3A_247 = arith.truncf %convert_element_type3A_246 : vector<512x256xf32> to vector<512x256xbf16>
        %get3A_248 = arith.constant 0 : index
        %get3A_249 = arith.constant 0 : index
        %get3A_250 = vector.load %arg12[%get3A_248, %get3A_249] : memref<256x1xf32, #tpu.memory_space<vmem>>, vector<256x1xf32>
        %dot_general3A_251 = arith.constant dense<0.000000e+00> : vector<256x1xf32>
        %dot_general3A_252 = tpu.matmul %convert_element_type3A_247, %broadcast_in_dim3A_74, %dot_general3A_251 {dimension_numbers = #tpu.dot_dimension_numbers<[0], [0], [1], [1], [0, 1, 1, 1], [], []>, transpose_lhs_hint = false} : vector<512x256xbf16>, vector<512x1xbf16>, vector<256x1xf32> -> vector<256x1xf32>
        %add3A_253 = arith.addf %get3A_250, %dot_general3A_252 : vector<256x1xf32>
        %swap3A_254 = arith.constant 0 : index
        %swap3A_255 = arith.constant 0 : index
        %swap3A_256 = vector.load %arg12[%swap3A_254, %swap3A_255] : memref<256x1xf32, #tpu.memory_space<vmem>>, vector<256x1xf32>
        tpu.vector_store %arg12[%swap3A_254, %swap3A_255], %add3A_253 {strides = array<i32>} : memref<256x1xf32, #tpu.memory_space<vmem>>, vector<256x1xf32>,
        %get3A_257 = arith.constant 0 : index
        %get3A_258 = arith.constant 0 : index
        %get3A_259 = vector.load %arg11[%get3A_257, %get3A_258] : memref<256x512xf32, #tpu.memory_space<vmem>>, vector<256x512xf32>
        %slice3A_260 = vector.extract_strided_slice %convert_element_type3A {offsets = [512, 0], sizes = [512, 512], strides = [1, 1]} : vector<2048x512xbf16> to vector<512x512xbf16>
        %dot_general3A_261 = arith.constant dense<0.000000e+00> : vector<256x512xf32>
        %dot_general3A_262 = tpu.matmul %convert_element_type3A_247, %slice3A_260, %dot_general3A_261 {dimension_numbers = #tpu.dot_dimension_numbers<[0], [0], [1], [1], [0, 1, 1, 1], [], []>, transpose_lhs_hint = false} : vector<512x256xbf16>, vector<512x512xbf16>, vector<256x512xf32> -> vector<256x512xf32>
        %add3A_263 = arith.addf %get3A_259, %dot_general3A_262 : vector<256x512xf32>
        %swap3A_264 = arith.constant 0 : index
        %swap3A_265 = arith.constant 0 : index
        %swap3A_266 = vector.load %arg11[%swap3A_264, %swap3A_265] : memref<256x512xf32, #tpu.memory_space<vmem>>, vector<256x512xf32>
        tpu.vector_store %arg11[%swap3A_264, %swap3A_265], %add3A_263 {strides = array<i32>} : memref<256x512xf32, #tpu.memory_space<vmem>>, vector<256x512xf32>,
      } else {
      }
      %slice3A_144 = vector.extract_strided_slice %sub3A_56 {offsets = [1024, 0], sizes = [1, 1], strides = [1, 1]} : vector<2048x1xi32> to vector<1x1xi32>
      %squeeze3A_145 = vector.extract %slice3A_144[0, 0] : i32 from vector<1x1xi32>
      %slice3A_146 = vector.extract_strided_slice %sub3A_56 {offsets = [1535, 0], sizes = [1, 1], strides = [1, 1]} : vector<2048x1xi32> to vector<1x1xi32>
      %squeeze3A_147 = vector.extract %slice3A_146[0, 0] : i32 from vector<1x1xi32>
      %ge3A_148 = arith.constant 1792 : i32
      %ge3A_149 = arith.cmpi sge, %squeeze3A_147, %ge3A_148 : i32
      %lt3A_150 = arith.constant 2048 : i32
      %lt3A_151 = arith.cmpi slt, %squeeze3A_145, %lt3A_150 : i32
      %and3A_152 = arith.andi %ge3A_149, %lt3A_151 : i1
      %convert_element_type3A_153 = arith.extui %and3A_152 : i1 to i32
      %cond3A_154 = arith.constant 0 : i32
      %cond3A_155 = arith.cmpi ne, %convert_element_type3A_153, %cond3A_154 : i32
      scf.if %cond3A_155 {
        %slice3A_240 = vector.extract_strided_slice %sub3A_56 {offsets = [1024, 0], sizes = [512, 1], strides = [1, 1]} : vector<2048x1xi32> to vector<512x1xi32>
        %add3A_241 = arith.constant 1792 : i32
        %add3A_242 = vector.broadcast %add3A_241 : i32 to vector<512x256xi32>
        %add3A_243 = arith.addi %iota3A, %add3A_242 : vector<512x256xi32>
        %eq3A = vector.broadcast %slice3A_240 : vector<512x1xi32> to vector<512x256xi32>
        %eq3A_244 = arith.cmpi eq, %eq3A, %add3A_243 : vector<512x256xi32>
        %convert_element_type3A_245 = arith.extui %eq3A_244 : vector<512x256xi1> to vector<512x256xi32>
        %convert_element_type3A_246 = arith.sitofp %convert_element_type3A_245 : vector<512x256xi32> to vector<512x256xf32>
        %convert_element_type3A_247 = arith.truncf %convert_element_type3A_246 : vector<512x256xf32> to vector<512x256xbf16>
        %get3A_248 = arith.constant 0 : index
        %get3A_249 = arith.constant 0 : index
        %get3A_250 = vector.load %arg12[%get3A_248, %get3A_249] : memref<256x1xf32, #tpu.memory_space<vmem>>, vector<256x1xf32>
        %dot_general3A_251 = arith.constant dense<0.000000e+00> : vector<256x1xf32>
        %dot_general3A_252 = tpu.matmul %convert_element_type3A_247, %broadcast_in_dim3A_74, %dot_general3A_251 {dimension_numbers = #tpu.dot_dimension_numbers<[0], [0], [1], [1], [0, 1, 1, 1], [], []>, transpose_lhs_hint = false} : vector<512x256xbf16>, vector<512x1xbf16>, vector<256x1xf32> -> vector<256x1xf32>
        %add3A_253 = arith.addf %get3A_250, %dot_general3A_252 : vector<256x1xf32>
        %swap3A_254 = arith.constant 0 : index
        %swap3A_255 = arith.constant 0 : index
        %swap3A_256 = vector.load %arg12[%swap3A_254, %swap3A_255] : memref<256x1xf32, #tpu.memory_space<vmem>>, vector<256x1xf32>
        tpu.vector_store %arg12[%swap3A_254, %swap3A_255], %add3A_253 {strides = array<i32>} : memref<256x1xf32, #tpu.memory_space<vmem>>, vector<256x1xf32>,
        %get3A_257 = arith.constant 0 : index
        %get3A_258 = arith.constant 0 : index
        %get3A_259 = vector.load %arg11[%get3A_257, %get3A_258] : memref<256x512xf32, #tpu.memory_space<vmem>>, vector<256x512xf32>
        %slice3A_260 = vector.extract_strided_slice %convert_element_type3A {offsets = [1024, 0], sizes = [512, 512], strides = [1, 1]} : vector<2048x512xbf16> to vector<512x512xbf16>
        %dot_general3A_261 = arith.constant dense<0.000000e+00> : vector<256x512xf32>
        %dot_general3A_262 = tpu.matmul %convert_element_type3A_247, %slice3A_260, %dot_general3A_261 {dimension_numbers = #tpu.dot_dimension_numbers<[0], [0], [1], [1], [0, 1, 1, 1], [], []>, transpose_lhs_hint = false} : vector<512x256xbf16>, vector<512x512xbf16>, vector<256x512xf32> -> vector<256x512xf32>
        %add3A_263 = arith.addf %get3A_259, %dot_general3A_262 : vector<256x512xf32>
        %swap3A_264 = arith.constant 0 : index
        %swap3A_265 = arith.constant 0 : index
        %swap3A_266 = vector.load %arg11[%swap3A_264, %swap3A_265] : memref<256x512xf32, #tpu.memory_space<vmem>>, vector<256x512xf32>
        tpu.vector_store %arg11[%swap3A_264, %swap3A_265], %add3A_263 {strides = array<i32>} : memref<256x512xf32, #tpu.memory_space<vmem>>, vector<256x512xf32>,
      } else {
      }
      %slice3A_156 = vector.extract_strided_slice %sub3A_56 {offsets = [1536, 0], sizes = [1, 1], strides = [1, 1]} : vector<2048x1xi32> to vector<1x1xi32>
      %squeeze3A_157 = vector.extract %slice3A_156[0, 0] : i32 from vector<1x1xi32>
      %slice3A_158 = vector.extract_strided_slice %sub3A_56 {offsets = [2047, 0], sizes = [1, 1], strides = [1, 1]} : vector<2048x1xi32> to vector<1x1xi32>
      %squeeze3A_159 = vector.extract %slice3A_158[0, 0] : i32 from vector<1x1xi32>
      %ge3A_160 = arith.constant 1792 : i32
      %ge3A_161 = arith.cmpi sge, %squeeze3A_159, %ge3A_160 : i32
      %lt3A_162 = arith.constant 2048 : i32
      %lt3A_163 = arith.cmpi slt, %squeeze3A_157, %lt3A_162 : i32
      %and3A_164 = arith.andi %ge3A_161, %lt3A_163 : i1
      %convert_element_type3A_165 = arith.extui %and3A_164 : i1 to i32
      %cond3A_166 = arith.constant 0 : i32
      %cond3A_167 = arith.cmpi ne, %convert_element_type3A_165, %cond3A_166 : i32
      scf.if %cond3A_167 {
        %slice3A_240 = vector.extract_strided_slice %sub3A_56 {offsets = [1536, 0], sizes = [512, 1], strides = [1, 1]} : vector<2048x1xi32> to vector<512x1xi32>
        %add3A_241 = arith.constant 1792 : i32
        %add3A_242 = vector.broadcast %add3A_241 : i32 to vector<512x256xi32>
        %add3A_243 = arith.addi %iota3A, %add3A_242 : vector<512x256xi32>
        %eq3A = vector.broadcast %slice3A_240 : vector<512x1xi32> to vector<512x256xi32>
        %eq3A_244 = arith.cmpi eq, %eq3A, %add3A_243 : vector<512x256xi32>
        %convert_element_type3A_245 = arith.extui %eq3A_244 : vector<512x256xi1> to vector<512x256xi32>
        %convert_element_type3A_246 = arith.sitofp %convert_element_type3A_245 : vector<512x256xi32> to vector<512x256xf32>
        %convert_element_type3A_247 = arith.truncf %convert_element_type3A_246 : vector<512x256xf32> to vector<512x256xbf16>
        %get3A_248 = arith.constant 0 : index
        %get3A_249 = arith.constant 0 : index
        %get3A_250 = vector.load %arg12[%get3A_248, %get3A_249] : memref<256x1xf32, #tpu.memory_space<vmem>>, vector<256x1xf32>
        %dot_general3A_251 = arith.constant dense<0.000000e+00> : vector<256x1xf32>
        %dot_general3A_252 = tpu.matmul %convert_element_type3A_247, %broadcast_in_dim3A_74, %dot_general3A_251 {dimension_numbers = #tpu.dot_dimension_numbers<[0], [0], [1], [1], [0, 1, 1, 1], [], []>, transpose_lhs_hint = false} : vector<512x256xbf16>, vector<512x1xbf16>, vector<256x1xf32> -> vector<256x1xf32>
        %add3A_253 = arith.addf %get3A_250, %dot_general3A_252 : vector<256x1xf32>
        %swap3A_254 = arith.constant 0 : index
        %swap3A_255 = arith.constant 0 : index
        %swap3A_256 = vector.load %arg12[%swap3A_254, %swap3A_255] : memref<256x1xf32, #tpu.memory_space<vmem>>, vector<256x1xf32>
        tpu.vector_store %arg12[%swap3A_254, %swap3A_255], %add3A_253 {strides = array<i32>} : memref<256x1xf32, #tpu.memory_space<vmem>>, vector<256x1xf32>,
        %get3A_257 = arith.constant 0 : index
        %get3A_258 = arith.constant 0 : index
        %get3A_259 = vector.load %arg11[%get3A_257, %get3A_258] : memref<256x512xf32, #tpu.memory_space<vmem>>, vector<256x512xf32>
        %slice3A_260 = vector.extract_strided_slice %convert_element_type3A {offsets = [1536, 0], sizes = [512, 512], strides = [1, 1]} : vector<2048x512xbf16> to vector<512x512xbf16>
        %dot_general3A_261 = arith.constant dense<0.000000e+00> : vector<256x512xf32>
        %dot_general3A_262 = tpu.matmul %convert_element_type3A_247, %slice3A_260, %dot_general3A_261 {dimension_numbers = #tpu.dot_dimension_numbers<[0], [0], [1], [1], [0, 1, 1, 1], [], []>, transpose_lhs_hint = false} : vector<512x256xbf16>, vector<512x512xbf16>, vector<256x512xf32> -> vector<256x512xf32>
        %add3A_263 = arith.addf %get3A_259, %dot_general3A_262 : vector<256x512xf32>
        %swap3A_264 = arith.constant 0 : index
        %swap3A_265 = arith.constant 0 : index
        %swap3A_266 = vector.load %arg11[%swap3A_264, %swap3A_265] : memref<256x512xf32, #tpu.memory_space<vmem>>, vector<256x512xf32>
        tpu.vector_store %arg11[%swap3A_264, %swap3A_265], %add3A_263 {strides = array<i32>} : memref<256x512xf32, #tpu.memory_space<vmem>>, vector<256x512xf32>,
      } else {
      }
      %get3A_168 = arith.constant 0 : index
      %get3A_169 = arith.constant 0 : index
      %get3A_170 = vector.load %arg11[%get3A_168, %get3A_169] : memref<256x512xf32, #tpu.memory_space<vmem>>, vector<256x512xf32>
      %get3A_171 = arith.constant 0 : index
      %get3A_172 = arith.constant 0 : index
      %get3A_173 = vector.load %arg12[%get3A_171, %get3A_172] : memref<256x1xf32, #tpu.memory_space<vmem>>, vector<256x1xf32>
      %max3A = arith.constant 1.000000e+00 : f32
      %max3A_174 = vector.broadcast %max3A : f32 to vector<256x1xf32>
      %max3A_175 = arith.maximumf %get3A_173, %max3A_174 : vector<256x1xf32>
      %div3A = arith.constant 1.000000e+00 : f32
      %div3A_176 = vector.broadcast %div3A : f32 to vector<256x1xf32>
      %div3A_177 = arith.divf %div3A_176, %max3A_175 : vector<256x1xf32>
      %mul3A_178 = vector.broadcast %div3A_177 : vector<256x1xf32> to vector<256x512xf32>
      %mul3A_179 = arith.mulf %get3A_170, %mul3A_178 : vector<256x512xf32>
      %convert_element_type3A_180 = arith.truncf %mul3A_179 : vector<256x512xf32> to vector<256x512xbf16>
      %get3A_181 = arith.constant 0 : index
      %get3A_182 = arith.constant 0 : index
      %get3A_183 = vector.load %arg3[%get3A_181, %get3A_182] : memref<512x2048xbf16, #tpu.memory_space<vmem>>, vector<512x2048xbf16>
      %dot_general3A = arith.constant dense<0.000000e+00> : vector<256x2048xf32>
      %dot_general3A_184 = tpu.matmul %convert_element_type3A_180, %get3A_183, %dot_general3A {dimension_numbers = #tpu.dot_dimension_numbers<[1], [0], [0], [1], [0, 0, 1, 1], [], []>, transpose_lhs_hint = false} : vector<256x512xbf16>, vector<512x2048xbf16>, vector<256x2048xf32> -> vector<256x2048xf32>
      %get3A_185 = arith.constant 0 : index
      %get3A_186 = arith.constant 0 : index
      %get3A_187 = vector.load %arg4[%get3A_185, %get3A_186] : memref<1x2048xf32, #tpu.memory_space<vmem>>, vector<1x2048xf32>
      %add3A_188 = vector.broadcast %get3A_187 : vector<1x2048xf32> to vector<256x2048xf32>
      %add3A_189 = arith.addf %dot_general3A_184, %add3A_188 : vector<256x2048xf32>
      %max3A_190 = arith.constant 0.000000e+00 : f32
      %max3A_191 = vector.broadcast %max3A_190 : f32 to vector<256x2048xf32>
      %max3A_192 = arith.maximumf %add3A_189, %max3A_191 : vector<256x2048xf32>
      %convert_element_type3A_193 = arith.truncf %max3A_192 : vector<256x2048xf32> to vector<256x2048xbf16>
      %get3A_194 = arith.constant 0 : index
      %get3A_195 = arith.constant 0 : index
      %get3A_196 = vector.load %arg5[%get3A_194, %get3A_195] : memref<2048x512xbf16, #tpu.memory_space<vmem>>, vector<2048x512xbf16>
      %dot_general3A_197 = arith.constant dense<0.000000e+00> : vector<256x512xf32>
      %dot_general3A_198 = tpu.matmul %convert_element_type3A_193, %get3A_196, %dot_general3A_197 {dimension_numbers = #tpu.dot_dimension_numbers<[1], [0], [0], [1], [0, 0, 1, 1], [], []>, transpose_lhs_hint = false} : vector<256x2048xbf16>, vector<2048x512xbf16>, vector<256x512xf32> -> vector<256x512xf32>
      %add3A_199 = arith.addf %mul3A_179, %dot_general3A_198 : vector<256x512xf32>
      %get3A_200 = arith.constant 0 : index
      %get3A_201 = arith.constant 0 : index
      %get3A_202 = vector.load %arg6[%get3A_200, %get3A_201] : memref<1x512xf32, #tpu.memory_space<vmem>>, vector<1x512xf32>
      %add3A_203 = vector.broadcast %get3A_202 : vector<1x512xf32> to vector<256x512xf32>
      %add3A_204 = arith.addf %add3A_199, %add3A_203 : vector<256x512xf32>
      %reduce_sum3A = arith.constant dense<0.000000e+00> : vector<256xf32>
      %reduce_sum3A_205 = vector.multi_reduction <add>, %add3A_204, %reduce_sum3A [1] : vector<256x512xf32> to vector<256xf32>
      %broadcast_in_dim3A_206 = vector.shape_cast %reduce_sum3A_205 : vector<256xf32> to vector<256x1xf32>
      %div3A_207 = arith.constant 5.120000e+02 : f32
      %div3A_208 = vector.broadcast %div3A_207 : f32 to vector<256x1xf32>
      %div3A_209 = arith.divf %broadcast_in_dim3A_206, %div3A_208 : vector<256x1xf32>
      %sub3A_210 = vector.broadcast %div3A_209 : vector<256x1xf32> to vector<256x512xf32>
      %sub3A_211 = arith.subf %add3A_204, %sub3A_210 : vector<256x512xf32>
      %mul3A_212 = arith.mulf %sub3A_211, %sub3A_211 : vector<256x512xf32>
      %reduce_sum3A_213 = arith.constant dense<0.000000e+00> : vector<256xf32>
      %reduce_sum3A_214 = vector.multi_reduction <add>, %mul3A_212, %reduce_sum3A_213 [1] : vector<256x512xf32> to vector<256xf32>
      %broadcast_in_dim3A_215 = vector.shape_cast %reduce_sum3A_214 : vector<256xf32> to vector<256x1xf32>
      %div3A_216 = arith.constant 5.120000e+02 : f32
      %div3A_217 = vector.broadcast %div3A_216 : f32 to vector<256x1xf32>
      %div3A_218 = arith.divf %broadcast_in_dim3A_215, %div3A_217 : vector<256x1xf32>
      %get3A_219 = arith.constant 0 : index
      %get3A_220 = arith.constant 0 : index
      %get3A_221 = vector.load %arg7[%get3A_219, %get3A_220] : memref<1x512xf32, #tpu.memory_space<vmem>>, vector<1x512xf32>
      %mul3A_222 = vector.broadcast %get3A_221 : vector<1x512xf32> to vector<256x512xf32>
      %mul3A_223 = arith.mulf %mul3A_222, %sub3A_211 : vector<256x512xf32>
      %add3A_224 = arith.constant 1.000000e-03 : f32
      %add3A_225 = vector.broadcast %add3A_224 : f32 to vector<256x1xf32>
      %add3A_226 = arith.addf %div3A_218, %add3A_225 : vector<256x1xf32>
      %rsqrt3A = math.rsqrt %add3A_226 : vector<256x1xf32>
      %mul3A_227 = vector.broadcast %rsqrt3A : vector<256x1xf32> to vector<256x512xf32>
      %mul3A_228 = arith.mulf %mul3A_223, %mul3A_227 : vector<256x512xf32>
      %get3A_229 = arith.constant 0 : index
      %get3A_230 = arith.constant 0 : index
      %get3A_231 = vector.load %arg8[%get3A_229, %get3A_230] : memref<1x512xf32, #tpu.memory_space<vmem>>, vector<1x512xf32>
      %add3A_232 = vector.broadcast %get3A_231 : vector<1x512xf32> to vector<256x512xf32>
      %add3A_233 = arith.addf %mul3A_228, %add3A_232 : vector<256x512xf32>
      %swap3A_234 = arith.constant 0 : index
      %swap3A_235 = arith.constant 1792 : index
      %swap3A_236 = arith.constant 0 : index
      %swap3A_237 = vector.load %arg9[%swap3A_234, %swap3A_235, %swap3A_236] : memref<1x2048x512xf32, #tpu.memory_space<vmem>>, vector<1x256x512xf32>
      %swap3A_238 = vector.shape_cast %swap3A_237 : vector<1x256x512xf32> to vector<256x512xf32>
      %swap3A_239 = vector.shape_cast %add3A_233 : vector<256x512xf32> to vector<1x256x512xf32>
      tpu.vector_store %arg9[%swap3A_234, %swap3A_235, %swap3A_236], %swap3A_239 {strides = array<i32>} : memref<1x2048x512xf32, #tpu.memory_space<vmem>>, vector<1x256x512xf32>,
    } else {
    }
    return
  }
  func.func @transform_0(%arg0: i32) -> (i32, i32, i32) {
    %c0_i32 = arith.constant 0 : i32
    %c0_i32_0 = arith.constant 0 : i32
    %c0_i32_1 = arith.constant 0 : i32
    return %arg0, %c0_i32, %c0_i32_0 : i32, i32, i32
  }
  func.func @transform_1(%arg0: i32) -> (i32, i32, i32) {
    %c0_i32 = arith.constant 0 : i32
    %c0_i32_0 = arith.constant 0 : i32
    %c0_i32_1 = arith.constant 0 : i32
    return %arg0, %c0_i32, %c0_i32_0 : i32, i32, i32
  }
  func.func @transform_2(%arg0: i32) -> (i32, i32) {
    %c0_i32 = arith.constant 0 : i32
    %c0_i32_0 = arith.constant 0 : i32
    %c0_i32_1 = arith.constant 0 : i32
    return %c0_i32, %c0_i32_0 : i32, i32
  }
  func.func @transform_3(%arg0: i32) -> (i32, i32) {
    %c0_i32 = arith.constant 0 : i32
    %c0_i32_0 = arith.constant 0 : i32
    %c0_i32_1 = arith.constant 0 : i32
    return %c0_i32, %c0_i32_0 : i32, i32
  }
  func.func @transform_4(%arg0: i32) -> (i32, i32) {
    %c0_i32 = arith.constant 0 : i32
    %c0_i32_0 = arith.constant 0 : i32
    %c0_i32_1 = arith.constant 0 : i32
    return %c0_i32, %c0_i32_0 : i32, i32
  }
  func.func @transform_5(%arg0: i32) -> (i32, i32) {
    %c0_i32 = arith.constant 0 : i32
    %c0_i32_0 = arith.constant 0 : i32
    %c0_i32_1 = arith.constant 0 : i32
    return %c0_i32, %c0_i32_0 : i32, i32
  }
  func.func @transform_6(%arg0: i32) -> (i32, i32) {
    %c0_i32 = arith.constant 0 : i32
    %c0_i32_0 = arith.constant 0 : i32
    %c0_i32_1 = arith.constant 0 : i32
    return %c0_i32, %c0_i32_0 : i32, i32
  }
  func.func @transform_7(%arg0: i32) -> (i32, i32) {
    %c0_i32 = arith.constant 0 : i32
    %c0_i32_0 = arith.constant 0 : i32
    %c0_i32_1 = arith.constant 0 : i32
    return %c0_i32, %c0_i32_0 : i32, i32
  }
  func.func @transform_8(%arg0: i32) -> (i32, i32, i32) {
    %c0_i32 = arith.constant 0 : i32
    %c0_i32_0 = arith.constant 0 : i32
    %c0_i32_1 = arith.constant 0 : i32
    return %arg0, %c0_i32, %c0_i32_0 : i32, i32, i32
  }
  func.func @transform_9(%arg0: i32) -> (i32, i32, i32) {
    %c0_i32 = arith.constant 0 : i32
    %c0_i32_0 = arith.constant 0 : i32
    %c0_i32_1 = arith.constant 0 : i32
    return %arg0, %c0_i32, %c0_i32_0 : i32, i32, i32
  }
}

</mosaic_0001>

<sc_bundles>
// kernel: kernel.4.cloned.1.call-start
scs
__scs_entry_jumppad:
0x0: {  	(pc) =	sbr.rel $0x88, $3  }
0x1: {  	(tag) =	ssettag $0x0;
	lr =	simm.s32 $0x1  }
0x2: {  	[smem:$0x3F99] =	sst lr;
	_ =	strace $0xD0000000  }
0x3: {  	_ = 	snop  }
0x4: {  	_ = 	snop  }
0x5: {  	_ = 	snop  }
0x6: {  	_ = 	snop  }
0x7: {  	_ = 	snop  }
__scs_overlays_trampoline_lowered:
0x8: {  	[smem:$0x3FA8] =	sst s0  }
0x9: {  	[smem:$0x3FA9] =	sst s1  }
0xa: {  	[smem:$0x3FAA] =	sst s2  }
0xb: {  	[smem:$0x3FAB] =	sst s3  }
0xc: {  	[smem:$0x3FAC] =	sst s4  }
0xd: {  	[smem:$0x3FAD] =	sst s5  }
0xe: {  	[smem:$0x3FAE] =	sst s6  }
0xf: {  	[smem:$0x3FAF] =	sst s7  }
0x10: {  	[smem:$0x3FB0] =	sst s8  }
0x11: {  	[smem:$0x3FB1] =	sst s9;
	s0 =	simm.s32 @!p0 $0x0  }
0x12: {  	s1 =	sld [smem:$0x3F97];
	s0 =	simm.s32 @p0 $0x1  }
0x13: {  	[smem:$0x3FB2] =	sst s0;
	s0 =	simm.s32 @!p1 $0x0  }
0x14: {  	s2 =	sld [smem:$0x3F96];
	s0 =	simm.s32 @p1 $0x1  }
0x15: {  	[smem:$0x3FB3] =	sst s0;
	s0 =	simm.s32 @!p2 $0x0  }
0x16: {  	s3 =	sld [smem:$0x3FDB];
	s0 =	simm.s32 @p2 $0x1  }
0x17: {  	s4 =	simm.s32 $0x1BF5;
	[smem:$0x3FB5] =	sst s0  }
0x18: {  	s0 =	sld [smem:$0x3F98];
	_ =	swait.ge [sflag:s4], $0x0  }
0x19: {  	s7 =	sld [smem:$0x3F99]  }
0x1a: {  	s8 =	sadd.s32 $0xFFFFE003, lr  }
0x1b: {  	s9 =	sadd.s32 $0xFFFFFEF7, lr;
	s5 =	simm.s32 $0xFFFFFFFF;
	p2 =	slt.u32 s8, $0xFFFFF086  }
0x1c: {  	p1 =	slt.u32 s9, $0xF7A;
	s5 =	simm.s32 @!p2 $0x0  }
0x1d: {  	s5 =	simm.s32 @p1 $0x1;
	p0 =	seq.s32 s7, s2  }
0x1e: {  	s7 =	smul.u32 @!p0 $0xF7A, s2;
	p2 =	seq.s32 @!p0 s5, $0x0  }
0x1f: {  	s9 =	smul.u32 $0xF7A, s1;
	s8 =	simm.s32 @!p0 $0x1BF5;
	p2 =	por !p2, p0  }
0x20: {  	[sflag:s8] =	ssyncset.s32 @!p0 $0xFFFFF086;
	s6 =	sadd.s32 @!p0 s3, s7;
	s7 =	simm.s32 @!p0 $0x108  }
0x21: {  	s3 =	sadd.s32 s3, s9;
	s6 =	sadd.s32 @!p0 $0x88, s6;
	s7 =	simm.s32 @p2 $0x1082  }
0x22: {  	[simem:s7], [sflag:s8] =	dma.local @!p0 [hbm:s6], $0xF7A  }
0x23: {  	s9 =	sor.u32 $0xD0000000, s2;
	s6 =	simm.s32 $0x108;
	_ =	swait.ge @!p0 [sflag:s8], $0x0  }
0x24: {  	s3 =	sadd.s32 $0x88, s3;
	s6 =	simm.s32 @!p1 $0x1082;
	[sflag:s4] =	ssyncset.s32 $0xFFFFF086  }
0x25: {  	[simem:s6], [sflag:s4] =	dma.local [hbm:s3], $0xF7A  }
0x26: {  	[smem:$0x3F99] =	sst s1;
	(tag) =	ssettag s2;
	_ =	strace s9  }
0x27: {  	s1 =	sld [smem:$0x3FA9]  }
0x28: {  	s2 =	sld [smem:$0x3FAA]  }
0x29: {  	s4 =	sld [smem:$0x3FAC]  }
0x2a: {  	p0 =	seq.s32 s5, $0x0;
	s5 =	sld [smem:$0x3FAD]  }
0x2b: {  	s6 =	sld [smem:$0x3FAE]  }
0x2c: {  	s7 =	sld [smem:$0x3FAF]  }
0x2d: {  	s3 =	simm.s32 $0x108;
	s8 =	sld [smem:$0x3FB0]  }
0x2e: {  	s3 =	simm.s32 @!p0 $0x1082;
	s9 =	sld [smem:$0x3FB1]  }
0x2f: {  	lr =	sadd.s32 s0, s3;
	s0 =	sld [smem:$0x3FA8]  }
0x30: {  	s3 =	sld [smem:$0x3FAB]  }
0x31: {  	[smem:$0x3FB4] =	sst s10  }
0x32: {  	s10 =	sld [smem:$0x3FB2];
	_ =	sdelay $0x3  }
0x33: {  	p0 =	seq.s32 s10, $0x1;
	s10 =	sld [smem:$0x3FB4];
	_ =	sdelay $0x3  }
0x34: {  	[smem:$0x3FB4] =	sst s10  }
0x35: {  	s10 =	sld [smem:$0x3FB3];
	_ =	sdelay $0x3  }
0x36: {  	p1 =	seq.s32 s10, $0x1;
	s10 =	sld [smem:$0x3FB4];
	_ =	sdelay $0x3  }
0x37: {  	[smem:$0x3FB4] =	sst s10  }
0x38: {  	s10 =	sld [smem:$0x3FB5]  }
0x39: {  	_ = 	snop;
	(pc) =	sbr.ind lr, $3  }
0x3a: {  	_ = 	snop  }
0x3b: {  	_ = 	snop  }
0x3c: {  	p2 =	seq.s32 s10, $0x1;
	s10 =	sld [smem:$0x3FB4]  }
0x3d: {  	_ =	shalt  }
0x3e: {  	_ =	shalt  }
0x3f: {  	_ =	shalt  }
0x40: {  	_ =	shalt  }
0x41: {  	_ =	shalt  }
0x42: {  	_ =	shalt  }
0x43: {  	_ =	shalt  }
0x44: {  	_ =	shalt  }
0x45: {  	_ =	shalt  }
0x46: {  	_ =	shalt  }
0x47: {  	_ =	shalt  }
0x48: {  	_ =	shalt  }
0x49: {  	_ =	shalt  }
0x4a: {  	_ =	shalt  }
0x4b: {  	_ =	shalt  }
0x4c: {  	_ =	shalt  }
0x4d: {  	_ =	shalt  }
0x4e: {  	_ =	shalt  }
0x4f: {  	_ =	shalt  }
0x50: {  	_ =	shalt  }
0x51: {  	_ =	shalt  }
0x52: {  	_ =	shalt  }
0x53: {  	_ =	shalt  }
0x54: {  	_ =	shalt  }
0x55: {  	_ =	shalt  }
0x56: {  	_ =	shalt  }
0x57: {  	_ =	shalt  }
0x58: {  	_ =	shalt  }
0x59: {  	_ =	shalt  }
0x5a: {  	_ =	shalt  }
0x5b: {  	_ =	shalt  }
0x5c: {  	_ =	shalt  }
0x5d: {  	_ =	shalt  }
0x5e: {  	_ =	shalt  }
0x5f: {  	_ =	shalt  }
0x60: {  	_ =	shalt  }
0x61: {  	_ =	shalt  }
0x62: {  	_ =	shalt  }
0x63: {  	_ =	shalt  }
0x64: {  	_ =	shalt  }
0x65: {  	_ =	shalt  }
0x66: {  	_ =	shalt  }
0x67: {  	_ =	shalt  }
0x68: {  	_ =	shalt  }
0x69: {  	_ =	shalt  }
0x6a: {  	_ =	shalt  }
0x6b: {  	_ =	shalt  }
0x6c: {  	_ =	shalt  }
0x6d: {  	_ =	shalt  }
0x6e: {  	_ =	shalt  }
0x6f: {  	_ =	shalt  }
0x70: {  	_ =	shalt  }
0x71: {  	_ =	shalt  }
0x72: {  	_ =	shalt  }
0x73: {  	_ =	shalt  }
0x74: {  	_ =	shalt  }
0x75: {  	_ =	shalt  }
0x76: {  	_ =	shalt  }
0x77: {  	_ =	shalt  }
0x78: {  	_ =	shalt  }
0x79: {  	_ =	shalt  }
0x7a: {  	_ =	shalt  }
0x7b: {  	_ =	shalt  }
0x7c: {  	_ =	shalt  }
0x7d: {  	_ =	shalt  }
0x7e: {  	_ =	shalt  }
0x7f: {  	_ =	shalt  }
0x80: {  	_ =	shalt  }
0x81: {  	_ =	shalt  }
0x82: {  	_ =	shalt  }
0x83: {  	_ =	shalt  }
0x84: {  	_ =	shalt  }
0x85: {  	_ =	shalt  }
0x86: {  	_ =	shalt  }
0x87: {  	_ =	shalt  }
.Lfunc_end0:
.L_simem_size_0:
called_computation_lowered:
.L_overlay_start_0:
0x88: {  	s2 =	sld [smem:$0x3FD9]  }
0x89: {  	s3 =	sld [smem:$0x3FFE];
	_ =	sdelay $0x1  }
0x8a: {  	s1 =	srdreg.scid  }
0x8b: {  	s0 =	sand.u32 $0x1, s1  }
0x8c: {  	s17 =	sshll.u32 s0, $0xA;
	s2 =	sadd.s32 s3, s2  }
0x8d: {  	s2 =	sadd.s32 s2, s17  }
0x8e: {  	[smem:$0x3FC0] =	sst s2  }
0x8f: {  	_ = 	snop  }
0x90: {  	s2 =	sld [smem:$0x3FD0];
	(tm) =	ssettm $0x1  }
0x91: {  	s18 =	sld [smem:$0x3FFB];
	_ =	sdelay $0x3  }
0x92: {  	_ =	strace s18  }
0x93: {  	s3 =	sld [smem:$0x3FFC];
	_ =	sdelay $0x3  }
0x94: {  	_ =	strace s3  }
0x95: {  	s3 =	sld [smem:$0x3FFD];
	_ =	sdelay $0x3  }
0x96: {  	_ =	strace s3  }
0x97: {  	_ =	strace $0x8FFFFFFF  }
0x98: {  	s19 =	sld [smem:$0x3FDB];
	_ =	sdelay $0x1  }
0x99: {  	s4 =	simm.s32 $_scs_section_size  }
0x9a: {  	s5 =	simm.s32 $_size__tile_overlayer_lowered;
	s6 =	simm.s32 $_tile_overlayer_lowered  }
0x9b: {  	s22 =	simm.s32 $0x1BFF;
	s21 =	sshll.u32 s6, $0x1;
	s3 =	sadd.s32 s4, s19  }
0x9c: {  	s7 =	simm.s32 $0x0;
	s20 =	sshll.u32 s5, $0x1;
	s5 =	sadd.s32 s21, s3  }
0x9d: {  	[timem:s7], [sflag:s22] =	dma.local [hbm:s5], s20  }
0x9e: {  	_ =	swait.ge [sflag:s22], s20  }
0x9f: {  	s4 =	ssub.s32 $0x0, s20;
	[sflag:s22] =	ssyncset.done $0x0  }
0xa0: {  	[sflag:s22] =	ssyncadd.s32 s4;
	_ =	sdelay $0x1  }
0xa1: {  	s23 =	simm.s32 $0x1B8B  }
0xa2: {  	_ =	swait.ge [sflag:s23], $0x1  }
0xa3: {  	[sflag:s23] =	ssyncset.done $0x0  }
0xa4: {  	s25 =	simm.s32 $0x1B8E;
	s24 =	sld [smem:$0x3FFE];
	[sflag:s23] =	ssyncadd.s32 $0xFFFFFFFF  }
0xa5: {  	s26 =	simm.s32 $execute0_lowered;
	[smem:$0x3FD2] =	sst s25  }
0xa6: {  	s5 =	sshll.u32 s26, $0x1;
	_ =	strace $0x80000046;
	[dreg:$0x1] =	wrdreg $0xFFFFFFFF  }
0xa7: {  	s28 =	simm.s32 $_size_execute0_lowered;
	s3 =	sadd.s32 s3, s5;
	[dreg:$0x0] =	wrdreg $0x0  }
0xa8: {  	s5 =	sshll.u32 s28, $0x1;
	[dreg:$0x2] =	wrdreg s3  }
0xa9: {  	[dreg:$0x3] =	wrdreg s5  }
0xaa: {  	[dreg:$0x4] =	wrdreg $0xC0  }
0xab: {  	_ =	task [dreg:s7], $0x5FFFF  }
0xac: {  	[dreg:$0x1] =	wrdreg $0xFFFFFFFF  }
0xad: {  	[dreg:$0x0] =	wrdreg $0x60  }
0xae: {  	[dreg:$0x2] =	wrdreg s24  }
0xaf: {  	[dreg:$0x3] =	wrdreg s2  }
0xb0: {  	[dreg:$0x4] =	wrdreg $0x9  }
0xb1: {  	_ =	task.clear_ibuf [dreg:s7], $0x5FFFF;
	_ =	strace $0x90000046  }
0xb2: {  	s29 =	simm.s32 $0x9;
	_ =	strace $0x80000048  }
0xb3: {  	_ =	swait.ge [sflag:s29], $0x1  }
0xb4: {  	[sflag:s29] =	ssyncadd.s32 $0xFFFFFFFF  }
0xb5: {  	_ =	strace $0x90000048  }
0xb6: {  	_ =	sfence  }
0xb7: {  	s30 =	sld [smem:$0x0];
	_ =	sdelay $0x2  }
0xb8: {  	s31 =	sshll.u32 s1, $0xD;
	s1 =	sshrl.u32 s1, $0x2  }
0xb9: {  	s3 =	sand.u32 $0x4000, s31;
	s1 =	sadd.s32 s1, s30  }
0xba: {  	s0 =	sor.u32 s3, s0;
	s1 =	sshll.u32 s1, $0x11  }
0xbb: {  	s0 =	sor.u32 s1, s0  }
0xbc: {  	s0 =	sadd.s32 $0x8F2B, s0  }
0xbd: {  	[sflag:s0] =	ssyncadd.remote.s32 $0x1  }
0xbe: {  	_ =	sfence.sel $0xFFFF  }
0xbf: {  	[dreg:$0x0] =	wrdreg $0xFFFFFFFF;
	(pc) =	sbr.abs _section_cstart, $3  }
0xc0: {  	[dreg:$0x1] =	wrdreg $0xFFFFFFFF  }
0xc1: {  	_ =	task.clear_ibuf [dreg:s7], $0x2FFFF;
	_ =	strace $0x9FFFFFFF  }
0xc2: {  	(tm) =	ssettm $0x7FFFFFFF  }
0xc3: {  	_ =	shalt  }
tec
execute0_lowered:
.L_overlay_start_1:
0x0: {  	(tag) =	ssettag $0x1  }
0x1: {  	s4 =	rddreg [dreg:$0x0]  }
0x2: {  	s0 =	rddreg [dreg:$0x1]  }
0x3: {  	s2 =	simm.s32 $0x0;
	s3 =	srdreg.scid;
	s1 =	stileid.u32  }
0x4: {  	s28 =	simm.s32 $0x6080;
	s29 =	simm.s32 $0x6880;
	s30 =	simm.s32 $0x7080  }
0x5: {  	s31 =	simm.s32 $0x7880;
	[smem:$0x7FF] =	sst s2;
	s5 =	sand.u32 $0x1, s3  }
0x6: {  	s3 =	sadd.s32 $0xE00, s4;
	s7 =	sshll.u32 s1, $0x1;
	s11 =	sadd.s32 $0x100E00, s4  }
0x7: {  	s4 =	sadd.s32 $0xF00, s4;
	s6 =	ssub.s32 $0x2, s5;
	s5 =	sor.u32 s5, s7  }
0x8: {  	_ =	strace $0x80000047;
	s8 =	sshrl.u32 s6, $0x1;
	s25 =	sshll.u32 s5, $0x6  }
0x9: {  	s10 =	sshll.u32 s5, $0x9;
	s5 =	sshll.u32 s5, $0xF;
	s13 =	ssub.s32 s6, s8  }
0xa: {  	s6 =	sadd.s32 s11, s25;
	s26 =	sor.u32 $0x40, s10;
	s5 =	sadd.s32 s0, s5  }
0xb: {  	s12 =	sor.u32 $0x80, s10;
	s15 =	sor.u32 $0xC0, s10;
	s21 =	sor.u32 $0x100, s10  }
0xc: {  	s23 =	sor.u32 $0x140, s10;
	[dreg:$0x3] =	wrdreg s6;
	s1 =	sshrl.u32 s26, $0x3  }
0xd: {  	[dreg:$0x4] =	wrdreg s5;
	s8 =	sshll.u32 s26, $0x6;
	s14 =	sshrl.u32 s12, $0x3  }
0xe: {  	s17 =	sshrl.u32 s15, $0x3;
	s19 =	sshll.u32 s15, $0x6;
	s22 =	sshrl.u32 s21, $0x3  }
0xf: {  	s24 =	sshrl.u32 s23, $0x3;
	s13 =	smax.u32 s13, $0x1;
	s15 =	simm.s32 $0x80  }
0x10: {  	s6 =	sadd.s32 s11, s1;
	s9 =	sadd.s32 s0, s8;
	s5 =	sadd.s32 s11, s14  }
0x11: {  	s18 =	sadd.s32 s11, s17;
	s20 =	sadd.s32 s0, s19;
	[dreg:$0x5] =	wrdreg s6  }
0x12: {  	s7 =	sadd.s32 s11, s24;
	s14 =	sor.u32 $0x1C0, s10;
	[dreg:$0x6] =	wrdreg s9  }
0x13: {  	s17 =	simm.s32 $0x1080;
	s19 =	simm.s32 $0x2080;
	[dreg:$0x7] =	wrdreg s5  }
0x14: {  	s24 =	simm.s32 $0x4880;
	s6 =	sshll.u32 s12, $0x6;
	[dreg:$0x9] =	wrdreg s18  }
0x15: {  	[dreg:$0xa] =	wrdreg s20;
	s5 =	sadd.s32 s11, s22;
	s9 =	sshll.u32 s23, $0x6  }
0x16: {  	s12 =	sor.u32 $0x180, s10;
	s26 =	sshrl.u32 s14, $0x3;
	s14 =	sshll.u32 s14, $0x6  }
0x17: {  	s18 =	simm.s32 $0x1880;
	s20 =	simm.s32 $0x2880;
	s22 =	simm.s32 $0x3880  }
0x18: {  	s23 =	simm.s32 $0x4080;
	s16 =	sadd.s32 s0, s6;
	s6 =	sshll.u32 s21, $0x6  }
0x19: {  	s8 =	sadd.s32 s0, s9;
	s25 =	sshrl.u32 s12, $0x3;
	s12 =	sshll.u32 s12, $0x6  }
0x1a: {  	s21 =	simm.s32 $0x3080;
	[dreg:$0x8] =	wrdreg s16;
	s6 =	sadd.s32 s0, s6  }
0x1b: {  	v2 =	vlaneseq.u32;
	s9 =	sadd.s32 s11, s25;
	s10 =	sadd.s32 s0, s12;
	s11 =	sadd.s32 s11, s26  }
0x1c: {  	vm0 =	vmmov $0xffff;
	v1 =	vshrl.u32 v2, $0x3;
	s12 =	sadd.s32 s0, s14;
	s14 =	simm.s32 $0x2;
	s16 =	simm.s32 $0x880  }
0x1d: {  	v0 =	vand.u32 $0x7, v2;
	v2 =	vor.u32 $0x8, v2;
	v1 =	vmul.u32 $0x8, v1;
	s25 =	simm.s32 $0x5080;
	s26 =	simm.s32 $0x5880;
	s0 =	simm.s32 $0x1  }
.LBB2_1:
0x1e: {  	s1 =	rddreg [dreg:$0x3]  }
0x1f: {  	[tilespmem:s2], [sflag:$0x2] =	stream.linear.gather [hbm4b:s1+s2], $0x40, $0x38;
	[tilespmem:$0x8080] =	vst v63  }
0x20: {  	_ =	swait.ge [sflag:s14], $0x40  }
0x21: {  	[sflag:s14] =	ssyncset.done $0x0  }
0x22: {  	[sflag:s14] =	ssyncadd.s32 $0xFFFFFFC0  }
0x23: {  	v3 =	vld [tilespmem:$0x0];
	_ =	sdelay $0x4  }
0x24: {  	v4 =	vshll.u32 v3, $0x2  }
0x25: {  	v3 =	vand.u32 $0x7, v3;
	v4 =	vand.u32 $0xFFFFFFE0, v4  }
0x26: {  	v3 =	vor.u32 v3, v4  }
0x27: {  	v4 =	vperm.xlane v3, v0;
	_ =	sdelay $0x1  }
0x28: {  	v4 =	vadd.s32 v1, v4;
	_ =	sdelay $0x1  }
0x29: {  	v3 =	vperm.xlane v3, v2;
	_ =	sdelay $0x1  }
0x2a: {  	v3 =	vadd.s32 v1, v3  }
0x2b: {  	[tilespmem:s15], [sflag:$0x1] =	stream.indirect_vreg.gather [hbm4b:s3+s2], $0x80, v4, vm0, $0xb8;
	[tilespmem:$0x8080] =	vst v63  }
0x2c: {  	_ = 	snop  }
0x2d: {  	[tilespmem:s16], [sflag:$0x1] =	stream.indirect_vreg.gather [hbm4b:s4+s2], $0x80, v4, vm0, $0xb8;
	[tilespmem:$0x8080] =	vst v63  }
0x2e: {  	_ = 	snop  }
0x2f: {  	[tilespmem:s17], [sflag:$0x1] =	stream.indirect_vreg.gather [hbm4b:s3+s2], $0x80, v3, vm0, $0xb8;
	[tilespmem:$0x8080] =	vst v63  }
0x30: {  	_ = 	snop  }
0x31: {  	[tilespmem:s18], [sflag:$0x1] =	stream.indirect_vreg.gather [hbm4b:s4+s2], $0x80, v3, vm0, $0xb8;
	[tilespmem:$0x8080] =	vst v63  }
0x32: {  	v3 =	vld [tilespmem:$0x10];
	_ =	sdelay $0x4  }
0x33: {  	v33 =	vshll.u32 v3, $0x2  }
0x34: {  	v3 =	vand.u32 $0x7, v3;
	v4 =	vand.u32 $0xFFFFFFE0, v33  }
0x35: {  	v3 =	vor.u32 v3, v4  }
0x36: {  	v4 =	vperm.xlane v3, v0;
	_ =	sdelay $0x1  }
0x37: {  	v4 =	vadd.s32 v1, v4;
	_ =	sdelay $0x1  }
0x38: {  	v3 =	vperm.xlane v3, v2;
	_ =	sdelay $0x1  }
0x39: {  	v3 =	vadd.s32 v1, v3  }
0x3a: {  	[tilespmem:s19], [sflag:$0x1] =	stream.indirect_vreg.gather [hbm4b:s3+s2], $0x80, v4, vm0, $0xb8;
	[tilespmem:$0x8080] =	vst v63  }
0x3b: {  	_ = 	snop  }
0x3c: {  	[tilespmem:s20], [sflag:$0x1] =	stream.indirect_vreg.gather [hbm4b:s4+s2], $0x80, v4, vm0, $0xb8;
	[tilespmem:$0x8080] =	vst v63  }
0x3d: {  	_ = 	snop  }
0x3e: {  	[tilespmem:s21], [sflag:$0x1] =	stream.indirect_vreg.gather [hbm4b:s3+s2], $0x80, v3, vm0, $0xb8;
	[tilespmem:$0x8080] =	vst v63  }
0x3f: {  	_ = 	snop  }
0x40: {  	[tilespmem:s22], [sflag:$0x1] =	stream.indirect_vreg.gather [hbm4b:s4+s2], $0x80, v3, vm0, $0xb8;
	[tilespmem:$0x8080] =	vst v63  }
0x41: {  	v3 =	vld [tilespmem:$0x20];
	_ =	sdelay $0x4  }
0x42: {  	v34 =	vshll.u32 v3, $0x2  }
0x43: {  	v3 =	vand.u32 $0x7, v3;
	v4 =	vand.u32 $0xFFFFFFE0, v34  }
0x44: {  	v3 =	vor.u32 v3, v4  }
0x45: {  	v4 =	vperm.xlane v3, v0;
	_ =	sdelay $0x1  }
0x46: {  	v4 =	vadd.s32 v1, v4;
	_ =	sdelay $0x1  }
0x47: {  	v3 =	vperm.xlane v3, v2;
	_ =	sdelay $0x1  }
0x48: {  	v3 =	vadd.s32 v1, v3  }
0x49: {  	[tilespmem:s23], [sflag:$0x1] =	stream.indirect_vreg.gather [hbm4b:s3+s2], $0x80, v4, vm0, $0xb8;
	[tilespmem:$0x8080] =	vst v63  }
0x4a: {  	_ = 	snop  }
0x4b: {  	[tilespmem:s24], [sflag:$0x1] =	stream.indirect_vreg.gather [hbm4b:s4+s2], $0x80, v4, vm0, $0xb8;
	[tilespmem:$0x8080] =	vst v63  }
0x4c: {  	_ = 	snop  }
0x4d: {  	[tilespmem:s25], [sflag:$0x1] =	stream.indirect_vreg.gather [hbm4b:s3+s2], $0x80, v3, vm0, $0xb8;
	[tilespmem:$0x8080] =	vst v63  }
0x4e: {  	_ = 	snop  }
0x4f: {  	[tilespmem:s26], [sflag:$0x1] =	stream.indirect_vreg.gather [hbm4b:s4+s2], $0x80, v3, vm0, $0xb8;
	[tilespmem:$0x8080] =	vst v63  }
0x50: {  	v3 =	vld [tilespmem:$0x30];
	_ =	sdelay $0x4  }
0x51: {  	v35 =	vshll.u32 v3, $0x2  }
0x52: {  	v3 =	vand.u32 $0x7, v3;
	v4 =	vand.u32 $0xFFFFFFE0, v35  }
0x53: {  	v3 =	vor.u32 v3, v4  }
0x54: {  	v4 =	vperm.xlane v3, v0;
	_ =	sdelay $0x1  }
0x55: {  	v4 =	vadd.s32 v1, v4;
	_ =	sdelay $0x1  }
0x56: {  	v3 =	vperm.xlane v3, v2;
	_ =	sdelay $0x1  }
0x57: {  	v3 =	vadd.s32 v1, v3  }
0x58: {  	[tilespmem:s28], [sflag:$0x1] =	stream.indirect_vreg.gather [hbm4b:s3+s2], $0x80, v4, vm0, $0xb8;
	[tilespmem:$0x8080] =	vst v63  }
0x59: {  	_ = 	snop  }
0x5a: {  	[tilespmem:s29], [sflag:$0x1] =	stream.indirect_vreg.gather [hbm4b:s4+s2], $0x80, v4, vm0, $0xb8;
	[tilespmem:$0x8080] =	vst v63  }
0x5b: {  	_ = 	snop  }
0x5c: {  	[tilespmem:s30], [sflag:$0x1] =	stream.indirect_vreg.gather [hbm4b:s3+s2], $0x80, v3, vm0, $0xb8;
	[tilespmem:$0x8080] =	vst v63  }
0x5d: {  	_ = 	snop  }
0x5e: {  	[tilespmem:s31], [sflag:$0x1] =	stream.indirect_vreg.gather [hbm4b:s4+s2], $0x80, v3, vm0, $0xb8;
	[tilespmem:$0x8080] =	vst v63  }
0x5f: {  	_ =	swait.ge [sflag:s0], $0x8000  }
0x60: {  	[sflag:s0] =	ssyncset.done $0x0  }
0x61: {  	s1 =	rddreg [dreg:$0x4];
	[sflag:s0] =	ssyncadd.s32 $0xFFFF8000  }
0x62: {  	[hbm4b:s1+s2] =	stream.linear.scatter [tilespmem:s15], [sflag:$0x2], $0x8000, $0x38;
	[tilespmem:$0x8080] =	vst v63  }
0x63: {  	_ =	swait.ge [sflag:s14], $0x8000  }
0x64: {  	[sflag:s14] =	ssyncset.done $0x0  }
0x65: {  	s1 =	rddreg [dreg:$0x5];
	[sflag:s14] =	ssyncadd.s32 $0xFFFF8000  }
0x66: {  	[tilespmem:s2], [sflag:$0x2] =	stream.linear.gather [hbm4b:s1+s2], $0x40, $0x38;
	[tilespmem:$0x8080] =	vst v63  }
0x67: {  	_ =	swait.ge [sflag:s14], $0x40  }
0x68: {  	[sflag:s14] =	ssyncset.done $0x0  }
0x69: {  	[sflag:s14] =	ssyncadd.s32 $0xFFFFFFC0  }
0x6a: {  	v3 =	vld [tilespmem:$0x0];
	_ =	sdelay $0x4  }
0x6b: {  	v36 =	vshll.u32 v3, $0x2  }
0x6c: {  	v3 =	vand.u32 $0x7, v3;
	v4 =	vand.u32 $0xFFFFFFE0, v36  }
0x6d: {  	v3 =	vor.u32 v3, v4  }
0x6e: {  	v4 =	vperm.xlane v3, v0;
	_ =	sdelay $0x1  }
0x6f: {  	v4 =	vadd.s32 v1, v4;
	_ =	sdelay $0x1  }
0x70: {  	v3 =	vperm.xlane v3, v2;
	_ =	sdelay $0x1  }
0x71: {  	v3 =	vadd.s32 v1, v3  }
0x72: {  	[tilespmem:s15], [sflag:$0x1] =	stream.indirect_vreg.gather [hbm4b:s3+s2], $0x80, v4, vm0, $0xb8;
	[tilespmem:$0x8080] =	vst v63  }
0x73: {  	_ = 	snop  }
0x74: {  	[tilespmem:s16], [sflag:$0x1] =	stream.indirect_vreg.gather [hbm4b:s4+s2], $0x80, v4, vm0, $0xb8;
	[tilespmem:$0x8080] =	vst v63  }
0x75: {  	_ = 	snop  }
0x76: {  	[tilespmem:s17], [sflag:$0x1] =	stream.indirect_vreg.gather [hbm4b:s3+s2], $0x80, v3, vm0, $0xb8;
	[tilespmem:$0x8080] =	vst v63  }
0x77: {  	_ = 	snop  }
0x78: {  	[tilespmem:s18], [sflag:$0x1] =	stream.indirect_vreg.gather [hbm4b:s4+s2], $0x80, v3, vm0, $0xb8;
	[tilespmem:$0x8080] =	vst v63  }
0x79: {  	v3 =	vld [tilespmem:$0x10];
	_ =	sdelay $0x4  }
0x7a: {  	v37 =	vshll.u32 v3, $0x2  }
0x7b: {  	v3 =	vand.u32 $0x7, v3;
	v4 =	vand.u32 $0xFFFFFFE0, v37  }
0x7c: {  	v3 =	vor.u32 v3, v4  }
0x7d: {  	v4 =	vperm.xlane v3, v0;
	_ =	sdelay $0x1  }
0x7e: {  	v4 =	vadd.s32 v1, v4;
	_ =	sdelay $0x1  }
0x7f: {  	v3 =	vperm.xlane v3, v2;
	_ =	sdelay $0x1  }
0x80: {  	v3 =	vadd.s32 v1, v3  }
0x81: {  	[tilespmem:s19], [sflag:$0x1] =	stream.indirect_vreg.gather [hbm4b:s3+s2], $0x80, v4, vm0, $0xb8;
	[tilespmem:$0x8080] =	vst v63  }
0x82: {  	_ = 	snop  }
0x83: {  	[tilespmem:s20], [sflag:$0x1] =	stream.indirect_vreg.gather [hbm4b:s4+s2], $0x80, v4, vm0, $0xb8;
	[tilespmem:$0x8080] =	vst v63  }
0x84: {  	_ = 	snop  }
0x85: {  	[tilespmem:s21], [sflag:$0x1] =	stream.indirect_vreg.gather [hbm4b:s3+s2], $0x80, v3, vm0, $0xb8;
	[tilespmem:$0x8080] =	vst v63  }
0x86: {  	_ = 	snop  }
0x87: {  	[tilespmem:s22], [sflag:$0x1] =	stream.indirect_vreg.gather [hbm4b:s4+s2], $0x80, v3, vm0, $0xb8;
	[tilespmem:$0x8080] =	vst v63  }
0x88: {  	v3 =	vld [tilespmem:$0x20];
	_ =	sdelay $0x4  }
0x89: {  	v38 =	vshll.u32 v3, $0x2  }
0x8a: {  	v3 =	vand.u32 $0x7, v3;
	v4 =	vand.u32 $0xFFFFFFE0, v38  }
0x8b: {  	v3 =	vor.u32 v3, v4  }
0x8c: {  	v4 =	vperm.xlane v3, v0;
	_ =	sdelay $0x1  }
0x8d: {  	v4 =	vadd.s32 v1, v4;
	_ =	sdelay $0x1  }
0x8e: {  	v3 =	vperm.xlane v3, v2;
	_ =	sdelay $0x1  }
0x8f: {  	v3 =	vadd.s32 v1, v3  }
0x90: {  	[tilespmem:s23], [sflag:$0x1] =	stream.indirect_vreg.gather [hbm4b:s3+s2], $0x80, v4, vm0, $0xb8;
	[tilespmem:$0x8080] =	vst v63  }
0x91: {  	_ = 	snop  }
0x92: {  	[tilespmem:s24], [sflag:$0x1] =	stream.indirect_vreg.gather [hbm4b:s4+s2], $0x80, v4, vm0, $0xb8;
	[tilespmem:$0x8080] =	vst v63  }
0x93: {  	_ = 	snop  }
0x94: {  	[tilespmem:s25], [sflag:$0x1] =	stream.indirect_vreg.gather [hbm4b:s3+s2], $0x80, v3, vm0, $0xb8;
	[tilespmem:$0x8080] =	vst v63  }
0x95: {  	_ = 	snop  }
0x96: {  	[tilespmem:s26], [sflag:$0x1] =	stream.indirect_vreg.gather [hbm4b:s4+s2], $0x80, v3, vm0, $0xb8;
	[tilespmem:$0x8080] =	vst v63  }
0x97: {  	v3 =	vld [tilespmem:$0x30];
	_ =	sdelay $0x4  }
0x98: {  	v39 =	vshll.u32 v3, $0x2  }
0x99: {  	v3 =	vand.u32 $0x7, v3;
	v4 =	vand.u32 $0xFFFFFFE0, v39  }
0x9a: {  	v3 =	vor.u32 v3, v4  }
0x9b: {  	v4 =	vperm.xlane v3, v0;
	_ =	sdelay $0x1  }
0x9c: {  	v4 =	vadd.s32 v1, v4;
	_ =	sdelay $0x1  }
0x9d: {  	v3 =	vperm.xlane v3, v2;
	_ =	sdelay $0x1  }
0x9e: {  	v3 =	vadd.s32 v1, v3  }
0x9f: {  	[tilespmem:s28], [sflag:$0x1] =	stream.indirect_vreg.gather [hbm4b:s3+s2], $0x80, v4, vm0, $0xb8;
	[tilespmem:$0x8080] =	vst v63  }
0xa0: {  	_ = 	snop  }
0xa1: {  	[tilespmem:s29], [sflag:$0x1] =	stream.indirect_vreg.gather [hbm4b:s4+s2], $0x80, v4, vm0, $0xb8;
	[tilespmem:$0x8080] =	vst v63  }
0xa2: {  	_ = 	snop  }
0xa3: {  	[tilespmem:s30], [sflag:$0x1] =	stream.indirect_vreg.gather [hbm4b:s3+s2], $0x80, v3, vm0, $0xb8;
	[tilespmem:$0x8080] =	vst v63  }
0xa4: {  	_ = 	snop  }
0xa5: {  	[tilespmem:s31], [sflag:$0x1] =	stream.indirect_vreg.gather [hbm4b:s4+s2], $0x80, v3, vm0, $0xb8;
	[tilespmem:$0x8080] =	vst v63  }
0xa6: {  	_ =	swait.ge [sflag:s0], $0x8000  }
0xa7: {  	[sflag:s0] =	ssyncset.done $0x0  }
0xa8: {  	s1 =	rddreg [dreg:$0x6];
	[sflag:s0] =	ssyncadd.s32 $0xFFFF8000  }
0xa9: {  	[hbm4b:s1+s2] =	stream.linear.scatter [tilespmem:s15], [sflag:$0x2], $0x8000, $0x38;
	[tilespmem:$0x8080] =	vst v63  }
0xaa: {  	_ =	swait.ge [sflag:s14], $0x8000  }
0xab: {  	[sflag:s14] =	ssyncset.done $0x0  }
0xac: {  	s1 =	rddreg [dreg:$0x7];
	[sflag:s14] =	ssyncadd.s32 $0xFFFF8000  }
0xad: {  	[tilespmem:s2], [sflag:$0x2] =	stream.linear.gather [hbm4b:s1+s2], $0x40, $0x38;
	[tilespmem:$0x8080] =	vst v63  }
0xae: {  	_ =	swait.ge [sflag:s14], $0x40  }
0xaf: {  	[sflag:s14] =	ssyncset.done $0x0  }
0xb0: {  	[sflag:s14] =	ssyncadd.s32 $0xFFFFFFC0  }
0xb1: {  	v3 =	vld [tilespmem:$0x0];
	_ =	sdelay $0x4  }
0xb2: {  	v40 =	vshll.u32 v3, $0x2  }
0xb3: {  	v3 =	vand.u32 $0x7, v3;
	v4 =	vand.u32 $0xFFFFFFE0, v40  }
0xb4: {  	v3 =	vor.u32 v3, v4  }
0xb5: {  	v4 =	vperm.xlane v3, v0;
	_ =	sdelay $0x1  }
0xb6: {  	v4 =	vadd.s32 v1, v4;
	_ =	sdelay $0x1  }
0xb7: {  	v3 =	vperm.xlane v3, v2;
	_ =	sdelay $0x1  }
0xb8: {  	v3 =	vadd.s32 v1, v3  }
0xb9: {  	[tilespmem:s15], [sflag:$0x1] =	stream.indirect_vreg.gather [hbm4b:s3+s2], $0x80, v4, vm0, $0xb8;
	[tilespmem:$0x8080] =	vst v63  }
0xba: {  	_ = 	snop  }
0xbb: {  	[tilespmem:s16], [sflag:$0x1] =	stream.indirect_vreg.gather [hbm4b:s4+s2], $0x80, v4, vm0, $0xb8;
	[tilespmem:$0x8080] =	vst v63  }
0xbc: {  	_ = 	snop  }
0xbd: {  	[tilespmem:s17], [sflag:$0x1] =	stream.indirect_vreg.gather [hbm4b:s3+s2], $0x80, v3, vm0, $0xb8;
	[tilespmem:$0x8080] =	vst v63  }
0xbe: {  	_ = 	snop  }
0xbf: {  	[tilespmem:s18], [sflag:$0x1] =	stream.indirect_vreg.gather [hbm4b:s4+s2], $0x80, v3, vm0, $0xb8;
	[tilespmem:$0x8080] =	vst v63  }
0xc0: {  	v3 =	vld [tilespmem:$0x10];
	_ =	sdelay $0x4  }
0xc1: {  	v41 =	vshll.u32 v3, $0x2  }
0xc2: {  	v3 =	vand.u32 $0x7, v3;
	v4 =	vand.u32 $0xFFFFFFE0, v41  }
0xc3: {  	v3 =	vor.u32 v3, v4  }
0xc4: {  	v4 =	vperm.xlane v3, v0;
	_ =	sdelay $0x1  }
0xc5: {  	v4 =	vadd.s32 v1, v4;
	_ =	sdelay $0x1  }
0xc6: {  	v3 =	vperm.xlane v3, v2;
	_ =	sdelay $0x1  }
0xc7: {  	v3 =	vadd.s32 v1, v3  }
0xc8: {  	[tilespmem:s19], [sflag:$0x1] =	stream.indirect_vreg.gather [hbm4b:s3+s2], $0x80, v4, vm0, $0xb8;
	[tilespmem:$0x8080] =	vst v63  }
0xc9: {  	_ = 	snop  }
0xca: {  	[tilespmem:s20], [sflag:$0x1] =	stream.indirect_vreg.gather [hbm4b:s4+s2], $0x80, v4, vm0, $0xb8;
	[tilespmem:$0x8080] =	vst v63  }
0xcb: {  	_ = 	snop  }
0xcc: {  	[tilespmem:s21], [sflag:$0x1] =	stream.indirect_vreg.gather [hbm4b:s3+s2], $0x80, v3, vm0, $0xb8;
	[tilespmem:$0x8080] =	vst v63  }
0xcd: {  	_ = 	snop  }
0xce: {  	[tilespmem:s22], [sflag:$0x1] =	stream.indirect_vreg.gather [hbm4b:s4+s2], $0x80, v3, vm0, $0xb8;
	[tilespmem:$0x8080] =	vst v63  }
0xcf: {  	v3 =	vld [tilespmem:$0x20];
	_ =	sdelay $0x4  }
0xd0: {  	v42 =	vshll.u32 v3, $0x2  }
0xd1: {  	v3 =	vand.u32 $0x7, v3;
	v4 =	vand.u32 $0xFFFFFFE0, v42  }
0xd2: {  	v3 =	vor.u32 v3, v4  }
0xd3: {  	v4 =	vperm.xlane v3, v0;
	_ =	sdelay $0x1  }
0xd4: {  	v4 =	vadd.s32 v1, v4;
	_ =	sdelay $0x1  }
0xd5: {  	v3 =	vperm.xlane v3, v2;
	_ =	sdelay $0x1  }
0xd6: {  	v3 =	vadd.s32 v1, v3  }
0xd7: {  	[tilespmem:s23], [sflag:$0x1] =	stream.indirect_vreg.gather [hbm4b:s3+s2], $0x80, v4, vm0, $0xb8;
	[tilespmem:$0x8080] =	vst v63  }
0xd8: {  	_ = 	snop  }
0xd9: {  	[tilespmem:s24], [sflag:$0x1] =	stream.indirect_vreg.gather [hbm4b:s4+s2], $0x80, v4, vm0, $0xb8;
	[tilespmem:$0x8080] =	vst v63  }
0xda: {  	_ = 	snop  }
0xdb: {  	[tilespmem:s25], [sflag:$0x1] =	stream.indirect_vreg.gather [hbm4b:s3+s2], $0x80, v3, vm0, $0xb8;
	[tilespmem:$0x8080] =	vst v63  }
0xdc: {  	_ = 	snop  }
0xdd: {  	[tilespmem:s26], [sflag:$0x1] =	stream.indirect_vreg.gather [hbm4b:s4+s2], $0x80, v3, vm0, $0xb8;
	[tilespmem:$0x8080] =	vst v63  }
0xde: {  	v3 =	vld [tilespmem:$0x30];
	_ =	sdelay $0x4  }
0xdf: {  	v43 =	vshll.u32 v3, $0x2  }
0xe0: {  	v3 =	vand.u32 $0x7, v3;
	v4 =	vand.u32 $0xFFFFFFE0, v43  }
0xe1: {  	v3 =	vor.u32 v3, v4  }
0xe2: {  	v4 =	vperm.xlane v3, v0;
	_ =	sdelay $0x1  }
0xe3: {  	v4 =	vadd.s32 v1, v4;
	_ =	sdelay $0x1  }
0xe4: {  	v3 =	vperm.xlane v3, v2;
	_ =	sdelay $0x1  }
0xe5: {  	v3 =	vadd.s32 v1, v3  }
0xe6: {  	[tilespmem:s28], [sflag:$0x1] =	stream.indirect_vreg.gather [hbm4b:s3+s2], $0x80, v4, vm0, $0xb8;
	[tilespmem:$0x8080] =	vst v63  }
0xe7: {  	_ = 	snop  }
0xe8: {  	[tilespmem:s29], [sflag:$0x1] =	stream.indirect_vreg.gather [hbm4b:s4+s2], $0x80, v4, vm0, $0xb8;
	[tilespmem:$0x8080] =	vst v63  }
0xe9: {  	_ = 	snop  }
0xea: {  	[tilespmem:s30], [sflag:$0x1] =	stream.indirect_vreg.gather [hbm4b:s3+s2], $0x80, v3, vm0, $0xb8;
	[tilespmem:$0x8080] =	vst v63  }
0xeb: {  	_ = 	snop  }
0xec: {  	[tilespmem:s31], [sflag:$0x1] =	stream.indirect_vreg.gather [hbm4b:s4+s2], $0x80, v3, vm0, $0xb8;
	[tilespmem:$0x8080] =	vst v63  }
0xed: {  	_ =	swait.ge [sflag:s0], $0x8000  }
0xee: {  	[sflag:s0] =	ssyncset.done $0x0  }
0xef: {  	s1 =	rddreg [dreg:$0x8];
	[sflag:s0] =	ssyncadd.s32 $0xFFFF8000  }
0xf0: {  	[hbm4b:s1+s2] =	stream.linear.scatter [tilespmem:s15], [sflag:$0x2], $0x8000, $0x38;
	[tilespmem:$0x8080] =	vst v63  }
0xf1: {  	_ =	swait.ge [sflag:s14], $0x8000  }
0xf2: {  	[sflag:s14] =	ssyncset.done $0x0  }
0xf3: {  	s1 =	rddreg [dreg:$0x9];
	[sflag:s14] =	ssyncadd.s32 $0xFFFF8000  }
0xf4: {  	[tilespmem:s2], [sflag:$0x2] =	stream.linear.gather [hbm4b:s1+s2], $0x40, $0x38;
	[tilespmem:$0x8080] =	vst v63  }
0xf5: {  	_ =	swait.ge [sflag:s14], $0x40  }
0xf6: {  	[sflag:s14] =	ssyncset.done $0x0  }
0xf7: {  	[sflag:s14] =	ssyncadd.s32 $0xFFFFFFC0  }
0xf8: {  	v3 =	vld [tilespmem:$0x0];
	_ =	sdelay $0x4  }
0xf9: {  	v44 =	vshll.u32 v3, $0x2  }
0xfa: {  	v3 =	vand.u32 $0x7, v3;
	v4 =	vand.u32 $0xFFFFFFE0, v44  }
0xfb: {  	v3 =	vor.u32 v3, v4  }
0xfc: {  	v4 =	vperm.xlane v3, v0;
	_ =	sdelay $0x1  }
0xfd: {  	v4 =	vadd.s32 v1, v4;
	_ =	sdelay $0x1  }
0xfe: {  	v3 =	vperm.xlane v3, v2;
	_ =	sdelay $0x1  }
0xff: {  	v3 =	vadd.s32 v1, v3  }
0x100: {  	[tilespmem:s15], [sflag:$0x1] =	stream.indirect_vreg.gather [hbm4b:s3+s2], $0x80, v4, vm0, $0xb8;
	[tilespmem:$0x8080] =	vst v63  }
0x101: {  	_ = 	snop  }
0x102: {  	[tilespmem:s16], [sflag:$0x1] =	stream.indirect_vreg.gather [hbm4b:s4+s2], $0x80, v4, vm0, $0xb8;
	[tilespmem:$0x8080] =	vst v63  }
0x103: {  	_ = 	snop  }
0x104: {  	[tilespmem:s17], [sflag:$0x1] =	stream.indirect_vreg.gather [hbm4b:s3+s2], $0x80, v3, vm0, $0xb8;
	[tilespmem:$0x8080] =	vst v63  }
0x105: {  	_ = 	snop  }
0x106: {  	[tilespmem:s18], [sflag:$0x1] =	stream.indirect_vreg.gather [hbm4b:s4+s2], $0x80, v3, vm0, $0xb8;
	[tilespmem:$0x8080] =	vst v63  }
0x107: {  	v3 =	vld [tilespmem:$0x10];
	_ =	sdelay $0x4  }
0x108: {  	v45 =	vshll.u32 v3, $0x2  }
0x109: {  	v3 =	vand.u32 $0x7, v3;
	v4 =	vand.u32 $0xFFFFFFE0, v45  }
0x10a: {  	v3 =	vor.u32 v3, v4  }
0x10b: {  	v4 =	vperm.xlane v3, v0;
	_ =	sdelay $0x1  }
0x10c: {  	v4 =	vadd.s32 v1, v4;
	_ =	sdelay $0x1  }
0x10d: {  	v3 =	vperm.xlane v3, v2;
	_ =	sdelay $0x1  }
0x10e: {  	v3 =	vadd.s32 v1, v3  }
0x10f: {  	[tilespmem:s19], [sflag:$0x1] =	stream.indirect_vreg.gather [hbm4b:s3+s2], $0x80, v4, vm0, $0xb8;
	[tilespmem:$0x8080] =	vst v63  }
0x110: {  	_ = 	snop  }
0x111: {  	[tilespmem:s20], [sflag:$0x1] =	stream.indirect_vreg.gather [hbm4b:s4+s2], $0x80, v4, vm0, $0xb8;
	[tilespmem:$0x8080] =	vst v63  }
0x112: {  	_ = 	snop  }
0x113: {  	[tilespmem:s21], [sflag:$0x1] =	stream.indirect_vreg.gather [hbm4b:s3+s2], $0x80, v3, vm0, $0xb8;
	[tilespmem:$0x8080] =	vst v63  }
0x114: {  	_ = 	snop  }
0x115: {  	[tilespmem:s22], [sflag:$0x1] =	stream.indirect_vreg.gather [hbm4b:s4+s2], $0x80, v3, vm0, $0xb8;
	[tilespmem:$0x8080] =	vst v63  }
0x116: {  	v3 =	vld [tilespmem:$0x20];
	_ =	sdelay $0x4  }
0x117: {  	v46 =	vshll.u32 v3, $0x2  }
0x118: {  	v3 =	vand.u32 $0x7, v3;
	v4 =	vand.u32 $0xFFFFFFE0, v46  }
0x119: {  	v3 =	vor.u32 v3, v4  }
0x11a: {  	v4 =	vperm.xlane v3, v0;
	_ =	sdelay $0x1  }
0x11b: {  	v4 =	vadd.s32 v1, v4;
	_ =	sdelay $0x1  }
0x11c: {  	v3 =	vperm.xlane v3, v2;
	_ =	sdelay $0x1  }
0x11d: {  	v3 =	vadd.s32 v1, v3  }
0x11e: {  	[tilespmem:s23], [sflag:$0x1] =	stream.indirect_vreg.gather [hbm4b:s3+s2], $0x80, v4, vm0, $0xb8;
	[tilespmem:$0x8080] =	vst v63  }
0x11f: {  	_ = 	snop  }
0x120: {  	[tilespmem:s24], [sflag:$0x1] =	stream.indirect_vreg.gather [hbm4b:s4+s2], $0x80, v4, vm0, $0xb8;
	[tilespmem:$0x8080] =	vst v63  }
0x121: {  	_ = 	snop  }
0x122: {  	[tilespmem:s25], [sflag:$0x1] =	stream.indirect_vreg.gather [hbm4b:s3+s2], $0x80, v3, vm0, $0xb8;
	[tilespmem:$0x8080] =	vst v63  }
0x123: {  	_ = 	snop  }
0x124: {  	[tilespmem:s26], [sflag:$0x1] =	stream.indirect_vreg.gather [hbm4b:s4+s2], $0x80, v3, vm0, $0xb8;
	[tilespmem:$0x8080] =	vst v63  }
0x125: {  	v3 =	vld [tilespmem:$0x30];
	_ =	sdelay $0x4  }
0x126: {  	v47 =	vshll.u32 v3, $0x2  }
0x127: {  	v3 =	vand.u32 $0x7, v3;
	v4 =	vand.u32 $0xFFFFFFE0, v47  }
0x128: {  	v3 =	vor.u32 v3, v4  }
0x129: {  	v4 =	vperm.xlane v3, v0;
	_ =	sdelay $0x1  }
0x12a: {  	v4 =	vadd.s32 v1, v4;
	_ =	sdelay $0x1  }
0x12b: {  	v3 =	vperm.xlane v3, v2;
	_ =	sdelay $0x1  }
0x12c: {  	v3 =	vadd.s32 v1, v3  }
0x12d: {  	[tilespmem:s28], [sflag:$0x1] =	stream.indirect_vreg.gather [hbm4b:s3+s2], $0x80, v4, vm0, $0xb8;
	[tilespmem:$0x8080] =	vst v63  }
0x12e: {  	_ = 	snop  }
0x12f: {  	[tilespmem:s29], [sflag:$0x1] =	stream.indirect_vreg.gather [hbm4b:s4+s2], $0x80, v4, vm0, $0xb8;
	[tilespmem:$0x8080] =	vst v63  }
0x130: {  	_ = 	snop  }
0x131: {  	[tilespmem:s30], [sflag:$0x1] =	stream.indirect_vreg.gather [hbm4b:s3+s2], $0x80, v3, vm0, $0xb8;
	[tilespmem:$0x8080] =	vst v63  }
0x132: {  	_ = 	snop  }
0x133: {  	[tilespmem:s31], [sflag:$0x1] =	stream.indirect_vreg.gather [hbm4b:s4+s2], $0x80, v3, vm0, $0xb8;
	[tilespmem:$0x8080] =	vst v63  }
0x134: {  	_ =	swait.ge [sflag:s0], $0x8000  }
0x135: {  	[sflag:s0] =	ssyncset.done $0x0  }
0x136: {  	s1 =	rddreg [dreg:$0xa];
	[sflag:s0] =	ssyncadd.s32 $0xFFFF8000  }
0x137: {  	[hbm4b:s1+s2] =	stream.linear.scatter [tilespmem:s15], [sflag:$0x2], $0x8000, $0x38;
	[tilespmem:$0x8080] =	vst v63  }
0x138: {  	_ =	swait.ge [sflag:s14], $0x8000  }
0x139: {  	[sflag:s14] =	ssyncset.done $0x0  }
0x13a: {  	[sflag:s14] =	ssyncadd.s32 $0xFFFF8000  }
0x13b: {  	[tilespmem:s2], [sflag:$0x2] =	stream.linear.gather [hbm4b:s5+s2], $0x40, $0x38;
	[tilespmem:$0x8080] =	vst v63  }
0x13c: {  	_ =	swait.ge [sflag:s14], $0x40  }
0x13d: {  	[sflag:s14] =	ssyncset.done $0x0  }
0x13e: {  	[sflag:s14] =	ssyncadd.s32 $0xFFFFFFC0  }
0x13f: {  	v3 =	vld [tilespmem:$0x0];
	_ =	sdelay $0x4  }
0x140: {  	v48 =	vshll.u32 v3, $0x2  }
0x141: {  	v3 =	vand.u32 $0x7, v3;
	v4 =	vand.u32 $0xFFFFFFE0, v48  }
0x142: {  	v3 =	vor.u32 v3, v4  }
0x143: {  	v4 =	vperm.xlane v3, v0;
	_ =	sdelay $0x1  }
0x144: {  	v4 =	vadd.s32 v1, v4;
	_ =	sdelay $0x1  }
0x145: {  	v3 =	vperm.xlane v3, v2;
	_ =	sdelay $0x1  }
0x146: {  	v3 =	vadd.s32 v1, v3  }
0x147: {  	[tilespmem:s15], [sflag:$0x1] =	stream.indirect_vreg.gather [hbm4b:s3+s2], $0x80, v4, vm0, $0xb8;
	[tilespmem:$0x8080] =	vst v63  }
0x148: {  	_ = 	snop  }
0x149: {  	[tilespmem:s16], [sflag:$0x1] =	stream.indirect_vreg.gather [hbm4b:s4+s2], $0x80, v4, vm0, $0xb8;
	[tilespmem:$0x8080] =	vst v63  }
0x14a: {  	_ = 	snop  }
0x14b: {  	[tilespmem:s17], [sflag:$0x1] =	stream.indirect_vreg.gather [hbm4b:s3+s2], $0x80, v3, vm0, $0xb8;
	[tilespmem:$0x8080] =	vst v63  }
0x14c: {  	_ = 	snop  }
0x14d: {  	[tilespmem:s18], [sflag:$0x1] =	stream.indirect_vreg.gather [hbm4b:s4+s2], $0x80, v3, vm0, $0xb8;
	[tilespmem:$0x8080] =	vst v63  }
0x14e: {  	v3 =	vld [tilespmem:$0x10];
	_ =	sdelay $0x4  }
0x14f: {  	v49 =	vshll.u32 v3, $0x2  }
0x150: {  	v3 =	vand.u32 $0x7, v3;
	v4 =	vand.u32 $0xFFFFFFE0, v49  }
0x151: {  	v3 =	vor.u32 v3, v4  }
0x152: {  	v4 =	vperm.xlane v3, v0;
	_ =	sdelay $0x1  }
0x153: {  	v4 =	vadd.s32 v1, v4;
	_ =	sdelay $0x1  }
0x154: {  	v3 =	vperm.xlane v3, v2;
	_ =	sdelay $0x1  }
0x155: {  	v3 =	vadd.s32 v1, v3  }
0x156: {  	[tilespmem:s19], [sflag:$0x1] =	stream.indirect_vreg.gather [hbm4b:s3+s2], $0x80, v4, vm0, $0xb8;
	[tilespmem:$0x8080] =	vst v63  }
0x157: {  	_ = 	snop  }
0x158: {  	[tilespmem:s20], [sflag:$0x1] =	stream.indirect_vreg.gather [hbm4b:s4+s2], $0x80, v4, vm0, $0xb8;
	[tilespmem:$0x8080] =	vst v63  }
0x159: {  	_ = 	snop  }
0x15a: {  	[tilespmem:s21], [sflag:$0x1] =	stream.indirect_vreg.gather [hbm4b:s3+s2], $0x80, v3, vm0, $0xb8;
	[tilespmem:$0x8080] =	vst v63  }
0x15b: {  	_ = 	snop  }
0x15c: {  	[tilespmem:s22], [sflag:$0x1] =	stream.indirect_vreg.gather [hbm4b:s4+s2], $0x80, v3, vm0, $0xb8;
	[tilespmem:$0x8080] =	vst v63  }
0x15d: {  	v3 =	vld [tilespmem:$0x20];
	_ =	sdelay $0x4  }
0x15e: {  	v50 =	vshll.u32 v3, $0x2  }
0x15f: {  	v3 =	vand.u32 $0x7, v3;
	v4 =	vand.u32 $0xFFFFFFE0, v50  }
0x160: {  	v3 =	vor.u32 v3, v4  }
0x161: {  	v4 =	vperm.xlane v3, v0;
	_ =	sdelay $0x1  }
0x162: {  	v4 =	vadd.s32 v1, v4;
	_ =	sdelay $0x1  }
0x163: {  	v3 =	vperm.xlane v3, v2;
	_ =	sdelay $0x1  }
0x164: {  	v3 =	vadd.s32 v1, v3  }
0x165: {  	[tilespmem:s23], [sflag:$0x1] =	stream.indirect_vreg.gather [hbm4b:s3+s2], $0x80, v4, vm0, $0xb8;
	[tilespmem:$0x8080] =	vst v63  }
0x166: {  	_ = 	snop  }
0x167: {  	[tilespmem:s24], [sflag:$0x1] =	stream.indirect_vreg.gather [hbm4b:s4+s2], $0x80, v4, vm0, $0xb8;
	[tilespmem:$0x8080] =	vst v63  }
0x168: {  	_ = 	snop  }
0x169: {  	[tilespmem:s25], [sflag:$0x1] =	stream.indirect_vreg.gather [hbm4b:s3+s2], $0x80, v3, vm0, $0xb8;
	[tilespmem:$0x8080] =	vst v63  }
0x16a: {  	_ = 	snop  }
0x16b: {  	[tilespmem:s26], [sflag:$0x1] =	stream.indirect_vreg.gather [hbm4b:s4+s2], $0x80, v3, vm0, $0xb8;
	[tilespmem:$0x8080] =	vst v63  }
0x16c: {  	v3 =	vld [tilespmem:$0x30];
	_ =	sdelay $0x4  }
0x16d: {  	v51 =	vshll.u32 v3, $0x2  }
0x16e: {  	v3 =	vand.u32 $0x7, v3;
	v4 =	vand.u32 $0xFFFFFFE0, v51  }
0x16f: {  	v3 =	vor.u32 v3, v4  }
0x170: {  	v4 =	vperm.xlane v3, v0;
	_ =	sdelay $0x1  }
0x171: {  	v4 =	vadd.s32 v1, v4;
	_ =	sdelay $0x1  }
0x172: {  	v3 =	vperm.xlane v3, v2;
	_ =	sdelay $0x1  }
0x173: {  	v3 =	vadd.s32 v1, v3  }
0x174: {  	[tilespmem:s28], [sflag:$0x1] =	stream.indirect_vreg.gather [hbm4b:s3+s2], $0x80, v4, vm0, $0xb8;
	[tilespmem:$0x8080] =	vst v63  }
0x175: {  	_ = 	snop  }
0x176: {  	[tilespmem:s29], [sflag:$0x1] =	stream.indirect_vreg.gather [hbm4b:s4+s2], $0x80, v4, vm0, $0xb8;
	[tilespmem:$0x8080] =	vst v63  }
0x177: {  	_ = 	snop  }
0x178: {  	[tilespmem:s30], [sflag:$0x1] =	stream.indirect_vreg.gather [hbm4b:s3+s2], $0x80, v3, vm0, $0xb8;
	[tilespmem:$0x8080] =	vst v63  }
0x179: {  	_ = 	snop  }
0x17a: {  	[tilespmem:s31], [sflag:$0x1] =	stream.indirect_vreg.gather [hbm4b:s4+s2], $0x80, v3, vm0, $0xb8;
	[tilespmem:$0x8080] =	vst v63  }
0x17b: {  	_ =	swait.ge [sflag:s0], $0x8000  }
0x17c: {  	[sflag:s0] =	ssyncset.done $0x0  }
0x17d: {  	[sflag:s0] =	ssyncadd.s32 $0xFFFF8000  }
0x17e: {  	[hbm4b:s6+s2] =	stream.linear.scatter [tilespmem:s15], [sflag:$0x2], $0x8000, $0x38;
	[tilespmem:$0x8080] =	vst v63  }
0x17f: {  	_ =	swait.ge [sflag:s14], $0x8000  }
0x180: {  	[sflag:s14] =	ssyncset.done $0x0  }
0x181: {  	[sflag:s14] =	ssyncadd.s32 $0xFFFF8000  }
0x182: {  	[tilespmem:s2], [sflag:$0x2] =	stream.linear.gather [hbm4b:s7+s2], $0x40, $0x38;
	[tilespmem:$0x8080] =	vst v63  }
0x183: {  	_ =	swait.ge [sflag:s14], $0x40  }
0x184: {  	[sflag:s14] =	ssyncset.done $0x0  }
0x185: {  	[sflag:s14] =	ssyncadd.s32 $0xFFFFFFC0  }
0x186: {  	v3 =	vld [tilespmem:$0x0];
	_ =	sdelay $0x4  }
0x187: {  	v52 =	vshll.u32 v3, $0x2  }
0x188: {  	v3 =	vand.u32 $0x7, v3;
	v4 =	vand.u32 $0xFFFFFFE0, v52  }
0x189: {  	v3 =	vor.u32 v3, v4  }
0x18a: {  	v4 =	vperm.xlane v3, v0;
	_ =	sdelay $0x1  }
0x18b: {  	v4 =	vadd.s32 v1, v4;
	_ =	sdelay $0x1  }
0x18c: {  	v3 =	vperm.xlane v3, v2;
	_ =	sdelay $0x1  }
0x18d: {  	v3 =	vadd.s32 v1, v3  }
0x18e: {  	[tilespmem:s15], [sflag:$0x1] =	stream.indirect_vreg.gather [hbm4b:s3+s2], $0x80, v4, vm0, $0xb8;
	[tilespmem:$0x8080] =	vst v63  }
0x18f: {  	_ = 	snop  }
0x190: {  	[tilespmem:s16], [sflag:$0x1] =	stream.indirect_vreg.gather [hbm4b:s4+s2], $0x80, v4, vm0, $0xb8;
	[tilespmem:$0x8080] =	vst v63  }
0x191: {  	_ = 	snop  }
0x192: {  	[tilespmem:s17], [sflag:$0x1] =	stream.indirect_vreg.gather [hbm4b:s3+s2], $0x80, v3, vm0, $0xb8;
	[tilespmem:$0x8080] =	vst v63  }
0x193: {  	_ = 	snop  }
0x194: {  	[tilespmem:s18], [sflag:$0x1] =	stream.indirect_vreg.gather [hbm4b:s4+s2], $0x80, v3, vm0, $0xb8;
	[tilespmem:$0x8080] =	vst v63  }
0x195: {  	v3 =	vld [tilespmem:$0x10];
	_ =	sdelay $0x4  }
0x196: {  	v53 =	vshll.u32 v3, $0x2  }
0x197: {  	v3 =	vand.u32 $0x7, v3;
	v4 =	vand.u32 $0xFFFFFFE0, v53  }
0x198: {  	v3 =	vor.u32 v3, v4  }
0x199: {  	v4 =	vperm.xlane v3, v0;
	_ =	sdelay $0x1  }
0x19a: {  	v4 =	vadd.s32 v1, v4;
	_ =	sdelay $0x1  }
0x19b: {  	v3 =	vperm.xlane v3, v2;
	_ =	sdelay $0x1  }
0x19c: {  	v3 =	vadd.s32 v1, v3  }
0x19d: {  	[tilespmem:s19], [sflag:$0x1] =	stream.indirect_vreg.gather [hbm4b:s3+s2], $0x80, v4, vm0, $0xb8;
	[tilespmem:$0x8080] =	vst v63  }
0x19e: {  	_ = 	snop  }
0x19f: {  	[tilespmem:s20], [sflag:$0x1] =	stream.indirect_vreg.gather [hbm4b:s4+s2], $0x80, v4, vm0, $0xb8;
	[tilespmem:$0x8080] =	vst v63  }
0x1a0: {  	_ = 	snop  }
0x1a1: {  	[tilespmem:s21], [sflag:$0x1] =	stream.indirect_vreg.gather [hbm4b:s3+s2], $0x80, v3, vm0, $0xb8;
	[tilespmem:$0x8080] =	vst v63  }
0x1a2: {  	_ = 	snop  }
0x1a3: {  	[tilespmem:s22], [sflag:$0x1] =	stream.indirect_vreg.gather [hbm4b:s4+s2], $0x80, v3, vm0, $0xb8;
	[tilespmem:$0x8080] =	vst v63  }
0x1a4: {  	v3 =	vld [tilespmem:$0x20];
	_ =	sdelay $0x4  }
0x1a5: {  	v54 =	vshll.u32 v3, $0x2  }
0x1a6: {  	v3 =	vand.u32 $0x7, v3;
	v4 =	vand.u32 $0xFFFFFFE0, v54  }
0x1a7: {  	v3 =	vor.u32 v3, v4  }
0x1a8: {  	v4 =	vperm.xlane v3, v0;
	_ =	sdelay $0x1  }
0x1a9: {  	v4 =	vadd.s32 v1, v4;
	_ =	sdelay $0x1  }
0x1aa: {  	v3 =	vperm.xlane v3, v2;
	_ =	sdelay $0x1  }
0x1ab: {  	v3 =	vadd.s32 v1, v3  }
0x1ac: {  	[tilespmem:s23], [sflag:$0x1] =	stream.indirect_vreg.gather [hbm4b:s3+s2], $0x80, v4, vm0, $0xb8;
	[tilespmem:$0x8080] =	vst v63  }
0x1ad: {  	_ = 	snop  }
0x1ae: {  	[tilespmem:s24], [sflag:$0x1] =	stream.indirect_vreg.gather [hbm4b:s4+s2], $0x80, v4, vm0, $0xb8;
	[tilespmem:$0x8080] =	vst v63  }
0x1af: {  	_ = 	snop  }
0x1b0: {  	[tilespmem:s25], [sflag:$0x1] =	stream.indirect_vreg.gather [hbm4b:s3+s2], $0x80, v3, vm0, $0xb8;
	[tilespmem:$0x8080] =	vst v63  }
0x1b1: {  	_ = 	snop  }
0x1b2: {  	[tilespmem:s26], [sflag:$0x1] =	stream.indirect_vreg.gather [hbm4b:s4+s2], $0x80, v3, vm0, $0xb8;
	[tilespmem:$0x8080] =	vst v63  }
0x1b3: {  	v3 =	vld [tilespmem:$0x30];
	_ =	sdelay $0x4  }
0x1b4: {  	v55 =	vshll.u32 v3, $0x2  }
0x1b5: {  	v3 =	vand.u32 $0x7, v3;
	v4 =	vand.u32 $0xFFFFFFE0, v55  }
0x1b6: {  	v3 =	vor.u32 v3, v4  }
0x1b7: {  	v4 =	vperm.xlane v3, v0;
	_ =	sdelay $0x1  }
0x1b8: {  	v4 =	vadd.s32 v1, v4;
	_ =	sdelay $0x1  }
0x1b9: {  	v3 =	vperm.xlane v3, v2;
	_ =	sdelay $0x1  }
0x1ba: {  	v3 =	vadd.s32 v1, v3  }
0x1bb: {  	[tilespmem:s28], [sflag:$0x1] =	stream.indirect_vreg.gather [hbm4b:s3+s2], $0x80, v4, vm0, $0xb8;
	[tilespmem:$0x8080] =	vst v63  }
0x1bc: {  	_ = 	snop  }
0x1bd: {  	[tilespmem:s29], [sflag:$0x1] =	stream.indirect_vreg.gather [hbm4b:s4+s2], $0x80, v4, vm0, $0xb8;
	[tilespmem:$0x8080] =	vst v63  }
0x1be: {  	_ = 	snop  }
0x1bf: {  	[tilespmem:s30], [sflag:$0x1] =	stream.indirect_vreg.gather [hbm4b:s3+s2], $0x80, v3, vm0, $0xb8;
	[tilespmem:$0x8080] =	vst v63  }
0x1c0: {  	_ = 	snop  }
0x1c1: {  	[tilespmem:s31], [sflag:$0x1] =	stream.indirect_vreg.gather [hbm4b:s4+s2], $0x80, v3, vm0, $0xb8;
	[tilespmem:$0x8080] =	vst v63  }
0x1c2: {  	_ =	swait.ge [sflag:s0], $0x8000  }
0x1c3: {  	[sflag:s0] =	ssyncset.done $0x0  }
0x1c4: {  	[sflag:s0] =	ssyncadd.s32 $0xFFFF8000  }
0x1c5: {  	[hbm4b:s8+s2] =	stream.linear.scatter [tilespmem:s15], [sflag:$0x2], $0x8000, $0x38;
	[tilespmem:$0x8080] =	vst v63  }
0x1c6: {  	_ =	swait.ge [sflag:s14], $0x8000  }
0x1c7: {  	[sflag:s14] =	ssyncset.done $0x0  }
0x1c8: {  	[sflag:s14] =	ssyncadd.s32 $0xFFFF8000  }
0x1c9: {  	[tilespmem:s2], [sflag:$0x2] =	stream.linear.gather [hbm4b:s9+s2], $0x40, $0x38;
	[tilespmem:$0x8080] =	vst v63  }
0x1ca: {  	_ =	swait.ge [sflag:s14], $0x40  }
0x1cb: {  	[sflag:s14] =	ssyncset.done $0x0  }
0x1cc: {  	[sflag:s14] =	ssyncadd.s32 $0xFFFFFFC0  }
0x1cd: {  	v3 =	vld [tilespmem:$0x0];
	_ =	sdelay $0x4  }
0x1ce: {  	v56 =	vshll.u32 v3, $0x2  }
0x1cf: {  	v3 =	vand.u32 $0x7, v3;
	v4 =	vand.u32 $0xFFFFFFE0, v56  }
0x1d0: {  	v3 =	vor.u32 v3, v4  }
0x1d1: {  	v4 =	vperm.xlane v3, v0;
	_ =	sdelay $0x1  }
0x1d2: {  	v4 =	vadd.s32 v1, v4;
	_ =	sdelay $0x1  }
0x1d3: {  	v3 =	vperm.xlane v3, v2;
	_ =	sdelay $0x1  }
0x1d4: {  	v3 =	vadd.s32 v1, v3  }
0x1d5: {  	[tilespmem:s15], [sflag:$0x1] =	stream.indirect_vreg.gather [hbm4b:s3+s2], $0x80, v4, vm0, $0xb8;
	[tilespmem:$0x8080] =	vst v63  }
0x1d6: {  	_ = 	snop  }
0x1d7: {  	[tilespmem:s16], [sflag:$0x1] =	stream.indirect_vreg.gather [hbm4b:s4+s2], $0x80, v4, vm0, $0xb8;
	[tilespmem:$0x8080] =	vst v63  }
0x1d8: {  	_ = 	snop  }
0x1d9: {  	[tilespmem:s17], [sflag:$0x1] =	stream.indirect_vreg.gather [hbm4b:s3+s2], $0x80, v3, vm0, $0xb8;
	[tilespmem:$0x8080] =	vst v63  }
0x1da: {  	_ = 	snop  }
0x1db: {  	[tilespmem:s18], [sflag:$0x1] =	stream.indirect_vreg.gather [hbm4b:s4+s2], $0x80, v3, vm0, $0xb8;
	[tilespmem:$0x8080] =	vst v63  }
0x1dc: {  	v3 =	vld [tilespmem:$0x10];
	_ =	sdelay $0x4  }
0x1dd: {  	v57 =	vshll.u32 v3, $0x2  }
0x1de: {  	v3 =	vand.u32 $0x7, v3;
	v4 =	vand.u32 $0xFFFFFFE0, v57  }
0x1df: {  	v3 =	vor.u32 v3, v4  }
0x1e0: {  	v4 =	vperm.xlane v3, v0;
	_ =	sdelay $0x1  }
0x1e1: {  	v4 =	vadd.s32 v1, v4;
	_ =	sdelay $0x1  }
0x1e2: {  	v3 =	vperm.xlane v3, v2;
	_ =	sdelay $0x1  }
0x1e3: {  	v3 =	vadd.s32 v1, v3  }
0x1e4: {  	[tilespmem:s19], [sflag:$0x1] =	stream.indirect_vreg.gather [hbm4b:s3+s2], $0x80, v4, vm0, $0xb8;
	[tilespmem:$0x8080] =	vst v63  }
0x1e5: {  	_ = 	snop  }
0x1e6: {  	[tilespmem:s20], [sflag:$0x1] =	stream.indirect_vreg.gather [hbm4b:s4+s2], $0x80, v4, vm0, $0xb8;
	[tilespmem:$0x8080] =	vst v63  }
0x1e7: {  	_ = 	snop  }
0x1e8: {  	[tilespmem:s21], [sflag:$0x1] =	stream.indirect_vreg.gather [hbm4b:s3+s2], $0x80, v3, vm0, $0xb8;
	[tilespmem:$0x8080] =	vst v63  }
0x1e9: {  	_ = 	snop  }
0x1ea: {  	[tilespmem:s22], [sflag:$0x1] =	stream.indirect_vreg.gather [hbm4b:s4+s2], $0x80, v3, vm0, $0xb8;
	[tilespmem:$0x8080] =	vst v63  }
0x1eb: {  	v3 =	vld [tilespmem:$0x20];
	_ =	sdelay $0x4  }
0x1ec: {  	v58 =	vshll.u32 v3, $0x2  }
0x1ed: {  	v3 =	vand.u32 $0x7, v3;
	v4 =	vand.u32 $0xFFFFFFE0, v58  }
0x1ee: {  	v3 =	vor.u32 v3, v4  }
0x1ef: {  	v4 =	vperm.xlane v3, v0;
	_ =	sdelay $0x1  }
0x1f0: {  	v4 =	vadd.s32 v1, v4;
	_ =	sdelay $0x1  }
0x1f1: {  	v3 =	vperm.xlane v3, v2;
	_ =	sdelay $0x1  }
0x1f2: {  	v3 =	vadd.s32 v1, v3  }
0x1f3: {  	[tilespmem:s23], [sflag:$0x1] =	stream.indirect_vreg.gather [hbm4b:s3+s2], $0x80, v4, vm0, $0xb8;
	[tilespmem:$0x8080] =	vst v63  }
0x1f4: {  	_ = 	snop  }
0x1f5: {  	[tilespmem:s24], [sflag:$0x1] =	stream.indirect_vreg.gather [hbm4b:s4+s2], $0x80, v4, vm0, $0xb8;
	[tilespmem:$0x8080] =	vst v63  }
0x1f6: {  	_ = 	snop  }
0x1f7: {  	[tilespmem:s25], [sflag:$0x1] =	stream.indirect_vreg.gather [hbm4b:s3+s2], $0x80, v3, vm0, $0xb8;
	[tilespmem:$0x8080] =	vst v63  }
0x1f8: {  	_ = 	snop  }
0x1f9: {  	[tilespmem:s26], [sflag:$0x1] =	stream.indirect_vreg.gather [hbm4b:s4+s2], $0x80, v3, vm0, $0xb8;
	[tilespmem:$0x8080] =	vst v63  }
0x1fa: {  	v3 =	vld [tilespmem:$0x30];
	_ =	sdelay $0x4  }
0x1fb: {  	v59 =	vshll.u32 v3, $0x2  }
0x1fc: {  	v3 =	vand.u32 $0x7, v3;
	v4 =	vand.u32 $0xFFFFFFE0, v59  }
0x1fd: {  	v3 =	vor.u32 v3, v4  }
0x1fe: {  	v4 =	vperm.xlane v3, v0;
	_ =	sdelay $0x1  }
0x1ff: {  	v4 =	vadd.s32 v1, v4;
	_ =	sdelay $0x1  }
0x200: {  	v3 =	vperm.xlane v3, v2;
	_ =	sdelay $0x1  }
0x201: {  	v3 =	vadd.s32 v1, v3  }
0x202: {  	[tilespmem:s28], [sflag:$0x1] =	stream.indirect_vreg.gather [hbm4b:s3+s2], $0x80, v4, vm0, $0xb8;
	[tilespmem:$0x8080] =	vst v63  }
0x203: {  	_ = 	snop  }
0x204: {  	[tilespmem:s29], [sflag:$0x1] =	stream.indirect_vreg.gather [hbm4b:s4+s2], $0x80, v4, vm0, $0xb8;
	[tilespmem:$0x8080] =	vst v63  }
0x205: {  	_ = 	snop  }
0x206: {  	[tilespmem:s30], [sflag:$0x1] =	stream.indirect_vreg.gather [hbm4b:s3+s2], $0x80, v3, vm0, $0xb8;
	[tilespmem:$0x8080] =	vst v63  }
0x207: {  	_ = 	snop  }
0x208: {  	[tilespmem:s31], [sflag:$0x1] =	stream.indirect_vreg.gather [hbm4b:s4+s2], $0x80, v3, vm0, $0xb8;
	[tilespmem:$0x8080] =	vst v63  }
0x209: {  	_ =	swait.ge [sflag:s0], $0x8000  }
0x20a: {  	[sflag:s0] =	ssyncset.done $0x0  }
0x20b: {  	[sflag:s0] =	ssyncadd.s32 $0xFFFF8000  }
0x20c: {  	[hbm4b:s10+s2] =	stream.linear.scatter [tilespmem:s15], [sflag:$0x2], $0x8000, $0x38;
	[tilespmem:$0x8080] =	vst v63  }
0x20d: {  	_ =	swait.ge [sflag:s14], $0x8000  }
0x20e: {  	[sflag:s14] =	ssyncset.done $0x0  }
0x20f: {  	[sflag:s14] =	ssyncadd.s32 $0xFFFF8000  }
0x210: {  	[tilespmem:s2], [sflag:$0x2] =	stream.linear.gather [hbm4b:s11+s2], $0x40, $0x38;
	[tilespmem:$0x8080] =	vst v63  }
0x211: {  	_ =	swait.ge [sflag:s14], $0x40  }
0x212: {  	[sflag:s14] =	ssyncset.done $0x0  }
0x213: {  	[sflag:s14] =	ssyncadd.s32 $0xFFFFFFC0  }
0x214: {  	v3 =	vld [tilespmem:$0x0];
	_ =	sdelay $0x4  }
0x215: {  	v60 =	vshll.u32 v3, $0x2  }
0x216: {  	v3 =	vand.u32 $0x7, v3;
	v4 =	vand.u32 $0xFFFFFFE0, v60  }
0x217: {  	v3 =	vor.u32 v3, v4  }
0x218: {  	v4 =	vperm.xlane v3, v0;
	_ =	sdelay $0x1  }
0x219: {  	v4 =	vadd.s32 v1, v4;
	_ =	sdelay $0x1  }
0x21a: {  	v3 =	vperm.xlane v3, v2;
	_ =	sdelay $0x1  }
0x21b: {  	v3 =	vadd.s32 v1, v3  }
0x21c: {  	[tilespmem:s15], [sflag:$0x1] =	stream.indirect_vreg.gather [hbm4b:s3+s2], $0x80, v4, vm0, $0xb8;
	[tilespmem:$0x8080] =	vst v63  }
0x21d: {  	_ = 	snop  }
0x21e: {  	[tilespmem:s16], [sflag:$0x1] =	stream.indirect_vreg.gather [hbm4b:s4+s2], $0x80, v4, vm0, $0xb8;
	[tilespmem:$0x8080] =	vst v63  }
0x21f: {  	_ = 	snop  }
0x220: {  	[tilespmem:s17], [sflag:$0x1] =	stream.indirect_vreg.gather [hbm4b:s3+s2], $0x80, v3, vm0, $0xb8;
	[tilespmem:$0x8080] =	vst v63  }
0x221: {  	_ = 	snop  }
0x222: {  	[tilespmem:s18], [sflag:$0x1] =	stream.indirect_vreg.gather [hbm4b:s4+s2], $0x80, v3, vm0, $0xb8;
	[tilespmem:$0x8080] =	vst v63  }
0x223: {  	v3 =	vld [tilespmem:$0x10];
	_ =	sdelay $0x4  }
0x224: {  	v61 =	vshll.u32 v3, $0x2  }
0x225: {  	v3 =	vand.u32 $0x7, v3;
	v4 =	vand.u32 $0xFFFFFFE0, v61  }
0x226: {  	v3 =	vor.u32 v3, v4  }
0x227: {  	v4 =	vperm.xlane v3, v0;
	_ =	sdelay $0x1  }
0x228: {  	v4 =	vadd.s32 v1, v4;
	_ =	sdelay $0x1  }
0x229: {  	v3 =	vperm.xlane v3, v2;
	_ =	sdelay $0x1  }
0x22a: {  	v3 =	vadd.s32 v1, v3  }
0x22b: {  	[tilespmem:s19], [sflag:$0x1] =	stream.indirect_vreg.gather [hbm4b:s3+s2], $0x80, v4, vm0, $0xb8;
	[tilespmem:$0x8080] =	vst v63  }
0x22c: {  	_ = 	snop  }
0x22d: {  	[tilespmem:s20], [sflag:$0x1] =	stream.indirect_vreg.gather [hbm4b:s4+s2], $0x80, v4, vm0, $0xb8;
	[tilespmem:$0x8080] =	vst v63  }
0x22e: {  	_ = 	snop  }
0x22f: {  	[tilespmem:s21], [sflag:$0x1] =	stream.indirect_vreg.gather [hbm4b:s3+s2], $0x80, v3, vm0, $0xb8;
	[tilespmem:$0x8080] =	vst v63  }
0x230: {  	_ = 	snop  }
0x231: {  	[tilespmem:s22], [sflag:$0x1] =	stream.indirect_vreg.gather [hbm4b:s4+s2], $0x80, v3, vm0, $0xb8;
	[tilespmem:$0x8080] =	vst v63  }
0x232: {  	v3 =	vld [tilespmem:$0x20];
	_ =	sdelay $0x4  }
0x233: {  	v62 =	vshll.u32 v3, $0x2  }
0x234: {  	v3 =	vand.u32 $0x7, v3;
	v4 =	vand.u32 $0xFFFFFFE0, v62  }
0x235: {  	v3 =	vor.u32 v3, v4  }
0x236: {  	v4 =	vperm.xlane v3, v0;
	_ =	sdelay $0x1  }
0x237: {  	v4 =	vadd.s32 v1, v4;
	_ =	sdelay $0x1  }
0x238: {  	v3 =	vperm.xlane v3, v2;
	_ =	sdelay $0x1  }
0x239: {  	v3 =	vadd.s32 v1, v3  }
0x23a: {  	[tilespmem:s23], [sflag:$0x1] =	stream.indirect_vreg.gather [hbm4b:s3+s2], $0x80, v4, vm0, $0xb8;
	[tilespmem:$0x8080] =	vst v63  }
0x23b: {  	_ = 	snop  }
0x23c: {  	[tilespmem:s24], [sflag:$0x1] =	stream.indirect_vreg.gather [hbm4b:s4+s2], $0x80, v4, vm0, $0xb8;
	[tilespmem:$0x8080] =	vst v63  }
0x23d: {  	_ = 	snop  }
0x23e: {  	[tilespmem:s25], [sflag:$0x1] =	stream.indirect_vreg.gather [hbm4b:s3+s2], $0x80, v3, vm0, $0xb8;
	[tilespmem:$0x8080] =	vst v63  }
0x23f: {  	_ = 	snop  }
0x240: {  	[tilespmem:s26], [sflag:$0x1] =	stream.indirect_vreg.gather [hbm4b:s4+s2], $0x80, v3, vm0, $0xb8;
	[tilespmem:$0x8080] =	vst v63  }
0x241: {  	v3 =	vld [tilespmem:$0x30];
	_ =	sdelay $0x4  }
0x242: {  	v63 =	vshll.u32 v3, $0x2  }
0x243: {  	v3 =	vand.u32 $0x7, v3;
	v4 =	vand.u32 $0xFFFFFFE0, v63  }
0x244: {  	v3 =	vor.u32 v3, v4  }
0x245: {  	v4 =	vperm.xlane v3, v0;
	_ =	sdelay $0x1  }
0x246: {  	v4 =	vadd.s32 v1, v4;
	_ =	sdelay $0x1  }
0x247: {  	v3 =	vperm.xlane v3, v2;
	_ =	sdelay $0x1  }
0x248: {  	v3 =	vadd.s32 v1, v3  }
0x249: {  	[tilespmem:s28], [sflag:$0x1] =	stream.indirect_vreg.gather [hbm4b:s3+s2], $0x80, v4, vm0, $0xb8;
	[tilespmem:$0x8080] =	vst v63  }
0x24a: {  	_ = 	snop  }
0x24b: {  	[tilespmem:s29], [sflag:$0x1] =	stream.indirect_vreg.gather [hbm4b:s4+s2], $0x80, v4, vm0, $0xb8;
	[tilespmem:$0x8080] =	vst v63  }
0x24c: {  	_ = 	snop  }
0x24d: {  	[tilespmem:s30], [sflag:$0x1] =	stream.indirect_vreg.gather [hbm4b:s3+s2], $0x80, v3, vm0, $0xb8;
	[tilespmem:$0x8080] =	vst v63  }
0x24e: {  	_ = 	snop  }
0x24f: {  	[tilespmem:s31], [sflag:$0x1] =	stream.indirect_vreg.gather [hbm4b:s4+s2], $0x80, v3, vm0, $0xb8;
	[tilespmem:$0x8080] =	vst v63  }
0x250: {  	_ =	swait.ge [sflag:s0], $0x8000  }
0x251: {  	p0 =	sne.s32 s13, $0x1;
	[sflag:s0] =	ssyncset.done $0x0  }
.Ltmp0:
0x252: {  	[sflag:s0] =	ssyncadd.s32 $0xFFFF8000;
	(pc) =	sbr.rel @p0 .LBB2_1-.Ltmp0, $4  }
0x253: {  	[hbm4b:s12+s2] =	stream.linear.scatter [tilespmem:s15], [sflag:$0x2], $0x8000, $0x38;
	[tilespmem:$0x8080] =	vst v63  }
0x254: {  	_ =	swait.ge [sflag:s14], $0x8000  }
0x255: {  	[sflag:s14] =	ssyncset.done $0x0  }
0x256: {  	s13 =	sadd.s32 $0xFFFFFFFF, s13;
	[sflag:s14] =	ssyncadd.s32 $0xFFFF8000  }
0x257: {  	_ =	sfence.sel $0x180000  }
0x258: {  	[bflag:$0x0] =	sbarrier.arrive $0xFFFF  }
0x259: {  	_ =	strace $0x90000047  }
0x25a: {  	s0 =	stileid.u32;
	[bflag:$0x2] =	sbarrier.arrive $0xFFFF  }
0x25b: {  	p0 =	sne.s32 s0, $0x0;
	s0 =	rddreg [dreg:$0x2]  }
0x25c: {  	s0 =	sadd.s32 @!p0 $0x100000, s0  }
0x25d: {  	[sflag:s0] =	ssyncadd.tile.s32 @!p0 $0x1;
	_ =	shalt  }
.Lfunc_end2:
_tile_overlayer_lowered:
.L_overlay_start_2:
0x25e: {  	(tag) =	ssettag $0x2  }
0x25f: {  	s0 =	rddreg [dreg:$0x0];
	s2 =	stileid.u32  }
0x260: {  	s1 =	rddreg [dreg:$0x1];
	p0 =	sne.s32 s2, $0x0  }
0x261: {  	s3 =	rddreg [dreg:$0x2];
	[bflag:$0x3] =	sbarrier.arrive $0xFFFF;
	s2 =	simm.s32 @!p0 $0x1C02  }
0x262: {  	[timem:s3], [sflag:s2] =	dma.local @!p0 [hbm:s0], s1  }
0x263: {  	s0 =	simm.s32 @!p0 $0x2  }
0x264: {  	_ =	swait.ge @!p0 [sflag:s0], s1  }
0x265: {  	s1 =	ssub.s32 @!p0 $0x0, s1;
	[sflag:s0] =	ssyncset.done @!p0 $0x0  }
0x266: {  	[sflag:s0] =	ssyncadd.s32 @!p0 s1  }
0x267: {  	[bflag:$0x3] =	sbarrier.arrive $0xFFFF  }
0x268: {  	_ =	shalt  }

</sc_bundles>
